<compile_context>
chip_gen: v7x
topology: tpu7x:2x2x1
jax: 0.10.2.dev20260603
libtpu: 0.0.44.dev20260713+nightly
codegen_flags: <defaults>
</compile_context>

<pallas_src>
import functools
import numpy as np
import jax
import jax.numpy as jnp
from jax import lax
from jax.experimental import pallas as pl
from jax.experimental.pallas import tpu as pltpu
from jax.experimental.pallas import tpu_sc as plsc

_CH = 64
_G = 32
_R = 32
_N = 8192
_EPS = 1e-5
_MB = 1024

_OFFS = [(dx, dy, dz) for dx in (-1, 0, 1) for dy in (-1, 0, 1) for dz in (-1, 0, 1)]
_SUB = np.array([[0, 0, 0], [0, 0, 1], [0, 1, 0], [0, 1, 1],
                 [1, 0, 0], [1, 0, 1], [1, 1, 0], [1, 1, 1]], dtype=np.int32)


def _build_maps():
    M1 = np.zeros((27, 8, 27), np.float32)
    M2 = np.zeros((27, 8, 27, 8), np.float32)
    for k, d in enumerate(_OFFS):
        d = np.array(d)
        for s in range(8):
            t = _SUB[s] + d
            e = np.floor_divide(t, 2)
            q = t & 1
            eidx = (e[0] + 1) * 9 + (e[1] + 1) * 3 + (e[2] + 1)
            qidx = q[0] * 4 + q[1] * 2 + q[2]
            M1[k, s, eidx] = 1.0
            M2[k, s, eidx, qidx] = 1.0
    return M1, M2


_M1, _M2 = _build_maps()
_GM64 = np.kron(np.eye(_G, dtype=np.float32),
                np.ones((_CH // _G, _CH // _G), np.float32))
_GM512 = np.tile(_GM64, (8, 8))



def _gn1_body(f_ref, g_ref, b_ref, gm_ref, o_ref):
    f = f_ref[...]
    s1 = jnp.sum(f, axis=0, keepdims=True)
    s2 = jnp.sum(f * f, axis=0, keepdims=True)
    t1 = jnp.dot(s1, gm_ref[...], preferred_element_type=jnp.float32)
    t2 = jnp.dot(s2, gm_ref[...], preferred_element_type=jnp.float32)
    n = 2.0 * f.shape[0]
    mean = t1 / n
    var = t2 / n - mean * mean
    y = (f - mean) * lax.rsqrt(var + _EPS) * g_ref[...] + b_ref[...]
    sy = y * jax.nn.sigmoid(y)
    wide = jnp.concatenate([sy, jnp.zeros_like(sy)], axis=1)
    o_ref[...] = jnp.concatenate(
        [wide, jnp.zeros((_TROWS - _N, 2 * _CH), jnp.float32)], axis=0)


def _gn1_silu(feats, gamma, beta):
    return pl.pallas_call(
        _gn1_body,
        out_shape=jax.ShapeDtypeStruct((_TROWS, 2 * _CH), jnp.float32),
    )(feats, gamma.reshape(1, _CH), beta.reshape(1, _CH), jnp.asarray(_GM64))


def _conv1_body(g1_ref, w_ref, b_ref, o_ref, st_ref):
    acc = jnp.dot(g1_ref[...], w_ref[...], preferred_element_type=jnp.float32)
    acc = acc + b_ref[...]
    o_ref[...] = acc
    s1 = jnp.sum(acc, axis=0, keepdims=True)
    s2 = jnp.sum(acc * acc, axis=0, keepdims=True)
    st = jnp.concatenate([s1, s2], axis=0)

    @pl.when(pl.program_id(0) == 0)
    def _():
        st_ref[...] = st

    @pl.when(pl.program_id(0) != 0)
    def _():
        st_ref[...] += st


def _conv1(G1, W1big, b1t):
    grid = (_N // _MB,)
    return pl.pallas_call(
        _conv1_body,
        grid=grid,
        in_specs=[
            pl.BlockSpec((_MB, 27 * 2 * _CH), lambda m: (m, 0)),
            pl.BlockSpec((27 * 2 * _CH, 8 * _CH), lambda m: (0, 0)),
            pl.BlockSpec((1, 8 * _CH), lambda m: (0, 0)),
        ],
        out_specs=[
            pl.BlockSpec((_MB, 8 * _CH), lambda m: (m, 0)),
            pl.BlockSpec((2, 8 * _CH), lambda m: (0, 0)),
        ],
        out_shape=[
            jax.ShapeDtypeStruct((_N, 8 * _CH), jnp.float32),
            jax.ShapeDtypeStruct((2, 8 * _CH), jnp.float32),
        ],
    )(G1, W1big, b1t)


def _gn2_body(x_ref, st_ref, g_ref, b_ref, gm_ref, o_ref):
    t1 = jnp.dot(st_ref[0:1, :], gm_ref[...], preferred_element_type=jnp.float32)
    t2 = jnp.dot(st_ref[1:2, :], gm_ref[...], preferred_element_type=jnp.float32)
    n = 2.0 * 8 * _N
    mean = t1 / n
    var = t2 / n - mean * mean
    x = x_ref[...]
    y = (x - mean) * lax.rsqrt(var + _EPS) * g_ref[...] + b_ref[...]
    o_ref[...] = (y * jax.nn.sigmoid(y)).astype(jnp.bfloat16)


def _gn2_silu(out1p, st, g2t, b2t):
    grid = (_N // _MB,)
    return pl.pallas_call(
        _gn2_body,
        grid=grid,
        in_specs=[
            pl.BlockSpec((_MB, 8 * _CH), lambda m: (m, 0)),
            pl.BlockSpec((2, 8 * _CH), lambda m: (0, 0)),
            pl.BlockSpec((1, 8 * _CH), lambda m: (0, 0)),
            pl.BlockSpec((1, 8 * _CH), lambda m: (0, 0)),
            pl.BlockSpec((8 * _CH, 8 * _CH), lambda m: (0, 0)),
        ],
        out_specs=pl.BlockSpec((_MB, 8 * _CH), lambda m: (m, 0)),
        out_shape=jax.ShapeDtypeStruct((_N, 8 * _CH), jnp.bfloat16),
    )(out1p, st, g2t, b2t, jnp.asarray(_GM512))


def _conv2_body(g2_ref, w_ref, f_ref, b_ref, o_ref):
    k = pl.program_id(1)

    @pl.when(k == 0)
    def _():
        f = f_ref[...]
        o_ref[...] = jnp.concatenate([f] * 8, axis=1) + b_ref[...]

    o_ref[...] += jnp.dot(g2_ref[...], w_ref[...],
                          preferred_element_type=jnp.float32)


def _conv2_skip(G2, W2big, feats, b2t):
    grid = (_N // _MB, 27)
    return pl.pallas_call(
        _conv2_body,
        grid=grid,
        in_specs=[
            pl.BlockSpec((_MB, 8 * _CH), lambda m, k: (m, k)),
            pl.BlockSpec((8 * _CH, 8 * _CH), lambda m, k: (k, 0)),
            pl.BlockSpec((_MB, _CH), lambda m, k: (m, 0)),
            pl.BlockSpec((1, 8 * _CH), lambda m, k: (0, 0)),
        ],
        out_specs=pl.BlockSpec((_MB, 8 * _CH), lambda m, k: (m, 0)),
        out_shape=jax.ShapeDtypeStruct((_N, 8 * _CH), jnp.float32),
    )(G2, W2big, feats, b2t)



_NW = 32
_PPW = _N // _NW
_IPW = _PPW * 27
_CHROWS = 128
_TROWS = 8320


def _sc_index(coordsT):
    mesh = plsc.VectorSubcoreMesh(core_axis_name="c", subcore_axis_name="s")

    @functools.partial(
        pl.kernel,
        out_type=jax.ShapeDtypeStruct((_N * 27,), jnp.int32),
        mesh=mesh,
        compiler_params=pltpu.CompilerParams(needs_layout_passes=False),
        scratch_types=[
            pltpu.VMEM((_N,), jnp.int32),
            pltpu.VMEM((_N,), jnp.int32),
            pltpu.VMEM((_N,), jnp.int32),
            pltpu.VMEM((_R ** 3,), jnp.int32),
            pltpu.VMEM((_IPW,), jnp.int32),
        ],
    )
    def idx_kernel(coords_hbm, nbr_hbm, cx_v, cy_v, cz_v, table_v, out_v):
        wid = lax.axis_index("s") * 2 + lax.axis_index("c")
        pltpu.sync_copy(coords_hbm.at[1], cx_v)
        pltpu.sync_copy(coords_hbm.at[2], cy_v)
        pltpu.sync_copy(coords_hbm.at[3], cz_v)
        lanes = lax.iota(jnp.int32, 16)
        neg1 = jnp.full((16,), -1, jnp.int32)

        def init_step(i, _):
            table_v[pl.ds(i * 16, 16)] = neg1
            return 0

        lax.fori_loop(0, _R ** 3 // 16, init_step, 0)

        def scat_step(j, _):
            cx = cx_v[pl.ds(j * 16, 16)]
            cy = cy_v[pl.ds(j * 16, 16)]
            cz = cz_v[pl.ds(j * 16, 16)]
            lin = (cx * _R + cy) * _R + cz
            plsc.store_scatter(table_v, [lin], lanes + j * 16)
            return 0

        lax.fori_loop(0, _N // 16, scat_step, 0)

        def nbr_step(v, _):
            base = wid * _PPW + v * 16
            px = cx_v[pl.ds(base, 16)]
            py = cy_v[pl.ds(base, 16)]
            pz = cz_v[pl.ds(base, 16)]
            locs = lanes + v * 16
            for e, (dx, dy, dz) in enumerate(_OFFS):
                nx, ny, nz = px + dx, py + dy, pz + dz
                valid = ((nx >= 0) & (nx < _R) & (ny >= 0) & (ny < _R)
                         & (nz >= 0) & (nz < _R))
                nlin = jnp.clip((nx * _R + ny) * _R + nz, 0, _R ** 3 - 1)
                idx = plsc.load_gather(table_v, [nlin])
                res = jnp.where(valid & (idx >= 0), idx, _N)
                plsc.store_scatter(out_v, [locs * 27 + e], res)
            return 0

        lax.fori_loop(0, _PPW // 16, nbr_step, 0)
        pltpu.sync_copy(out_v, nbr_hbm.at[pl.ds(wid * _IPW, _IPW)])

    return idx_kernel(coordsT)


def _sc_gather_spmem(table, nbr):
    mesh = plsc.VectorSubcoreMesh(core_axis_name="c", subcore_axis_name="s")

    @functools.partial(
        pl.kernel,
        out_type=jax.ShapeDtypeStruct((_N * 27, 2 * _CH), jnp.float32),
        mesh=mesh,
        compiler_params=pltpu.CompilerParams(needs_layout_passes=False),
        scratch_types=[
            pltpu.VMEM_SHARED((_TROWS, 2 * _CH), jnp.float32),
            pltpu.VMEM((_IPW,), jnp.int32),
            pltpu.VMEM((_CHROWS, 2 * _CH), jnp.float32),
            pltpu.VMEM((_CHROWS, 2 * _CH), jnp.float32),
            pltpu.SemaphoreType.DMA,
            pltpu.SemaphoreType.DMA,
            pltpu.SemaphoreType.DMA,
            pltpu.SemaphoreType.DMA,
        ],
    )
    def gather_kernel(table_hbm, nbr_hbm, out_hbm, shtab, idx_v, buf0, buf1,
                      sg0, sg1, sw0, sw1):
        cid = lax.axis_index("c")
        sid = lax.axis_index("s")
        wid = sid * 2 + cid
        stripe = _TROWS // 16
        pltpu.sync_copy(table_hbm.at[pl.ds(sid * stripe, stripe), :],
                        shtab.at[pl.ds(sid * stripe, stripe), :])
        plsc.subcore_barrier()
        base = wid * _IPW
        pltpu.sync_copy(nbr_hbm.at[pl.ds(base, _IPW)], idx_v)

        def step(i, _):
            r0 = i * 2 * _CHROWS
            r1 = r0 + _CHROWS
            cp0 = pltpu.async_copy(
                shtab.at[idx_v.at[pl.ds(r0, _CHROWS)]], buf0, sg0)
            cp1 = pltpu.async_copy(
                shtab.at[idx_v.at[pl.ds(r1, _CHROWS)]], buf1, sg1)
            cp0.wait()
            wb0 = pltpu.async_copy(
                buf0, out_hbm.at[pl.ds(base + r0, _CHROWS), :], sw0)
            cp1.wait()
            wb1 = pltpu.async_copy(
                buf1, out_hbm.at[pl.ds(base + r1, _CHROWS), :], sw1)
            wb0.wait()
            wb1.wait()
            return 0

        lax.fori_loop(0, _IPW // (2 * _CHROWS), step, 0)

    return gather_kernel(table, nbr)


def _sc_gather_split(table3, nbr):
    mesh = plsc.VectorSubcoreMesh(core_axis_name="c", subcore_axis_name="s")
    rpt = _N * 27 // 16

    @functools.partial(
        pl.kernel,
        out_type=jax.ShapeDtypeStruct((_N * 27, 2, 2 * _CH), jnp.int32),
        mesh=mesh,
        compiler_params=pltpu.CompilerParams(needs_layout_passes=False),
        scratch_types=[
            pltpu.VMEM_SHARED((_TROWS, 2 * _CH), jnp.int32),
            pltpu.VMEM((rpt,), jnp.int32),
            pltpu.VMEM((_CHROWS, 2 * _CH), jnp.int32),
            pltpu.VMEM((_CHROWS, 2 * _CH), jnp.int32),
            pltpu.SemaphoreType.DMA,
            pltpu.SemaphoreType.DMA,
            pltpu.SemaphoreType.DMA,
            pltpu.SemaphoreType.DMA,
        ],
    )
    def gather_kernel(table_hbm, nbr_hbm, out_hbm, shtab, idx_v, buf0, buf1,
                      sg0, sg1, sw0, sw1):
        cid = lax.axis_index("c")
        sid = lax.axis_index("s")
        stripe = _TROWS // 16
        pltpu.sync_copy(table_hbm.at[cid, pl.ds(sid * stripe, stripe), :],
                        shtab.at[pl.ds(sid * stripe, stripe), :])
        plsc.subcore_barrier()
        base = sid * rpt
        pltpu.sync_copy(nbr_hbm.at[pl.ds(base, rpt)], idx_v)

        def step(i, _):
            r0 = i * 2 * _CHROWS
            r1 = r0 + _CHROWS
            cp0 = pltpu.async_copy(
                shtab.at[idx_v.at[pl.ds(r0, _CHROWS)]], buf0, sg0)
            cp1 = pltpu.async_copy(
                shtab.at[idx_v.at[pl.ds(r1, _CHROWS)]], buf1, sg1)
            cp0.wait()
            wb0 = pltpu.async_copy(
                buf0, out_hbm.at[pl.ds(base + r0, _CHROWS), cid, :], sw0)
            cp1.wait()
            wb1 = pltpu.async_copy(
                buf1, out_hbm.at[pl.ds(base + r1, _CHROWS), cid, :], sw1)
            wb0.wait()
            wb1.wait()
            return 0

        lax.fori_loop(0, rpt // (2 * _CHROWS), step, 0)

    return gather_kernel(table3, nbr)



def kernel(feats, coords, gn1_g, gn1_b, W1, b1, gn2_g, gn2_b, W2, b2):
    W1e = jnp.einsum("kio,kse->eiso", W1, jnp.asarray(_M1))
    W1big = jnp.pad(W1e, ((0, 0), (0, _CH), (0, 0), (0, 0))).reshape(
        27 * 2 * _CH, 8 * _CH)
    W2big = jnp.einsum("kio,kseq->eqiso", W2, jnp.asarray(_M2)).reshape(
        27 * 8 * _CH, 8 * _CH).astype(jnp.bfloat16)
    b1t = jnp.tile(b1, 8).reshape(1, 8 * _CH)
    b2t = jnp.tile(b2, 8).reshape(1, 8 * _CH)
    g2t = jnp.tile(gn2_g, 8).reshape(1, 8 * _CH)
    bt2 = jnp.tile(gn2_b, 8).reshape(1, 8 * _CH)

    nbr = _sc_index(coords.T)

    hp_pad = _gn1_silu(feats, gn1_g, gn1_b)
    G1 = _sc_gather_spmem(hp_pad, nbr).reshape(_N, 27 * 2 * _CH)

    out1p, st = _conv1(G1, W1big, b1t)
    in2p = _gn2_silu(out1p, st, g2t, bt2)
    in2p_pad = jnp.concatenate(
        [in2p, jnp.zeros((_TROWS - _N, 8 * _CH), in2p.dtype)], 0)
    in2p_i32 = lax.bitcast_convert_type(
        in2p_pad.reshape(_TROWS, 4 * _CH, 2), jnp.int32)
    tab3 = in2p_i32.reshape(_TROWS, 2, 2 * _CH).transpose(1, 0, 2)
    G2i = _sc_gather_split(tab3, nbr).reshape(_N, 27 * 4 * _CH)
    G2 = lax.bitcast_convert_type(G2i, jnp.bfloat16).reshape(_N, 27 * 8 * _CH)

    out = _conv2_skip(G2, W2big, feats, b2t)
    h = out.reshape(_N * 8, _CH)

    base = jnp.concatenate([coords[:, :1], coords[:, 1:] * 2], 1)
    add = jnp.concatenate([jnp.zeros((8, 1), jnp.int32), jnp.asarray(_SUB)], 1)
    hc = (base[:, None, :] + add[None, :, :]).reshape(-1, 4)
    return h, hc

# --- scband reference (transcript-rebuilt; emitter-appended) ---
"""Pipeline reference for scband-sparse-subdivide-block3d-3813930959056 (READ-ONLY COPY).

The authoritative reference and input builder live on the scoring server;
editing this copy changes nothing except your own understanding.
"""

import jax, jax.numpy as jnp
import numpy as np

CH = 64
G = 32
RES_IN = 32
RES_OUT = 64
N_VOX = 8192
EPS = 1e-5

OFFSETS = [(dx, dy, dz) for dx in (-1, 0, 1) for dy in (-1, 0, 1) for dz in (-1, 0, 1)]
SUB_OFF = np.array([[0,0,0],[0,0,1],[0,1,0],[0,1,1],[1,0,0],[1,0,1],[1,1,0],[1,1,1]], dtype=np.int32)


def setup_inputs(seed: int = 0):
    key = jax.random.key(seed)
    k1, k2 = jax.random.split(key, 2)
    rng = np.random.default_rng(0)
    lin = rng.choice(RES_IN ** 3, size=N_VOX, replace=False)
    cx = lin // (RES_IN * RES_IN)
    cy = (lin // RES_IN) % RES_IN
    cz = lin % RES_IN
    coords = jnp.asarray(np.stack([np.zeros_like(cx), cx, cy, cz], axis=1).astype(np.int32))
    feats = jax.random.normal(k1, (N_VOX, CH), dtype=jnp.float32)
    W1 = jax.random.normal(k2, (27, CH, CH), dtype=jnp.float32) * 0.05
    b1 = jnp.zeros((CH,), jnp.float32)
    W2 = jnp.zeros((27, CH, CH), jnp.float32)  # zero_module on final conv
    b2 = jnp.zeros((CH,), jnp.float32)
    gn1_g = jnp.ones((CH,), jnp.float32)
    gn1_b = jnp.zeros((CH,), jnp.float32)
    gn2_g = jnp.ones((CH,), jnp.float32)
    gn2_b = jnp.zeros((CH,), jnp.float32)
    return {"feats": feats, "coords": coords, "gn1_g": gn1_g, "gn1_b": gn1_b, "W1": W1, "b1": b1, "gn2_g": gn2_g, "gn2_b": gn2_b, "W2": W2, "b2": b2}


def group_norm(f, gamma, beta):
    # SparseGroupNorm: stats per batch item over (voxels, channels_in_group); single batch here
    N, C = f.shape
    fg = f.reshape(N, G, C // G)
    mean = fg.mean(axis=(0, 2), keepdims=True)
    var = fg.var(axis=(0, 2), keepdims=True)
    fg = (fg - mean) / jnp.sqrt(var + EPS)
    return fg.reshape(N, C) * gamma + beta


def silu(x):
    return x * jax.nn.sigmoid(x)


def subdivide(feats, coords):
    # each voxel -> 8 children at doubled resolution
    base = jnp.concatenate([coords[:, :1], coords[:, 1:] * 2], axis=1)
    add = jnp.concatenate([jnp.zeros((8, 1), jnp.int32), jnp.asarray(SUB_OFF)], axis=1)
    nc = (base[:, None, :] + add[None, :, :]).reshape(-1, 4)
    nf = jnp.repeat(feats[:, None, :], 8, axis=1).reshape(-1, feats.shape[1])
    return nf, nc


def subm_conv3x3(feats, coords, W, b, R):
    # submanifold sparse conv: out coords == in coords; neighbor lookup via sorted hash keys
    N = feats.shape[0]
    key = ((coords[:, 0] * R + coords[:, 1]) * R + coords[:, 2]) * R + coords[:, 3]
    order = jnp.argsort(key)
    skey = key[order]
    out = jnp.zeros((N, W.shape[-1]), feats.dtype) + b
    for k, (dx, dy, dz) in enumerate(OFFSETS):
        nx = coords[:, 1] + dx
        ny = coords[:, 2] + dy
        nz = coords[:, 3] + dz
        valid = (nx >= 0) & (nx < R) & (ny >= 0) & (ny < R) & (nz >= 0) & (nz < R)
        nkey = ((coords[:, 0] * R + nx) * R + ny) * R + nz
        pos = jnp.clip(jnp.searchsorted(skey, nkey), 0, N - 1)
        found = valid & (skey[pos] == nkey)
        idx = order[pos]
        g = jnp.where(found[:, None], feats[idx], 0.0)
        out = out + g @ W[k]
    return out


def reference(feats, coords, gn1_g, gn1_b, W1, b1, gn2_g, gn2_b, W2, b2):
    # act_layers: GroupNorm32 + SiLU
    h = silu(group_norm(feats, gn1_g, gn1_b))
    # SparseSubdivide on both h and x
    h, hc = subdivide(h, coords)
    xs, xc = subdivide(feats, coords)
    # out_layers: conv3 -> GN -> SiLU -> zero conv3
    h = subm_conv3x3(h, hc, W1, b1, RES_OUT)
    h = silu(group_norm(h, gn2_g, gn2_b))
    h = subm_conv3x3(h, hc, W2, b2, RES_OUT)
    # skip_connection = Identity (out_channels == channels); pruning=False -> (h, None)
    h = h + xs
    return h, hc

if __name__ == "__main__":
    import jax
    _d = setup_inputs()
    print(jax.jit(kernel)(*tuple(_d.values())))

</pallas_src>

<mosaic_0001>
#map = affine_map<(d0, d1) -> (0, 0)>
#map1 = affine_map<(d0, d1) -> (0)>
module attributes {stable_mosaic.version = 14 : i64} {
  func.func @idx_kernel(%arg0: i32, %arg1: i32, %arg2: memref<4x8192xi32, #tpu.memory_space<hbm>>, %arg3: memref<221184xi32, #tpu.memory_space<hbm>>, %arg4: memref<8192xi32, #tpu.memory_space<vmem>>, %arg5: memref<8192xi32, #tpu.memory_space<vmem>>, %arg6: memref<8192xi32, #tpu.memory_space<vmem>>, %arg7: memref<32768xi32, #tpu.memory_space<vmem>>, %arg8: memref<6912xi32, #tpu.memory_space<vmem>>) attributes {dimension_semantics = [#tpu.dimension_semantics<core_parallel>, #tpu.dimension_semantics<subcore_parallel>], iteration_bounds = array<i64: 2, 16>, scalar_prefetch = 0 : i64, scratch_operands = 5 : i64, tpu.core_type = #tpu.core_type<sc_vector_subcore>, window_params = [{transform_indices = #map}, {transform_indices = #map1}]} {
    %mul3A = arith.constant 2 : i32
    %mul3A_0 = arith.muli %arg1, %mul3A : i32
    %add3A = arith.addi %mul3A_0, %arg0 : i32
    %run_scoped3A = arith.constant 1 : i32
    "tpu.region"() ({
      %run_scoped3A_26 = tpu.sem_alloc : memref<!tpu.dma_semaphore, #tpu.memory_space<semaphore_mem>>
      %dma_start3A = arith.constant 0 : i32
      %dma_start3A_27 = tpu.memref_slice %arg2[%run_scoped3A, %dma_start3A] : memref<4x8192xi32, #tpu.memory_space<hbm>> -> memref<1x8192xi32, #tpu.memory_space<hbm>>
      %dma_start3A_28 = tpu.memref_squeeze %dma_start3A_27 : memref<1x8192xi32, #tpu.memory_space<hbm>> -> memref<8192xi32, #tpu.memory_space<hbm>>
      %dma_start3A_29 = arith.constant 0 : i32
      %dma_start3A_30 = tpu.memref_slice %arg2[%run_scoped3A, %dma_start3A_29] : memref<4x8192xi32, #tpu.memory_space<hbm>> -> memref<1x8192xi32, #tpu.memory_space<hbm>>
      %dma_start3A_31 = tpu.memref_squeeze %dma_start3A_30 : memref<1x8192xi32, #tpu.memory_space<hbm>> -> memref<8192xi32, #tpu.memory_space<hbm>>
      tpu.enqueue_dma source(%dma_start3A_31 : memref<8192xi32, #tpu.memory_space<hbm>>) target(%arg4 : memref<8192xi32, #tpu.memory_space<vmem>>) target_semaphore(%run_scoped3A_26 : memref<!tpu.dma_semaphore, #tpu.memory_space<semaphore_mem>>)
      %dma_wait3A = arith.constant 0 : i32
      %dma_wait3A_32 = tpu.memref_slice %arg2[%run_scoped3A, %dma_wait3A] : memref<4x8192xi32, #tpu.memory_space<hbm>> -> memref<1x8192xi32, #tpu.memory_space<hbm>>
      %dma_wait3A_33 = tpu.memref_squeeze %dma_wait3A_32 : memref<1x8192xi32, #tpu.memory_space<hbm>> -> memref<8192xi32, #tpu.memory_space<hbm>>
      %dma_wait3A_34 = arith.constant 0 : i32
      %dma_wait3A_35 = tpu.memref_slice %arg2[%run_scoped3A, %dma_wait3A_34] : memref<4x8192xi32, #tpu.memory_space<hbm>> -> memref<1x8192xi32, #tpu.memory_space<hbm>>
      %dma_wait3A_36 = tpu.memref_squeeze %dma_wait3A_35 : memref<1x8192xi32, #tpu.memory_space<hbm>> -> memref<8192xi32, #tpu.memory_space<hbm>>
      tpu.wait_dma2 semaphore(%run_scoped3A_26 : memref<!tpu.dma_semaphore, #tpu.memory_space<semaphore_mem>>) src(%dma_wait3A_36 : memref<8192xi32, #tpu.memory_space<hbm>>) dst(%arg4 : memref<8192xi32, #tpu.memory_space<vmem>>)
      tpu.yield
    }) : () -> ()
    %run_scoped3A_1 = arith.constant 2 : i32
    "tpu.region"() ({
      %run_scoped3A_26 = tpu.sem_alloc : memref<!tpu.dma_semaphore, #tpu.memory_space<semaphore_mem>>
      %dma_start3A = arith.constant 0 : i32
      %dma_start3A_27 = tpu.memref_slice %arg2[%run_scoped3A_1, %dma_start3A] : memref<4x8192xi32, #tpu.memory_space<hbm>> -> memref<1x8192xi32, #tpu.memory_space<hbm>>
      %dma_start3A_28 = tpu.memref_squeeze %dma_start3A_27 : memref<1x8192xi32, #tpu.memory_space<hbm>> -> memref<8192xi32, #tpu.memory_space<hbm>>
      %dma_start3A_29 = arith.constant 0 : i32
      %dma_start3A_30 = tpu.memref_slice %arg2[%run_scoped3A_1, %dma_start3A_29] : memref<4x8192xi32, #tpu.memory_space<hbm>> -> memref<1x8192xi32, #tpu.memory_space<hbm>>
      %dma_start3A_31 = tpu.memref_squeeze %dma_start3A_30 : memref<1x8192xi32, #tpu.memory_space<hbm>> -> memref<8192xi32, #tpu.memory_space<hbm>>
      tpu.enqueue_dma source(%dma_start3A_31 : memref<8192xi32, #tpu.memory_space<hbm>>) target(%arg5 : memref<8192xi32, #tpu.memory_space<vmem>>) target_semaphore(%run_scoped3A_26 : memref<!tpu.dma_semaphore, #tpu.memory_space<semaphore_mem>>)
      %dma_wait3A = arith.constant 0 : i32
      %dma_wait3A_32 = tpu.memref_slice %arg2[%run_scoped3A_1, %dma_wait3A] : memref<4x8192xi32, #tpu.memory_space<hbm>> -> memref<1x8192xi32, #tpu.memory_space<hbm>>
      %dma_wait3A_33 = tpu.memref_squeeze %dma_wait3A_32 : memref<1x8192xi32, #tpu.memory_space<hbm>> -> memref<8192xi32, #tpu.memory_space<hbm>>
      %dma_wait3A_34 = arith.constant 0 : i32
      %dma_wait3A_35 = tpu.memref_slice %arg2[%run_scoped3A_1, %dma_wait3A_34] : memref<4x8192xi32, #tpu.memory_space<hbm>> -> memref<1x8192xi32, #tpu.memory_space<hbm>>
      %dma_wait3A_36 = tpu.memref_squeeze %dma_wait3A_35 : memref<1x8192xi32, #tpu.memory_space<hbm>> -> memref<8192xi32, #tpu.memory_space<hbm>>
      tpu.wait_dma2 semaphore(%run_scoped3A_26 : memref<!tpu.dma_semaphore, #tpu.memory_space<semaphore_mem>>) src(%dma_wait3A_36 : memref<8192xi32, #tpu.memory_space<hbm>>) dst(%arg5 : memref<8192xi32, #tpu.memory_space<vmem>>)
      tpu.yield
    }) : () -> ()
    %run_scoped3A_2 = arith.constant 3 : i32
    "tpu.region"() ({
      %run_scoped3A_26 = tpu.sem_alloc : memref<!tpu.dma_semaphore, #tpu.memory_space<semaphore_mem>>
      %dma_start3A = arith.constant 0 : i32
      %dma_start3A_27 = tpu.memref_slice %arg2[%run_scoped3A_2, %dma_start3A] : memref<4x8192xi32, #tpu.memory_space<hbm>> -> memref<1x8192xi32, #tpu.memory_space<hbm>>
      %dma_start3A_28 = tpu.memref_squeeze %dma_start3A_27 : memref<1x8192xi32, #tpu.memory_space<hbm>> -> memref<8192xi32, #tpu.memory_space<hbm>>
      %dma_start3A_29 = arith.constant 0 : i32
      %dma_start3A_30 = tpu.memref_slice %arg2[%run_scoped3A_2, %dma_start3A_29] : memref<4x8192xi32, #tpu.memory_space<hbm>> -> memref<1x8192xi32, #tpu.memory_space<hbm>>
      %dma_start3A_31 = tpu.memref_squeeze %dma_start3A_30 : memref<1x8192xi32, #tpu.memory_space<hbm>> -> memref<8192xi32, #tpu.memory_space<hbm>>
      tpu.enqueue_dma source(%dma_start3A_31 : memref<8192xi32, #tpu.memory_space<hbm>>) target(%arg6 : memref<8192xi32, #tpu.memory_space<vmem>>) target_semaphore(%run_scoped3A_26 : memref<!tpu.dma_semaphore, #tpu.memory_space<semaphore_mem>>)
      %dma_wait3A = arith.constant 0 : i32
      %dma_wait3A_32 = tpu.memref_slice %arg2[%run_scoped3A_2, %dma_wait3A] : memref<4x8192xi32, #tpu.memory_space<hbm>> -> memref<1x8192xi32, #tpu.memory_space<hbm>>
      %dma_wait3A_33 = tpu.memref_squeeze %dma_wait3A_32 : memref<1x8192xi32, #tpu.memory_space<hbm>> -> memref<8192xi32, #tpu.memory_space<hbm>>
      %dma_wait3A_34 = arith.constant 0 : i32
      %dma_wait3A_35 = tpu.memref_slice %arg2[%run_scoped3A_2, %dma_wait3A_34] : memref<4x8192xi32, #tpu.memory_space<hbm>> -> memref<1x8192xi32, #tpu.memory_space<hbm>>
      %dma_wait3A_36 = tpu.memref_squeeze %dma_wait3A_35 : memref<1x8192xi32, #tpu.memory_space<hbm>> -> memref<8192xi32, #tpu.memory_space<hbm>>
      tpu.wait_dma2 semaphore(%run_scoped3A_26 : memref<!tpu.dma_semaphore, #tpu.memory_space<semaphore_mem>>) src(%dma_wait3A_36 : memref<8192xi32, #tpu.memory_space<hbm>>) dst(%arg6 : memref<8192xi32, #tpu.memory_space<vmem>>)
      tpu.yield
    }) : () -> ()
    %iota3A = tpu.iota {dimensions = array<i32: 0>} : vector<16xi32>
    %broadcast_in_dim3A = arith.constant -1 : i32
    %broadcast_in_dim3A_3 = vector.broadcast %broadcast_in_dim3A : i32 to vector<16xi32>
    %scan3A = arith.constant 0 : i32
    %scan3A_4 = arith.constant 0 : i32
    %scan3A_5 = arith.constant 2048 : i32
    %scan3A_6 = arith.addi %scan3A_4, %scan3A_5 : i32
    %scan3A_7 = arith.constant 1 : i32
    %scan3A_8 = scf.for %scan3A_26 = %scan3A_4 to %scan3A_6 step %scan3A_7 iter_args(%scan3A_27 = %scan3A) -> (i32)  : i32 {
      %mul3A_28 = arith.constant 16 : i32
      %mul3A_29 = arith.muli %scan3A_26, %mul3A_28 : i32
      %swap3A = arith.index_cast %mul3A_29 : i32 to index
      %swap3A_30 = tpu.vector_load %arg7[%swap3A] {strides = array<i32>} : memref<32768xi32, #tpu.memory_space<vmem>>, vector<16xi32>,
      tpu.vector_store %arg7[%swap3A], %broadcast_in_dim3A_3 {strides = array<i32>} : memref<32768xi32, #tpu.memory_space<vmem>>, vector<16xi32>,
      %scan3A_31 = arith.constant 0 : i32
      scf.yield %scan3A_31 : i32
    }
    %scan3A_9 = arith.constant 2048 : i32
    %scan3A_10 = arith.constant 0 : i32
    %scan3A_11 = arith.constant 0 : i32
    %scan3A_12 = arith.constant 512 : i32
    %scan3A_13 = arith.addi %scan3A_11, %scan3A_12 : i32
    %scan3A_14 = arith.constant 1 : i32
    %scan3A_15 = scf.for %scan3A_26 = %scan3A_11 to %scan3A_13 step %scan3A_14 iter_args(%scan3A_27 = %scan3A_10) -> (i32)  : i32 {
      %mul3A_28 = arith.constant 16 : i32
      %mul3A_29 = arith.muli %scan3A_26, %mul3A_28 : i32
      %get3A = arith.index_cast %mul3A_29 : i32 to index
      %get3A_30 = tpu.vector_load %arg4[%get3A] {strides = array<i32>} : memref<8192xi32, #tpu.memory_space<vmem>>, vector<16xi32>,
      %mul3A_31 = arith.constant 16 : i32
      %mul3A_32 = arith.muli %scan3A_26, %mul3A_31 : i32
      %get3A_33 = arith.index_cast %mul3A_32 : i32 to index
      %get3A_34 = tpu.vector_load %arg5[%get3A_33] {strides = array<i32>} : memref<8192xi32, #tpu.memory_space<vmem>>, vector<16xi32>,
      %mul3A_35 = arith.constant 16 : i32
      %mul3A_36 = arith.muli %scan3A_26, %mul3A_35 : i32
      %get3A_37 = arith.index_cast %mul3A_36 : i32 to index
      %get3A_38 = tpu.vector_load %arg6[%get3A_37] {strides = array<i32>} : memref<8192xi32, #tpu.memory_space<vmem>>, vector<16xi32>,
      %mul3A_39 = arith.constant 32 : i32
      %mul3A_40 = vector.broadcast %mul3A_39 : i32 to vector<16xi32>
      %mul3A_41 = arith.muli %get3A_30, %mul3A_40 : vector<16xi32>
      %add3A_42 = arith.addi %mul3A_41, %get3A_34 : vector<16xi32>
      %mul3A_43 = arith.constant 32 : i32
      %mul3A_44 = vector.broadcast %mul3A_43 : i32 to vector<16xi32>
      %mul3A_45 = arith.muli %add3A_42, %mul3A_44 : vector<16xi32>
      %add3A_46 = arith.addi %mul3A_45, %get3A_38 : vector<16xi32>
      %mul3A_47 = arith.constant 16 : i32
      %mul3A_48 = arith.muli %scan3A_26, %mul3A_47 : i32
      %add3A_49 = vector.broadcast %mul3A_48 : i32 to vector<16xi32>
      %add3A_50 = arith.addi %iota3A, %add3A_49 : vector<16xi32>
      tpu.vector_store_idx %arg7[%add3A_46], %add3A_50 : memref<32768xi32, #tpu.memory_space<vmem>>[vector<16xi32>], vector<16xi32>,
      %scan3A_51 = arith.constant 0 : i32
      scf.yield %scan3A_51 : i32
    }
    %scan3A_16 = arith.constant 512 : i32
    %scan3A_17 = arith.constant 0 : i32
    %scan3A_18 = arith.constant 0 : i32
    %scan3A_19 = arith.constant 16 : i32
    %scan3A_20 = arith.addi %scan3A_18, %scan3A_19 : i32
    %scan3A_21 = arith.constant 1 : i32
    %scan3A_22 = scf.for %scan3A_26 = %scan3A_18 to %scan3A_20 step %scan3A_21 iter_args(%scan3A_27 = %scan3A_17) -> (i32)  : i32 {
      %mul3A_28 = arith.constant 256 : i32
      %mul3A_29 = arith.muli %add3A, %mul3A_28 : i32
      %mul3A_30 = arith.constant 16 : i32
      %mul3A_31 = arith.muli %scan3A_26, %mul3A_30 : i32
      %add3A_32 = arith.addi %mul3A_29, %mul3A_31 : i32
      %get3A = arith.index_cast %add3A_32 : i32 to index
      %get3A_33 = tpu.vector_load %arg4[%get3A] {strides = array<i32>} : memref<8192xi32, #tpu.memory_space<vmem>>, vector<16xi32>,
      %get3A_34 = arith.index_cast %add3A_32 : i32 to index
      %get3A_35 = tpu.vector_load %arg5[%get3A_34] {strides = array<i32>} : memref<8192xi32, #tpu.memory_space<vmem>>, vector<16xi32>,
      %get3A_36 = arith.index_cast %add3A_32 : i32 to index
      %get3A_37 = tpu.vector_load %arg6[%get3A_36] {strides = array<i32>} : memref<8192xi32, #tpu.memory_space<vmem>>, vector<16xi32>,
      %mul3A_38 = arith.constant 16 : i32
      %mul3A_39 = arith.muli %scan3A_26, %mul3A_38 : i32
      %add3A_40 = vector.broadcast %mul3A_39 : i32 to vector<16xi32>
      %add3A_41 = arith.addi %iota3A, %add3A_40 : vector<16xi32>
      %add3A_42 = arith.constant -1 : i32
      %add3A_43 = vector.broadcast %add3A_42 : i32 to vector<16xi32>
      %add3A_44 = arith.addi %get3A_33, %add3A_43 : vector<16xi32>
      %add3A_45 = arith.constant -1 : i32
      %add3A_46 = vector.broadcast %add3A_45 : i32 to vector<16xi32>
      %add3A_47 = arith.addi %get3A_35, %add3A_46 : vector<16xi32>
      %add3A_48 = arith.constant -1 : i32
      %add3A_49 = vector.broadcast %add3A_48 : i32 to vector<16xi32>
      %add3A_50 = arith.addi %get3A_37, %add3A_49 : vector<16xi32>
      %ge3A = arith.constant 0 : i32
      %ge3A_51 = vector.broadcast %ge3A : i32 to vector<16xi32>
      %ge3A_52 = arith.cmpi sge, %add3A_44, %ge3A_51 : vector<16xi32>
      %lt3A = arith.constant 32 : i32
      %lt3A_53 = vector.broadcast %lt3A : i32 to vector<16xi32>
      %lt3A_54 = arith.cmpi slt, %add3A_44, %lt3A_53 : vector<16xi32>
      %and3A = arith.andi %ge3A_52, %lt3A_54 : vector<16xi1>
      %ge3A_55 = arith.constant 0 : i32
      %ge3A_56 = vector.broadcast %ge3A_55 : i32 to vector<16xi32>
      %ge3A_57 = arith.cmpi sge, %add3A_47, %ge3A_56 : vector<16xi32>
      %and3A_58 = arith.andi %and3A, %ge3A_57 : vector<16xi1>
      %lt3A_59 = arith.constant 32 : i32
      %lt3A_60 = vector.broadcast %lt3A_59 : i32 to vector<16xi32>
      %lt3A_61 = arith.cmpi slt, %add3A_47, %lt3A_60 : vector<16xi32>
      %and3A_62 = arith.andi %and3A_58, %lt3A_61 : vector<16xi1>
      %ge3A_63 = arith.constant 0 : i32
      %ge3A_64 = vector.broadcast %ge3A_63 : i32 to vector<16xi32>
      %ge3A_65 = arith.cmpi sge, %add3A_50, %ge3A_64 : vector<16xi32>
      %and3A_66 = arith.andi %and3A_62, %ge3A_65 : vector<16xi1>
      %lt3A_67 = arith.constant 32 : i32
      %lt3A_68 = vector.broadcast %lt3A_67 : i32 to vector<16xi32>
      %lt3A_69 = arith.cmpi slt, %add3A_50, %lt3A_68 : vector<16xi32>
      %and3A_70 = arith.andi %and3A_66, %lt3A_69 : vector<16xi1>
      %mul3A_71 = arith.constant 32 : i32
      %mul3A_72 = vector.broadcast %mul3A_71 : i32 to vector<16xi32>
      %mul3A_73 = arith.muli %add3A_44, %mul3A_72 : vector<16xi32>
      %add3A_74 = arith.addi %mul3A_73, %add3A_47 : vector<16xi32>
      %mul3A_75 = arith.constant 32 : i32
      %mul3A_76 = vector.broadcast %mul3A_75 : i32 to vector<16xi32>
      %mul3A_77 = arith.muli %add3A_74, %mul3A_76 : vector<16xi32>
      %add3A_78 = arith.addi %mul3A_77, %add3A_50 : vector<16xi32>
      %jit3A = arith.constant 0 : i32
      %jit3A_79 = arith.constant 32767 : i32
      %max3A = vector.broadcast %jit3A : i32 to vector<16xi32>
      %max3A_80 = arith.maxsi %max3A, %add3A_78 : vector<16xi32>
      %min3A = vector.broadcast %jit3A_79 : i32 to vector<16xi32>
      %min3A_81 = arith.minsi %min3A, %max3A_80 : vector<16xi32>
      %gather3A = tpu.vector_load_idx %arg7[%min3A_81] : memref<32768xi32, #tpu.memory_space<vmem>>[vector<16xi32>], vector<16xi32>,
      %ge3A_82 = arith.constant 0 : i32
      %ge3A_83 = vector.broadcast %ge3A_82 : i32 to vector<16xi32>
      %ge3A_84 = arith.cmpi sge, %gather3A, %ge3A_83 : vector<16xi32>
      %and3A_85 = arith.andi %and3A_70, %ge3A_84 : vector<16xi1>
      %jit3A_86 = arith.constant 8192 : i32
      %broadcast_in_dim3A_87 = vector.broadcast %jit3A_86 : i32 to vector<16xi32>
      %select_n3A = arith.select %and3A_85, %gather3A, %broadcast_in_dim3A_87 : vector<16xi1>, vector<16xi32>
      %mul3A_88 = arith.constant 27 : i32
      %mul3A_89 = vector.broadcast %mul3A_88 : i32 to vector<16xi32>
      %mul3A_90 = arith.muli %add3A_41, %mul3A_89 : vector<16xi32>
      %add3A_91 = arith.constant 0 : i32
      %add3A_92 = vector.broadcast %add3A_91 : i32 to vector<16xi32>
      %add3A_93 = arith.addi %mul3A_90, %add3A_92 : vector<16xi32>
      tpu.vector_store_idx %arg8[%add3A_93], %select_n3A : memref<6912xi32, #tpu.memory_space<vmem>>[vector<16xi32>], vector<16xi32>,
      %add3A_94 = arith.constant -1 : i32
      %add3A_95 = vector.broadcast %add3A_94 : i32 to vector<16xi32>
      %add3A_96 = arith.addi %get3A_33, %add3A_95 : vector<16xi32>
      %add3A_97 = arith.constant -1 : i32
      %add3A_98 = vector.broadcast %add3A_97 : i32 to vector<16xi32>
      %add3A_99 = arith.addi %get3A_35, %add3A_98 : vector<16xi32>
      %add3A_100 = arith.constant 0 : i32
      %add3A_101 = vector.broadcast %add3A_100 : i32 to vector<16xi32>
      %add3A_102 = arith.addi %get3A_37, %add3A_101 : vector<16xi32>
      %ge3A_103 = arith.constant 0 : i32
      %ge3A_104 = vector.broadcast %ge3A_103 : i32 to vector<16xi32>
      %ge3A_105 = arith.cmpi sge, %add3A_96, %ge3A_104 : vector<16xi32>
      %lt3A_106 = arith.constant 32 : i32
      %lt3A_107 = vector.broadcast %lt3A_106 : i32 to vector<16xi32>
      %lt3A_108 = arith.cmpi slt, %add3A_96, %lt3A_107 : vector<16xi32>
      %and3A_109 = arith.andi %ge3A_105, %lt3A_108 : vector<16xi1>
      %ge3A_110 = arith.constant 0 : i32
      %ge3A_111 = vector.broadcast %ge3A_110 : i32 to vector<16xi32>
      %ge3A_112 = arith.cmpi sge, %add3A_99, %ge3A_111 : vector<16xi32>
      %and3A_113 = arith.andi %and3A_109, %ge3A_112 : vector<16xi1>
      %lt3A_114 = arith.constant 32 : i32
      %lt3A_115 = vector.broadcast %lt3A_114 : i32 to vector<16xi32>
      %lt3A_116 = arith.cmpi slt, %add3A_99, %lt3A_115 : vector<16xi32>
      %and3A_117 = arith.andi %and3A_113, %lt3A_116 : vector<16xi1>
      %ge3A_118 = arith.constant 0 : i32
      %ge3A_119 = vector.broadcast %ge3A_118 : i32 to vector<16xi32>
      %ge3A_120 = arith.cmpi sge, %add3A_102, %ge3A_119 : vector<16xi32>
      %and3A_121 = arith.andi %and3A_117, %ge3A_120 : vector<16xi1>
      %lt3A_122 = arith.constant 32 : i32
      %lt3A_123 = vector.broadcast %lt3A_122 : i32 to vector<16xi32>
      %lt3A_124 = arith.cmpi slt, %add3A_102, %lt3A_123 : vector<16xi32>
      %and3A_125 = arith.andi %and3A_121, %lt3A_124 : vector<16xi1>
      %mul3A_126 = arith.constant 32 : i32
      %mul3A_127 = vector.broadcast %mul3A_126 : i32 to vector<16xi32>
      %mul3A_128 = arith.muli %add3A_96, %mul3A_127 : vector<16xi32>
      %add3A_129 = arith.addi %mul3A_128, %add3A_99 : vector<16xi32>
      %mul3A_130 = arith.constant 32 : i32
      %mul3A_131 = vector.broadcast %mul3A_130 : i32 to vector<16xi32>
      %mul3A_132 = arith.muli %add3A_129, %mul3A_131 : vector<16xi32>
      %add3A_133 = arith.addi %mul3A_132, %add3A_102 : vector<16xi32>
      %jit3A_134 = arith.constant 0 : i32
      %jit3A_135 = arith.constant 32767 : i32
      %max3A_136 = vector.broadcast %jit3A_134 : i32 to vector<16xi32>
      %max3A_137 = arith.maxsi %max3A_136, %add3A_133 : vector<16xi32>
      %min3A_138 = vector.broadcast %jit3A_135 : i32 to vector<16xi32>
      %min3A_139 = arith.minsi %min3A_138, %max3A_137 : vector<16xi32>
      %gather3A_140 = tpu.vector_load_idx %arg7[%min3A_139] : memref<32768xi32, #tpu.memory_space<vmem>>[vector<16xi32>], vector<16xi32>,
      %ge3A_141 = arith.constant 0 : i32
      %ge3A_142 = vector.broadcast %ge3A_141 : i32 to vector<16xi32>
      %ge3A_143 = arith.cmpi sge, %gather3A_140, %ge3A_142 : vector<16xi32>
      %and3A_144 = arith.andi %and3A_125, %ge3A_143 : vector<16xi1>
      %jit3A_145 = arith.constant 8192 : i32
      %broadcast_in_dim3A_146 = vector.broadcast %jit3A_145 : i32 to vector<16xi32>
      %select_n3A_147 = arith.select %and3A_144, %gather3A_140, %broadcast_in_dim3A_146 : vector<16xi1>, vector<16xi32>
      %mul3A_148 = arith.constant 27 : i32
      %mul3A_149 = vector.broadcast %mul3A_148 : i32 to vector<16xi32>
      %mul3A_150 = arith.muli %add3A_41, %mul3A_149 : vector<16xi32>
      %add3A_151 = arith.constant 1 : i32
      %add3A_152 = vector.broadcast %add3A_151 : i32 to vector<16xi32>
      %add3A_153 = arith.addi %mul3A_150, %add3A_152 : vector<16xi32>
      tpu.vector_store_idx %arg8[%add3A_153], %select_n3A_147 : memref<6912xi32, #tpu.memory_space<vmem>>[vector<16xi32>], vector<16xi32>,
      %add3A_154 = arith.constant -1 : i32
      %add3A_155 = vector.broadcast %add3A_154 : i32 to vector<16xi32>
      %add3A_156 = arith.addi %get3A_33, %add3A_155 : vector<16xi32>
      %add3A_157 = arith.constant -1 : i32
      %add3A_158 = vector.broadcast %add3A_157 : i32 to vector<16xi32>
      %add3A_159 = arith.addi %get3A_35, %add3A_158 : vector<16xi32>
      %add3A_160 = arith.constant 1 : i32
      %add3A_161 = vector.broadcast %add3A_160 : i32 to vector<16xi32>
      %add3A_162 = arith.addi %get3A_37, %add3A_161 : vector<16xi32>
      %ge3A_163 = arith.constant 0 : i32
      %ge3A_164 = vector.broadcast %ge3A_163 : i32 to vector<16xi32>
      %ge3A_165 = arith.cmpi sge, %add3A_156, %ge3A_164 : vector<16xi32>
      %lt3A_166 = arith.constant 32 : i32
      %lt3A_167 = vector.broadcast %lt3A_166 : i32 to vector<16xi32>
      %lt3A_168 = arith.cmpi slt, %add3A_156, %lt3A_167 : vector<16xi32>
      %and3A_169 = arith.andi %ge3A_165, %lt3A_168 : vector<16xi1>
      %ge3A_170 = arith.constant 0 : i32
      %ge3A_171 = vector.broadcast %ge3A_170 : i32 to vector<16xi32>
      %ge3A_172 = arith.cmpi sge, %add3A_159, %ge3A_171 : vector<16xi32>
      %and3A_173 = arith.andi %and3A_169, %ge3A_172 : vector<16xi1>
      %lt3A_174 = arith.constant 32 : i32
      %lt3A_175 = vector.broadcast %lt3A_174 : i32 to vector<16xi32>
      %lt3A_176 = arith.cmpi slt, %add3A_159, %lt3A_175 : vector<16xi32>
      %and3A_177 = arith.andi %and3A_173, %lt3A_176 : vector<16xi1>
      %ge3A_178 = arith.constant 0 : i32
      %ge3A_179 = vector.broadcast %ge3A_178 : i32 to vector<16xi32>
      %ge3A_180 = arith.cmpi sge, %add3A_162, %ge3A_179 : vector<16xi32>
      %and3A_181 = arith.andi %and3A_177, %ge3A_180 : vector<16xi1>
      %lt3A_182 = arith.constant 32 : i32
      %lt3A_183 = vector.broadcast %lt3A_182 : i32 to vector<16xi32>
      %lt3A_184 = arith.cmpi slt, %add3A_162, %lt3A_183 : vector<16xi32>
      %and3A_185 = arith.andi %and3A_181, %lt3A_184 : vector<16xi1>
      %mul3A_186 = arith.constant 32 : i32
      %mul3A_187 = vector.broadcast %mul3A_186 : i32 to vector<16xi32>
      %mul3A_188 = arith.muli %add3A_156, %mul3A_187 : vector<16xi32>
      %add3A_189 = arith.addi %mul3A_188, %add3A_159 : vector<16xi32>
      %mul3A_190 = arith.constant 32 : i32
      %mul3A_191 = vector.broadcast %mul3A_190 : i32 to vector<16xi32>
      %mul3A_192 = arith.muli %add3A_189, %mul3A_191 : vector<16xi32>
      %add3A_193 = arith.addi %mul3A_192, %add3A_162 : vector<16xi32>
      %jit3A_194 = arith.constant 0 : i32
      %jit3A_195 = arith.constant 32767 : i32
      %max3A_196 = vector.broadcast %jit3A_194 : i32 to vector<16xi32>
      %max3A_197 = arith.maxsi %max3A_196, %add3A_193 : vector<16xi32>
      %min3A_198 = vector.broadcast %jit3A_195 : i32 to vector<16xi32>
      %min3A_199 = arith.minsi %min3A_198, %max3A_197 : vector<16xi32>
      %gather3A_200 = tpu.vector_load_idx %arg7[%min3A_199] : memref<32768xi32, #tpu.memory_space<vmem>>[vector<16xi32>], vector<16xi32>,
      %ge3A_201 = arith.constant 0 : i32
      %ge3A_202 = vector.broadcast %ge3A_201 : i32 to vector<16xi32>
      %ge3A_203 = arith.cmpi sge, %gather3A_200, %ge3A_202 : vector<16xi32>
      %and3A_204 = arith.andi %and3A_185, %ge3A_203 : vector<16xi1>
      %jit3A_205 = arith.constant 8192 : i32
      %broadcast_in_dim3A_206 = vector.broadcast %jit3A_205 : i32 to vector<16xi32>
      %select_n3A_207 = arith.select %and3A_204, %gather3A_200, %broadcast_in_dim3A_206 : vector<16xi1>, vector<16xi32>
      %mul3A_208 = arith.constant 27 : i32
      %mul3A_209 = vector.broadcast %mul3A_208 : i32 to vector<16xi32>
      %mul3A_210 = arith.muli %add3A_41, %mul3A_209 : vector<16xi32>
      %add3A_211 = arith.constant 2 : i32
      %add3A_212 = vector.broadcast %add3A_211 : i32 to vector<16xi32>
      %add3A_213 = arith.addi %mul3A_210, %add3A_212 : vector<16xi32>
      tpu.vector_store_idx %arg8[%add3A_213], %select_n3A_207 : memref<6912xi32, #tpu.memory_space<vmem>>[vector<16xi32>], vector<16xi32>,
      %add3A_214 = arith.constant -1 : i32
      %add3A_215 = vector.broadcast %add3A_214 : i32 to vector<16xi32>
      %add3A_216 = arith.addi %get3A_33, %add3A_215 : vector<16xi32>
      %add3A_217 = arith.constant 0 : i32
      %add3A_218 = vector.broadcast %add3A_217 : i32 to vector<16xi32>
      %add3A_219 = arith.addi %get3A_35, %add3A_218 : vector<16xi32>
      %add3A_220 = arith.constant -1 : i32
      %add3A_221 = vector.broadcast %add3A_220 : i32 to vector<16xi32>
      %add3A_222 = arith.addi %get3A_37, %add3A_221 : vector<16xi32>
      %ge3A_223 = arith.constant 0 : i32
      %ge3A_224 = vector.broadcast %ge3A_223 : i32 to vector<16xi32>
      %ge3A_225 = arith.cmpi sge, %add3A_216, %ge3A_224 : vector<16xi32>
      %lt3A_226 = arith.constant 32 : i32
      %lt3A_227 = vector.broadcast %lt3A_226 : i32 to vector<16xi32>
      %lt3A_228 = arith.cmpi slt, %add3A_216, %lt3A_227 : vector<16xi32>
      %and3A_229 = arith.andi %ge3A_225, %lt3A_228 : vector<16xi1>
      %ge3A_230 = arith.constant 0 : i32
      %ge3A_231 = vector.broadcast %ge3A_230 : i32 to vector<16xi32>
      %ge3A_232 = arith.cmpi sge, %add3A_219, %ge3A_231 : vector<16xi32>
      %and3A_233 = arith.andi %and3A_229, %ge3A_232 : vector<16xi1>
      %lt3A_234 = arith.constant 32 : i32
      %lt3A_235 = vector.broadcast %lt3A_234 : i32 to vector<16xi32>
      %lt3A_236 = arith.cmpi slt, %add3A_219, %lt3A_235 : vector<16xi32>
      %and3A_237 = arith.andi %and3A_233, %lt3A_236 : vector<16xi1>
      %ge3A_238 = arith.constant 0 : i32
      %ge3A_239 = vector.broadcast %ge3A_238 : i32 to vector<16xi32>
      %ge3A_240 = arith.cmpi sge, %add3A_222, %ge3A_239 : vector<16xi32>
      %and3A_241 = arith.andi %and3A_237, %ge3A_240 : vector<16xi1>
      %lt3A_242 = arith.constant 32 : i32
      %lt3A_243 = vector.broadcast %lt3A_242 : i32 to vector<16xi32>
      %lt3A_244 = arith.cmpi slt, %add3A_222, %lt3A_243 : vector<16xi32>
      %and3A_245 = arith.andi %and3A_241, %lt3A_244 : vector<16xi1>
      %mul3A_246 = arith.constant 32 : i32
      %mul3A_247 = vector.broadcast %mul3A_246 : i32 to vector<16xi32>
      %mul3A_248 = arith.muli %add3A_216, %mul3A_247 : vector<16xi32>
      %add3A_249 = arith.addi %mul3A_248, %add3A_219 : vector<16xi32>
      %mul3A_250 = arith.constant 32 : i32
      %mul3A_251 = vector.broadcast %mul3A_250 : i32 to vector<16xi32>
      %mul3A_252 = arith.muli %add3A_249, %mul3A_251 : vector<16xi32>
      %add3A_253 = arith.addi %mul3A_252, %add3A_222 : vector<16xi32>
      %jit3A_254 = arith.constant 0 : i32
      %jit3A_255 = arith.constant 32767 : i32
      %max3A_256 = vector.broadcast %jit3A_254 : i32 to vector<16xi32>
      %max3A_257 = arith.maxsi %max3A_256, %add3A_253 : vector<16xi32>
      %min3A_258 = vector.broadcast %jit3A_255 : i32 to vector<16xi32>
      %min3A_259 = arith.minsi %min3A_258, %max3A_257 : vector<16xi32>
      %gather3A_260 = tpu.vector_load_idx %arg7[%min3A_259] : memref<32768xi32, #tpu.memory_space<vmem>>[vector<16xi32>], vector<16xi32>,
      %ge3A_261 = arith.constant 0 : i32
      %ge3A_262 = vector.broadcast %ge3A_261 : i32 to vector<16xi32>
      %ge3A_263 = arith.cmpi sge, %gather3A_260, %ge3A_262 : vector<16xi32>
      %and3A_264 = arith.andi %and3A_245, %ge3A_263 : vector<16xi1>
      %jit3A_265 = arith.constant 8192 : i32
      %broadcast_in_dim3A_266 = vector.broadcast %jit3A_265 : i32 to vector<16xi32>
      %select_n3A_267 = arith.select %and3A_264, %gather3A_260, %broadcast_in_dim3A_266 : vector<16xi1>, vector<16xi32>
      %mul3A_268 = arith.constant 27 : i32
      %mul3A_269 = vector.broadcast %mul3A_268 : i32 to vector<16xi32>
      %mul3A_270 = arith.muli %add3A_41, %mul3A_269 : vector<16xi32>
      %add3A_271 = arith.constant 3 : i32
      %add3A_272 = vector.broadcast %add3A_271 : i32 to vector<16xi32>
      %add3A_273 = arith.addi %mul3A_270, %add3A_272 : vector<16xi32>
      tpu.vector_store_idx %arg8[%add3A_273], %select_n3A_267 : memref<6912xi32, #tpu.memory_space<vmem>>[vector<16xi32>], vector<16xi32>,
      %add3A_274 = arith.constant -1 : i32
      %add3A_275 = vector.broadcast %add3A_274 : i32 to vector<16xi32>
      %add3A_276 = arith.addi %get3A_33, %add3A_275 : vector<16xi32>
      %add3A_277 = arith.constant 0 : i32
      %add3A_278 = vector.broadcast %add3A_277 : i32 to vector<16xi32>
      %add3A_279 = arith.addi %get3A_35, %add3A_278 : vector<16xi32>
      %add3A_280 = arith.constant 0 : i32
      %add3A_281 = vector.broadcast %add3A_280 : i32 to vector<16xi32>
      %add3A_282 = arith.addi %get3A_37, %add3A_281 : vector<16xi32>
      %ge3A_283 = arith.constant 0 : i32
      %ge3A_284 = vector.broadcast %ge3A_283 : i32 to vector<16xi32>
      %ge3A_285 = arith.cmpi sge, %add3A_276, %ge3A_284 : vector<16xi32>
      %lt3A_286 = arith.constant 32 : i32
      %lt3A_287 = vector.broadcast %lt3A_286 : i32 to vector<16xi32>
      %lt3A_288 = arith.cmpi slt, %add3A_276, %lt3A_287 : vector<16xi32>
      %and3A_289 = arith.andi %ge3A_285, %lt3A_288 : vector<16xi1>
      %ge3A_290 = arith.constant 0 : i32
      %ge3A_291 = vector.broadcast %ge3A_290 : i32 to vector<16xi32>
      %ge3A_292 = arith.cmpi sge, %add3A_279, %ge3A_291 : vector<16xi32>
      %and3A_293 = arith.andi %and3A_289, %ge3A_292 : vector<16xi1>
      %lt3A_294 = arith.constant 32 : i32
      %lt3A_295 = vector.broadcast %lt3A_294 : i32 to vector<16xi32>
      %lt3A_296 = arith.cmpi slt, %add3A_279, %lt3A_295 : vector<16xi32>
      %and3A_297 = arith.andi %and3A_293, %lt3A_296 : vector<16xi1>
      %ge3A_298 = arith.constant 0 : i32
      %ge3A_299 = vector.broadcast %ge3A_298 : i32 to vector<16xi32>
      %ge3A_300 = arith.cmpi sge, %add3A_282, %ge3A_299 : vector<16xi32>
      %and3A_301 = arith.andi %and3A_297, %ge3A_300 : vector<16xi1>
      %lt3A_302 = arith.constant 32 : i32
      %lt3A_303 = vector.broadcast %lt3A_302 : i32 to vector<16xi32>
      %lt3A_304 = arith.cmpi slt, %add3A_282, %lt3A_303 : vector<16xi32>
      %and3A_305 = arith.andi %and3A_301, %lt3A_304 : vector<16xi1>
      %mul3A_306 = arith.constant 32 : i32
      %mul3A_307 = vector.broadcast %mul3A_306 : i32 to vector<16xi32>
      %mul3A_308 = arith.muli %add3A_276, %mul3A_307 : vector<16xi32>
      %add3A_309 = arith.addi %mul3A_308, %add3A_279 : vector<16xi32>
      %mul3A_310 = arith.constant 32 : i32
      %mul3A_311 = vector.broadcast %mul3A_310 : i32 to vector<16xi32>
      %mul3A_312 = arith.muli %add3A_309, %mul3A_311 : vector<16xi32>
      %add3A_313 = arith.addi %mul3A_312, %add3A_282 : vector<16xi32>
      %jit3A_314 = arith.constant 0 : i32
      %jit3A_315 = arith.constant 32767 : i32
      %max3A_316 = vector.broadcast %jit3A_314 : i32 to vector<16xi32>
      %max3A_317 = arith.maxsi %max3A_316, %add3A_313 : vector<16xi32>
      %min3A_318 = vector.broadcast %jit3A_315 : i32 to vector<16xi32>
      %min3A_319 = arith.minsi %min3A_318, %max3A_317 : vector<16xi32>
      %gather3A_320 = tpu.vector_load_idx %arg7[%min3A_319] : memref<32768xi32, #tpu.memory_space<vmem>>[vector<16xi32>], vector<16xi32>,
      %ge3A_321 = arith.constant 0 : i32
      %ge3A_322 = vector.broadcast %ge3A_321 : i32 to vector<16xi32>
      %ge3A_323 = arith.cmpi sge, %gather3A_320, %ge3A_322 : vector<16xi32>
      %and3A_324 = arith.andi %and3A_305, %ge3A_323 : vector<16xi1>
      %jit3A_325 = arith.constant 8192 : i32
      %broadcast_in_dim3A_326 = vector.broadcast %jit3A_325 : i32 to vector<16xi32>
      %select_n3A_327 = arith.select %and3A_324, %gather3A_320, %broadcast_in_dim3A_326 : vector<16xi1>, vector<16xi32>
      %mul3A_328 = arith.constant 27 : i32
      %mul3A_329 = vector.broadcast %mul3A_328 : i32 to vector<16xi32>
      %mul3A_330 = arith.muli %add3A_41, %mul3A_329 : vector<16xi32>
      %add3A_331 = arith.constant 4 : i32
      %add3A_332 = vector.broadcast %add3A_331 : i32 to vector<16xi32>
      %add3A_333 = arith.addi %mul3A_330, %add3A_332 : vector<16xi32>
      tpu.vector_store_idx %arg8[%add3A_333], %select_n3A_327 : memref<6912xi32, #tpu.memory_space<vmem>>[vector<16xi32>], vector<16xi32>,
      %add3A_334 = arith.constant -1 : i32
      %add3A_335 = vector.broadcast %add3A_334 : i32 to vector<16xi32>
      %add3A_336 = arith.addi %get3A_33, %add3A_335 : vector<16xi32>
      %add3A_337 = arith.constant 0 : i32
      %add3A_338 = vector.broadcast %add3A_337 : i32 to vector<16xi32>
      %add3A_339 = arith.addi %get3A_35, %add3A_338 : vector<16xi32>
      %add3A_340 = arith.constant 1 : i32
      %add3A_341 = vector.broadcast %add3A_340 : i32 to vector<16xi32>
      %add3A_342 = arith.addi %get3A_37, %add3A_341 : vector<16xi32>
      %ge3A_343 = arith.constant 0 : i32
      %ge3A_344 = vector.broadcast %ge3A_343 : i32 to vector<16xi32>
      %ge3A_345 = arith.cmpi sge, %add3A_336, %ge3A_344 : vector<16xi32>
      %lt3A_346 = arith.constant 32 : i32
      %lt3A_347 = vector.broadcast %lt3A_346 : i32 to vector<16xi32>
      %lt3A_348 = arith.cmpi slt, %add3A_336, %lt3A_347 : vector<16xi32>
      %and3A_349 = arith.andi %ge3A_345, %lt3A_348 : vector<16xi1>
      %ge3A_350 = arith.constant 0 : i32
      %ge3A_351 = vector.broadcast %ge3A_350 : i32 to vector<16xi32>
      %ge3A_352 = arith.cmpi sge, %add3A_339, %ge3A_351 : vector<16xi32>
      %and3A_353 = arith.andi %and3A_349, %ge3A_352 : vector<16xi1>
      %lt3A_354 = arith.constant 32 : i32
      %lt3A_355 = vector.broadcast %lt3A_354 : i32 to vector<16xi32>
      %lt3A_356 = arith.cmpi slt, %add3A_339, %lt3A_355 : vector<16xi32>
      %and3A_357 = arith.andi %and3A_353, %lt3A_356 : vector<16xi1>
      %ge3A_358 = arith.constant 0 : i32
      %ge3A_359 = vector.broadcast %ge3A_358 : i32 to vector<16xi32>
      %ge3A_360 = arith.cmpi sge, %add3A_342, %ge3A_359 : vector<16xi32>
      %and3A_361 = arith.andi %and3A_357, %ge3A_360 : vector<16xi1>
      %lt3A_362 = arith.constant 32 : i32
      %lt3A_363 = vector.broadcast %lt3A_362 : i32 to vector<16xi32>
      %lt3A_364 = arith.cmpi slt, %add3A_342, %lt3A_363 : vector<16xi32>
      %and3A_365 = arith.andi %and3A_361, %lt3A_364 : vector<16xi1>
      %mul3A_366 = arith.constant 32 : i32
      %mul3A_367 = vector.broadcast %mul3A_366 : i32 to vector<16xi32>
      %mul3A_368 = arith.muli %add3A_336, %mul3A_367 : vector<16xi32>
      %add3A_369 = arith.addi %mul3A_368, %add3A_339 : vector<16xi32>
      %mul3A_370 = arith.constant 32 : i32
      %mul3A_371 = vector.broadcast %mul3A_370 : i32 to vector<16xi32>
      %mul3A_372 = arith.muli %add3A_369, %mul3A_371 : vector<16xi32>
      %add3A_373 = arith.addi %mul3A_372, %add3A_342 : vector<16xi32>
      %jit3A_374 = arith.constant 0 : i32
      %jit3A_375 = arith.constant 32767 : i32
      %max3A_376 = vector.broadcast %jit3A_374 : i32 to vector<16xi32>
      %max3A_377 = arith.maxsi %max3A_376, %add3A_373 : vector<16xi32>
      %min3A_378 = vector.broadcast %jit3A_375 : i32 to vector<16xi32>
      %min3A_379 = arith.minsi %min3A_378, %max3A_377 : vector<16xi32>
      %gather3A_380 = tpu.vector_load_idx %arg7[%min3A_379] : memref<32768xi32, #tpu.memory_space<vmem>>[vector<16xi32>], vector<16xi32>,
      %ge3A_381 = arith.constant 0 : i32
      %ge3A_382 = vector.broadcast %ge3A_381 : i32 to vector<16xi32>
      %ge3A_383 = arith.cmpi sge, %gather3A_380, %ge3A_382 : vector<16xi32>
      %and3A_384 = arith.andi %and3A_365, %ge3A_383 : vector<16xi1>
      %jit3A_385 = arith.constant 8192 : i32
      %broadcast_in_dim3A_386 = vector.broadcast %jit3A_385 : i32 to vector<16xi32>
      %select_n3A_387 = arith.select %and3A_384, %gather3A_380, %broadcast_in_dim3A_386 : vector<16xi1>, vector<16xi32>
      %mul3A_388 = arith.constant 27 : i32
      %mul3A_389 = vector.broadcast %mul3A_388 : i32 to vector<16xi32>
      %mul3A_390 = arith.muli %add3A_41, %mul3A_389 : vector<16xi32>
      %add3A_391 = arith.constant 5 : i32
      %add3A_392 = vector.broadcast %add3A_391 : i32 to vector<16xi32>
      %add3A_393 = arith.addi %mul3A_390, %add3A_392 : vector<16xi32>
      tpu.vector_store_idx %arg8[%add3A_393], %select_n3A_387 : memref<6912xi32, #tpu.memory_space<vmem>>[vector<16xi32>], vector<16xi32>,
      %add3A_394 = arith.constant -1 : i32
      %add3A_395 = vector.broadcast %add3A_394 : i32 to vector<16xi32>
      %add3A_396 = arith.addi %get3A_33, %add3A_395 : vector<16xi32>
      %add3A_397 = arith.constant 1 : i32
      %add3A_398 = vector.broadcast %add3A_397 : i32 to vector<16xi32>
      %add3A_399 = arith.addi %get3A_35, %add3A_398 : vector<16xi32>
      %add3A_400 = arith.constant -1 : i32
      %add3A_401 = vector.broadcast %add3A_400 : i32 to vector<16xi32>
      %add3A_402 = arith.addi %get3A_37, %add3A_401 : vector<16xi32>
      %ge3A_403 = arith.constant 0 : i32
      %ge3A_404 = vector.broadcast %ge3A_403 : i32 to vector<16xi32>
      %ge3A_405 = arith.cmpi sge, %add3A_396, %ge3A_404 : vector<16xi32>
      %lt3A_406 = arith.constant 32 : i32
      %lt3A_407 = vector.broadcast %lt3A_406 : i32 to vector<16xi32>
      %lt3A_408 = arith.cmpi slt, %add3A_396, %lt3A_407 : vector<16xi32>
      %and3A_409 = arith.andi %ge3A_405, %lt3A_408 : vector<16xi1>
      %ge3A_410 = arith.constant 0 : i32
      %ge3A_411 = vector.broadcast %ge3A_410 : i32 to vector<16xi32>
      %ge3A_412 = arith.cmpi sge, %add3A_399, %ge3A_411 : vector<16xi32>
      %and3A_413 = arith.andi %and3A_409, %ge3A_412 : vector<16xi1>
      %lt3A_414 = arith.constant 32 : i32
      %lt3A_415 = vector.broadcast %lt3A_414 : i32 to vector<16xi32>
      %lt3A_416 = arith.cmpi slt, %add3A_399, %lt3A_415 : vector<16xi32>
      %and3A_417 = arith.andi %and3A_413, %lt3A_416 : vector<16xi1>
      %ge3A_418 = arith.constant 0 : i32
      %ge3A_419 = vector.broadcast %ge3A_418 : i32 to vector<16xi32>
      %ge3A_420 = arith.cmpi sge, %add3A_402, %ge3A_419 : vector<16xi32>
      %and3A_421 = arith.andi %and3A_417, %ge3A_420 : vector<16xi1>
      %lt3A_422 = arith.constant 32 : i32
      %lt3A_423 = vector.broadcast %lt3A_422 : i32 to vector<16xi32>
      %lt3A_424 = arith.cmpi slt, %add3A_402, %lt3A_423 : vector<16xi32>
      %and3A_425 = arith.andi %and3A_421, %lt3A_424 : vector<16xi1>
      %mul3A_426 = arith.constant 32 : i32
      %mul3A_427 = vector.broadcast %mul3A_426 : i32 to vector<16xi32>
      %mul3A_428 = arith.muli %add3A_396, %mul3A_427 : vector<16xi32>
      %add3A_429 = arith.addi %mul3A_428, %add3A_399 : vector<16xi32>
      %mul3A_430 = arith.constant 32 : i32
      %mul3A_431 = vector.broadcast %mul3A_430 : i32 to vector<16xi32>
      %mul3A_432 = arith.muli %add3A_429, %mul3A_431 : vector<16xi32>
      %add3A_433 = arith.addi %mul3A_432, %add3A_402 : vector<16xi32>
      %jit3A_434 = arith.constant 0 : i32
      %jit3A_435 = arith.constant 32767 : i32
      %max3A_436 = vector.broadcast %jit3A_434 : i32 to vector<16xi32>
      %max3A_437 = arith.maxsi %max3A_436, %add3A_433 : vector<16xi32>
      %min3A_438 = vector.broadcast %jit3A_435 : i32 to vector<16xi32>
      %min3A_439 = arith.minsi %min3A_438, %max3A_437 : vector<16xi32>
      %gather3A_440 = tpu.vector_load_idx %arg7[%min3A_439] : memref<32768xi32, #tpu.memory_space<vmem>>[vector<16xi32>], vector<16xi32>,
      %ge3A_441 = arith.constant 0 : i32
      %ge3A_442 = vector.broadcast %ge3A_441 : i32 to vector<16xi32>
      %ge3A_443 = arith.cmpi sge, %gather3A_440, %ge3A_442 : vector<16xi32>
      %and3A_444 = arith.andi %and3A_425, %ge3A_443 : vector<16xi1>
      %jit3A_445 = arith.constant 8192 : i32
      %broadcast_in_dim3A_446 = vector.broadcast %jit3A_445 : i32 to vector<16xi32>
      %select_n3A_447 = arith.select %and3A_444, %gather3A_440, %broadcast_in_dim3A_446 : vector<16xi1>, vector<16xi32>
      %mul3A_448 = arith.constant 27 : i32
      %mul3A_449 = vector.broadcast %mul3A_448 : i32 to vector<16xi32>
      %mul3A_450 = arith.muli %add3A_41, %mul3A_449 : vector<16xi32>
      %add3A_451 = arith.constant 6 : i32
      %add3A_452 = vector.broadcast %add3A_451 : i32 to vector<16xi32>
      %add3A_453 = arith.addi %mul3A_450, %add3A_452 : vector<16xi32>
      tpu.vector_store_idx %arg8[%add3A_453], %select_n3A_447 : memref<6912xi32, #tpu.memory_space<vmem>>[vector<16xi32>], vector<16xi32>,
      %add3A_454 = arith.constant -1 : i32
      %add3A_455 = vector.broadcast %add3A_454 : i32 to vector<16xi32>
      %add3A_456 = arith.addi %get3A_33, %add3A_455 : vector<16xi32>
      %add3A_457 = arith.constant 1 : i32
      %add3A_458 = vector.broadcast %add3A_457 : i32 to vector<16xi32>
      %add3A_459 = arith.addi %get3A_35, %add3A_458 : vector<16xi32>
      %add3A_460 = arith.constant 0 : i32
      %add3A_461 = vector.broadcast %add3A_460 : i32 to vector<16xi32>
      %add3A_462 = arith.addi %get3A_37, %add3A_461 : vector<16xi32>
      %ge3A_463 = arith.constant 0 : i32
      %ge3A_464 = vector.broadcast %ge3A_463 : i32 to vector<16xi32>
      %ge3A_465 = arith.cmpi sge, %add3A_456, %ge3A_464 : vector<16xi32>
      %lt3A_466 = arith.constant 32 : i32
      %lt3A_467 = vector.broadcast %lt3A_466 : i32 to vector<16xi32>
      %lt3A_468 = arith.cmpi slt, %add3A_456, %lt3A_467 : vector<16xi32>
      %and3A_469 = arith.andi %ge3A_465, %lt3A_468 : vector<16xi1>
      %ge3A_470 = arith.constant 0 : i32
      %ge3A_471 = vector.broadcast %ge3A_470 : i32 to vector<16xi32>
      %ge3A_472 = arith.cmpi sge, %add3A_459, %ge3A_471 : vector<16xi32>
      %and3A_473 = arith.andi %and3A_469, %ge3A_472 : vector<16xi1>
      %lt3A_474 = arith.constant 32 : i32
      %lt3A_475 = vector.broadcast %lt3A_474 : i32 to vector<16xi32>
      %lt3A_476 = arith.cmpi slt, %add3A_459, %lt3A_475 : vector<16xi32>
      %and3A_477 = arith.andi %and3A_473, %lt3A_476 : vector<16xi1>
      %ge3A_478 = arith.constant 0 : i32
      %ge3A_479 = vector.broadcast %ge3A_478 : i32 to vector<16xi32>
      %ge3A_480 = arith.cmpi sge, %add3A_462, %ge3A_479 : vector<16xi32>
      %and3A_481 = arith.andi %and3A_477, %ge3A_480 : vector<16xi1>
      %lt3A_482 = arith.constant 32 : i32
      %lt3A_483 = vector.broadcast %lt3A_482 : i32 to vector<16xi32>
      %lt3A_484 = arith.cmpi slt, %add3A_462, %lt3A_483 : vector<16xi32>
      %and3A_485 = arith.andi %and3A_481, %lt3A_484 : vector<16xi1>
      %mul3A_486 = arith.constant 32 : i32
      %mul3A_487 = vector.broadcast %mul3A_486 : i32 to vector<16xi32>
      %mul3A_488 = arith.muli %add3A_456, %mul3A_487 : vector<16xi32>
      %add3A_489 = arith.addi %mul3A_488, %add3A_459 : vector<16xi32>
      %mul3A_490 = arith.constant 32 : i32
      %mul3A_491 = vector.broadcast %mul3A_490 : i32 to vector<16xi32>
      %mul3A_492 = arith.muli %add3A_489, %mul3A_491 : vector<16xi32>
      %add3A_493 = arith.addi %mul3A_492, %add3A_462 : vector<16xi32>
      %jit3A_494 = arith.constant 0 : i32
      %jit3A_495 = arith.constant 32767 : i32
      %max3A_496 = vector.broadcast %jit3A_494 : i32 to vector<16xi32>
      %max3A_497 = arith.maxsi %max3A_496, %add3A_493 : vector<16xi32>
      %min3A_498 = vector.broadcast %jit3A_495 : i32 to vector<16xi32>
      %min3A_499 = arith.minsi %min3A_498, %max3A_497 : vector<16xi32>
      %gather3A_500 = tpu.vector_load_idx %arg7[%min3A_499] : memref<32768xi32, #tpu.memory_space<vmem>>[vector<16xi32>], vector<16xi32>,
      %ge3A_501 = arith.constant 0 : i32
      %ge3A_502 = vector.broadcast %ge3A_501 : i32 to vector<16xi32>
      %ge3A_503 = arith.cmpi sge, %gather3A_500, %ge3A_502 : vector<16xi32>
      %and3A_504 = arith.andi %and3A_485, %ge3A_503 : vector<16xi1>
      %jit3A_505 = arith.constant 8192 : i32
      %broadcast_in_dim3A_506 = vector.broadcast %jit3A_505 : i32 to vector<16xi32>
      %select_n3A_507 = arith.select %and3A_504, %gather3A_500, %broadcast_in_dim3A_506 : vector<16xi1>, vector<16xi32>
      %mul3A_508 = arith.constant 27 : i32
      %mul3A_509 = vector.broadcast %mul3A_508 : i32 to vector<16xi32>
      %mul3A_510 = arith.muli %add3A_41, %mul3A_509 : vector<16xi32>
      %add3A_511 = arith.constant 7 : i32
      %add3A_512 = vector.broadcast %add3A_511 : i32 to vector<16xi32>
      %add3A_513 = arith.addi %mul3A_510, %add3A_512 : vector<16xi32>
      tpu.vector_store_idx %arg8[%add3A_513], %select_n3A_507 : memref<6912xi32, #tpu.memory_space<vmem>>[vector<16xi32>], vector<16xi32>,
      %add3A_514 = arith.constant -1 : i32
      %add3A_515 = vector.broadcast %add3A_514 : i32 to vector<16xi32>
      %add3A_516 = arith.addi %get3A_33, %add3A_515 : vector<16xi32>
      %add3A_517 = arith.constant 1 : i32
      %add3A_518 = vector.broadcast %add3A_517 : i32 to vector<16xi32>
      %add3A_519 = arith.addi %get3A_35, %add3A_518 : vector<16xi32>
      %add3A_520 = arith.constant 1 : i32
      %add3A_521 = vector.broadcast %add3A_520 : i32 to vector<16xi32>
      %add3A_522 = arith.addi %get3A_37, %add3A_521 : vector<16xi32>
      %ge3A_523 = arith.constant 0 : i32
      %ge3A_524 = vector.broadcast %ge3A_523 : i32 to vector<16xi32>
      %ge3A_525 = arith.cmpi sge, %add3A_516, %ge3A_524 : vector<16xi32>
      %lt3A_526 = arith.constant 32 : i32
      %lt3A_527 = vector.broadcast %lt3A_526 : i32 to vector<16xi32>
      %lt3A_528 = arith.cmpi slt, %add3A_516, %lt3A_527 : vector<16xi32>
      %and3A_529 = arith.andi %ge3A_525, %lt3A_528 : vector<16xi1>
      %ge3A_530 = arith.constant 0 : i32
      %ge3A_531 = vector.broadcast %ge3A_530 : i32 to vector<16xi32>
      %ge3A_532 = arith.cmpi sge, %add3A_519, %ge3A_531 : vector<16xi32>
      %and3A_533 = arith.andi %and3A_529, %ge3A_532 : vector<16xi1>
      %lt3A_534 = arith.constant 32 : i32
      %lt3A_535 = vector.broadcast %lt3A_534 : i32 to vector<16xi32>
      %lt3A_536 = arith.cmpi slt, %add3A_519, %lt3A_535 : vector<16xi32>
      %and3A_537 = arith.andi %and3A_533, %lt3A_536 : vector<16xi1>
      %ge3A_538 = arith.constant 0 : i32
      %ge3A_539 = vector.broadcast %ge3A_538 : i32 to vector<16xi32>
      %ge3A_540 = arith.cmpi sge, %add3A_522, %ge3A_539 : vector<16xi32>
      %and3A_541 = arith.andi %and3A_537, %ge3A_540 : vector<16xi1>
      %lt3A_542 = arith.constant 32 : i32
      %lt3A_543 = vector.broadcast %lt3A_542 : i32 to vector<16xi32>
      %lt3A_544 = arith.cmpi slt, %add3A_522, %lt3A_543 : vector<16xi32>
      %and3A_545 = arith.andi %and3A_541, %lt3A_544 : vector<16xi1>
      %mul3A_546 = arith.constant 32 : i32
      %mul3A_547 = vector.broadcast %mul3A_546 : i32 to vector<16xi32>
      %mul3A_548 = arith.muli %add3A_516, %mul3A_547 : vector<16xi32>
      %add3A_549 = arith.addi %mul3A_548, %add3A_519 : vector<16xi32>
      %mul3A_550 = arith.constant 32 : i32
      %mul3A_551 = vector.broadcast %mul3A_550 : i32 to vector<16xi32>
      %mul3A_552 = arith.muli %add3A_549, %mul3A_551 : vector<16xi32>
      %add3A_553 = arith.addi %mul3A_552, %add3A_522 : vector<16xi32>
      %jit3A_554 = arith.constant 0 : i32
      %jit3A_555 = arith.constant 32767 : i32
      %max3A_556 = vector.broadcast %jit3A_554 : i32 to vector<16xi32>
      %max3A_557 = arith.maxsi %max3A_556, %add3A_553 : vector<16xi32>
      %min3A_558 = vector.broadcast %jit3A_555 : i32 to vector<16xi32>
      %min3A_559 = arith.minsi %min3A_558, %max3A_557 : vector<16xi32>
      %gather3A_560 = tpu.vector_load_idx %arg7[%min3A_559] : memref<32768xi32, #tpu.memory_space<vmem>>[vector<16xi32>], vector<16xi32>,
      %ge3A_561 = arith.constant 0 : i32
      %ge3A_562 = vector.broadcast %ge3A_561 : i32 to vector<16xi32>
      %ge3A_563 = arith.cmpi sge, %gather3A_560, %ge3A_562 : vector<16xi32>
      %and3A_564 = arith.andi %and3A_545, %ge3A_563 : vector<16xi1>
      %jit3A_565 = arith.constant 8192 : i32
      %broadcast_in_dim3A_566 = vector.broadcast %jit3A_565 : i32 to vector<16xi32>
      %select_n3A_567 = arith.select %and3A_564, %gather3A_560, %broadcast_in_dim3A_566 : vector<16xi1>, vector<16xi32>
      %mul3A_568 = arith.constant 27 : i32
      %mul3A_569 = vector.broadcast %mul3A_568 : i32 to vector<16xi32>
      %mul3A_570 = arith.muli %add3A_41, %mul3A_569 : vector<16xi32>
      %add3A_571 = arith.constant 8 : i32
      %add3A_572 = vector.broadcast %add3A_571 : i32 to vector<16xi32>
      %add3A_573 = arith.addi %mul3A_570, %add3A_572 : vector<16xi32>
      tpu.vector_store_idx %arg8[%add3A_573], %select_n3A_567 : memref<6912xi32, #tpu.memory_space<vmem>>[vector<16xi32>], vector<16xi32>,
      %add3A_574 = arith.constant 0 : i32
      %add3A_575 = vector.broadcast %add3A_574 : i32 to vector<16xi32>
      %add3A_576 = arith.addi %get3A_33, %add3A_575 : vector<16xi32>
      %add3A_577 = arith.constant -1 : i32
      %add3A_578 = vector.broadcast %add3A_577 : i32 to vector<16xi32>
      %add3A_579 = arith.addi %get3A_35, %add3A_578 : vector<16xi32>
      %add3A_580 = arith.constant -1 : i32
      %add3A_581 = vector.broadcast %add3A_580 : i32 to vector<16xi32>
      %add3A_582 = arith.addi %get3A_37, %add3A_581 : vector<16xi32>
      %ge3A_583 = arith.constant 0 : i32
      %ge3A_584 = vector.broadcast %ge3A_583 : i32 to vector<16xi32>
      %ge3A_585 = arith.cmpi sge, %add3A_576, %ge3A_584 : vector<16xi32>
      %lt3A_586 = arith.constant 32 : i32
      %lt3A_587 = vector.broadcast %lt3A_586 : i32 to vector<16xi32>
      %lt3A_588 = arith.cmpi slt, %add3A_576, %lt3A_587 : vector<16xi32>
      %and3A_589 = arith.andi %ge3A_585, %lt3A_588 : vector<16xi1>
      %ge3A_590 = arith.constant 0 : i32
      %ge3A_591 = vector.broadcast %ge3A_590 : i32 to vector<16xi32>
      %ge3A_592 = arith.cmpi sge, %add3A_579, %ge3A_591 : vector<16xi32>
      %and3A_593 = arith.andi %and3A_589, %ge3A_592 : vector<16xi1>
      %lt3A_594 = arith.constant 32 : i32
      %lt3A_595 = vector.broadcast %lt3A_594 : i32 to vector<16xi32>
      %lt3A_596 = arith.cmpi slt, %add3A_579, %lt3A_595 : vector<16xi32>
      %and3A_597 = arith.andi %and3A_593, %lt3A_596 : vector<16xi1>
      %ge3A_598 = arith.constant 0 : i32
      %ge3A_599 = vector.broadcast %ge3A_598 : i32 to vector<16xi32>
      %ge3A_600 = arith.cmpi sge, %add3A_582, %ge3A_599 : vector<16xi32>
      %and3A_601 = arith.andi %and3A_597, %ge3A_600 : vector<16xi1>
      %lt3A_602 = arith.constant 32 : i32
      %lt3A_603 = vector.broadcast %lt3A_602 : i32 to vector<16xi32>
      %lt3A_604 = arith.cmpi slt, %add3A_582, %lt3A_603 : vector<16xi32>
      %and3A_605 = arith.andi %and3A_601, %lt3A_604 : vector<16xi1>
      %mul3A_606 = arith.constant 32 : i32
      %mul3A_607 = vector.broadcast %mul3A_606 : i32 to vector<16xi32>
      %mul3A_608 = arith.muli %add3A_576, %mul3A_607 : vector<16xi32>
      %add3A_609 = arith.addi %mul3A_608, %add3A_579 : vector<16xi32>
      %mul3A_610 = arith.constant 32 : i32
      %mul3A_611 = vector.broadcast %mul3A_610 : i32 to vector<16xi32>
      %mul3A_612 = arith.muli %add3A_609, %mul3A_611 : vector<16xi32>
      %add3A_613 = arith.addi %mul3A_612, %add3A_582 : vector<16xi32>
      %jit3A_614 = arith.constant 0 : i32
      %jit3A_615 = arith.constant 32767 : i32
      %max3A_616 = vector.broadcast %jit3A_614 : i32 to vector<16xi32>
      %max3A_617 = arith.maxsi %max3A_616, %add3A_613 : vector<16xi32>
      %min3A_618 = vector.broadcast %jit3A_615 : i32 to vector<16xi32>
      %min3A_619 = arith.minsi %min3A_618, %max3A_617 : vector<16xi32>
      %gather3A_620 = tpu.vector_load_idx %arg7[%min3A_619] : memref<32768xi32, #tpu.memory_space<vmem>>[vector<16xi32>], vector<16xi32>,
      %ge3A_621 = arith.constant 0 : i32
      %ge3A_622 = vector.broadcast %ge3A_621 : i32 to vector<16xi32>
      %ge3A_623 = arith.cmpi sge, %gather3A_620, %ge3A_622 : vector<16xi32>
      %and3A_624 = arith.andi %and3A_605, %ge3A_623 : vector<16xi1>
      %jit3A_625 = arith.constant 8192 : i32
      %broadcast_in_dim3A_626 = vector.broadcast %jit3A_625 : i32 to vector<16xi32>
      %select_n3A_627 = arith.select %and3A_624, %gather3A_620, %broadcast_in_dim3A_626 : vector<16xi1>, vector<16xi32>
      %mul3A_628 = arith.constant 27 : i32
      %mul3A_629 = vector.broadcast %mul3A_628 : i32 to vector<16xi32>
      %mul3A_630 = arith.muli %add3A_41, %mul3A_629 : vector<16xi32>
      %add3A_631 = arith.constant 9 : i32
      %add3A_632 = vector.broadcast %add3A_631 : i32 to vector<16xi32>
      %add3A_633 = arith.addi %mul3A_630, %add3A_632 : vector<16xi32>
      tpu.vector_store_idx %arg8[%add3A_633], %select_n3A_627 : memref<6912xi32, #tpu.memory_space<vmem>>[vector<16xi32>], vector<16xi32>,
      %add3A_634 = arith.constant 0 : i32
      %add3A_635 = vector.broadcast %add3A_634 : i32 to vector<16xi32>
      %add3A_636 = arith.addi %get3A_33, %add3A_635 : vector<16xi32>
      %add3A_637 = arith.constant -1 : i32
      %add3A_638 = vector.broadcast %add3A_637 : i32 to vector<16xi32>
      %add3A_639 = arith.addi %get3A_35, %add3A_638 : vector<16xi32>
      %add3A_640 = arith.constant 0 : i32
      %add3A_641 = vector.broadcast %add3A_640 : i32 to vector<16xi32>
      %add3A_642 = arith.addi %get3A_37, %add3A_641 : vector<16xi32>
      %ge3A_643 = arith.constant 0 : i32
      %ge3A_644 = vector.broadcast %ge3A_643 : i32 to vector<16xi32>
      %ge3A_645 = arith.cmpi sge, %add3A_636, %ge3A_644 : vector<16xi32>
      %lt3A_646 = arith.constant 32 : i32
      %lt3A_647 = vector.broadcast %lt3A_646 : i32 to vector<16xi32>
      %lt3A_648 = arith.cmpi slt, %add3A_636, %lt3A_647 : vector<16xi32>
      %and3A_649 = arith.andi %ge3A_645, %lt3A_648 : vector<16xi1>
      %ge3A_650 = arith.constant 0 : i32
      %ge3A_651 = vector.broadcast %ge3A_650 : i32 to vector<16xi32>
      %ge3A_652 = arith.cmpi sge, %add3A_639, %ge3A_651 : vector<16xi32>
      %and3A_653 = arith.andi %and3A_649, %ge3A_652 : vector<16xi1>
      %lt3A_654 = arith.constant 32 : i32
      %lt3A_655 = vector.broadcast %lt3A_654 : i32 to vector<16xi32>
      %lt3A_656 = arith.cmpi slt, %add3A_639, %lt3A_655 : vector<16xi32>
      %and3A_657 = arith.andi %and3A_653, %lt3A_656 : vector<16xi1>
      %ge3A_658 = arith.constant 0 : i32
      %ge3A_659 = vector.broadcast %ge3A_658 : i32 to vector<16xi32>
      %ge3A_660 = arith.cmpi sge, %add3A_642, %ge3A_659 : vector<16xi32>
      %and3A_661 = arith.andi %and3A_657, %ge3A_660 : vector<16xi1>
      %lt3A_662 = arith.constant 32 : i32
      %lt3A_663 = vector.broadcast %lt3A_662 : i32 to vector<16xi32>
      %lt3A_664 = arith.cmpi slt, %add3A_642, %lt3A_663 : vector<16xi32>
      %and3A_665 = arith.andi %and3A_661, %lt3A_664 : vector<16xi1>
      %mul3A_666 = arith.constant 32 : i32
      %mul3A_667 = vector.broadcast %mul3A_666 : i32 to vector<16xi32>
      %mul3A_668 = arith.muli %add3A_636, %mul3A_667 : vector<16xi32>
      %add3A_669 = arith.addi %mul3A_668, %add3A_639 : vector<16xi32>
      %mul3A_670 = arith.constant 32 : i32
      %mul3A_671 = vector.broadcast %mul3A_670 : i32 to vector<16xi32>
      %mul3A_672 = arith.muli %add3A_669, %mul3A_671 : vector<16xi32>
      %add3A_673 = arith.addi %mul3A_672, %add3A_642 : vector<16xi32>
      %jit3A_674 = arith.constant 0 : i32
      %jit3A_675 = arith.constant 32767 : i32
      %max3A_676 = vector.broadcast %jit3A_674 : i32 to vector<16xi32>
      %max3A_677 = arith.maxsi %max3A_676, %add3A_673 : vector<16xi32>
      %min3A_678 = vector.broadcast %jit3A_675 : i32 to vector<16xi32>
      %min3A_679 = arith.minsi %min3A_678, %max3A_677 : vector<16xi32>
      %gather3A_680 = tpu.vector_load_idx %arg7[%min3A_679] : memref<32768xi32, #tpu.memory_space<vmem>>[vector<16xi32>], vector<16xi32>,
      %ge3A_681 = arith.constant 0 : i32
      %ge3A_682 = vector.broadcast %ge3A_681 : i32 to vector<16xi32>
      %ge3A_683 = arith.cmpi sge, %gather3A_680, %ge3A_682 : vector<16xi32>
      %and3A_684 = arith.andi %and3A_665, %ge3A_683 : vector<16xi1>
      %jit3A_685 = arith.constant 8192 : i32
      %broadcast_in_dim3A_686 = vector.broadcast %jit3A_685 : i32 to vector<16xi32>
      %select_n3A_687 = arith.select %and3A_684, %gather3A_680, %broadcast_in_dim3A_686 : vector<16xi1>, vector<16xi32>
      %mul3A_688 = arith.constant 27 : i32
      %mul3A_689 = vector.broadcast %mul3A_688 : i32 to vector<16xi32>
      %mul3A_690 = arith.muli %add3A_41, %mul3A_689 : vector<16xi32>
      %add3A_691 = arith.constant 10 : i32
      %add3A_692 = vector.broadcast %add3A_691 : i32 to vector<16xi32>
      %add3A_693 = arith.addi %mul3A_690, %add3A_692 : vector<16xi32>
      tpu.vector_store_idx %arg8[%add3A_693], %select_n3A_687 : memref<6912xi32, #tpu.memory_space<vmem>>[vector<16xi32>], vector<16xi32>,
      %add3A_694 = arith.constant 0 : i32
      %add3A_695 = vector.broadcast %add3A_694 : i32 to vector<16xi32>
      %add3A_696 = arith.addi %get3A_33, %add3A_695 : vector<16xi32>
      %add3A_697 = arith.constant -1 : i32
      %add3A_698 = vector.broadcast %add3A_697 : i32 to vector<16xi32>
      %add3A_699 = arith.addi %get3A_35, %add3A_698 : vector<16xi32>
      %add3A_700 = arith.constant 1 : i32
      %add3A_701 = vector.broadcast %add3A_700 : i32 to vector<16xi32>
      %add3A_702 = arith.addi %get3A_37, %add3A_701 : vector<16xi32>
      %ge3A_703 = arith.constant 0 : i32
      %ge3A_704 = vector.broadcast %ge3A_703 : i32 to vector<16xi32>
      %ge3A_705 = arith.cmpi sge, %add3A_696, %ge3A_704 : vector<16xi32>
      %lt3A_706 = arith.constant 32 : i32
      %lt3A_707 = vector.broadcast %lt3A_706 : i32 to vector<16xi32>
      %lt3A_708 = arith.cmpi slt, %add3A_696, %lt3A_707 : vector<16xi32>
      %and3A_709 = arith.andi %ge3A_705, %lt3A_708 : vector<16xi1>
      %ge3A_710 = arith.constant 0 : i32
      %ge3A_711 = vector.broadcast %ge3A_710 : i32 to vector<16xi32>
      %ge3A_712 = arith.cmpi sge, %add3A_699, %ge3A_711 : vector<16xi32>
      %and3A_713 = arith.andi %and3A_709, %ge3A_712 : vector<16xi1>
      %lt3A_714 = arith.constant 32 : i32
      %lt3A_715 = vector.broadcast %lt3A_714 : i32 to vector<16xi32>
      %lt3A_716 = arith.cmpi slt, %add3A_699, %lt3A_715 : vector<16xi32>
      %and3A_717 = arith.andi %and3A_713, %lt3A_716 : vector<16xi1>
      %ge3A_718 = arith.constant 0 : i32
      %ge3A_719 = vector.broadcast %ge3A_718 : i32 to vector<16xi32>
      %ge3A_720 = arith.cmpi sge, %add3A_702, %ge3A_719 : vector<16xi32>
      %and3A_721 = arith.andi %and3A_717, %ge3A_720 : vector<16xi1>
      %lt3A_722 = arith.constant 32 : i32
      %lt3A_723 = vector.broadcast %lt3A_722 : i32 to vector<16xi32>
      %lt3A_724 = arith.cmpi slt, %add3A_702, %lt3A_723 : vector<16xi32>
      %and3A_725 = arith.andi %and3A_721, %lt3A_724 : vector<16xi1>
      %mul3A_726 = arith.constant 32 : i32
      %mul3A_727 = vector.broadcast %mul3A_726 : i32 to vector<16xi32>
      %mul3A_728 = arith.muli %add3A_696, %mul3A_727 : vector<16xi32>
      %add3A_729 = arith.addi %mul3A_728, %add3A_699 : vector<16xi32>
      %mul3A_730 = arith.constant 32 : i32
      %mul3A_731 = vector.broadcast %mul3A_730 : i32 to vector<16xi32>
      %mul3A_732 = arith.muli %add3A_729, %mul3A_731 : vector<16xi32>
      %add3A_733 = arith.addi %mul3A_732, %add3A_702 : vector<16xi32>
      %jit3A_734 = arith.constant 0 : i32
      %jit3A_735 = arith.constant 32767 : i32
      %max3A_736 = vector.broadcast %jit3A_734 : i32 to vector<16xi32>
      %max3A_737 = arith.maxsi %max3A_736, %add3A_733 : vector<16xi32>
      %min3A_738 = vector.broadcast %jit3A_735 : i32 to vector<16xi32>
      %min3A_739 = arith.minsi %min3A_738, %max3A_737 : vector<16xi32>
      %gather3A_740 = tpu.vector_load_idx %arg7[%min3A_739] : memref<32768xi32, #tpu.memory_space<vmem>>[vector<16xi32>], vector<16xi32>,
      %ge3A_741 = arith.constant 0 : i32
      %ge3A_742 = vector.broadcast %ge3A_741 : i32 to vector<16xi32>
      %ge3A_743 = arith.cmpi sge, %gather3A_740, %ge3A_742 : vector<16xi32>
      %and3A_744 = arith.andi %and3A_725, %ge3A_743 : vector<16xi1>
      %jit3A_745 = arith.constant 8192 : i32
      %broadcast_in_dim3A_746 = vector.broadcast %jit3A_745 : i32 to vector<16xi32>
      %select_n3A_747 = arith.select %and3A_744, %gather3A_740, %broadcast_in_dim3A_746 : vector<16xi1>, vector<16xi32>
      %mul3A_748 = arith.constant 27 : i32
      %mul3A_749 = vector.broadcast %mul3A_748 : i32 to vector<16xi32>
      %mul3A_750 = arith.muli %add3A_41, %mul3A_749 : vector<16xi32>
      %add3A_751 = arith.constant 11 : i32
      %add3A_752 = vector.broadcast %add3A_751 : i32 to vector<16xi32>
      %add3A_753 = arith.addi %mul3A_750, %add3A_752 : vector<16xi32>
      tpu.vector_store_idx %arg8[%add3A_753], %select_n3A_747 : memref<6912xi32, #tpu.memory_space<vmem>>[vector<16xi32>], vector<16xi32>,
      %add3A_754 = arith.constant 0 : i32
      %add3A_755 = vector.broadcast %add3A_754 : i32 to vector<16xi32>
      %add3A_756 = arith.addi %get3A_33, %add3A_755 : vector<16xi32>
      %add3A_757 = arith.constant 0 : i32
      %add3A_758 = vector.broadcast %add3A_757 : i32 to vector<16xi32>
      %add3A_759 = arith.addi %get3A_35, %add3A_758 : vector<16xi32>
      %add3A_760 = arith.constant -1 : i32
      %add3A_761 = vector.broadcast %add3A_760 : i32 to vector<16xi32>
      %add3A_762 = arith.addi %get3A_37, %add3A_761 : vector<16xi32>
      %ge3A_763 = arith.constant 0 : i32
      %ge3A_764 = vector.broadcast %ge3A_763 : i32 to vector<16xi32>
      %ge3A_765 = arith.cmpi sge, %add3A_756, %ge3A_764 : vector<16xi32>
      %lt3A_766 = arith.constant 32 : i32
      %lt3A_767 = vector.broadcast %lt3A_766 : i32 to vector<16xi32>
      %lt3A_768 = arith.cmpi slt, %add3A_756, %lt3A_767 : vector<16xi32>
      %and3A_769 = arith.andi %ge3A_765, %lt3A_768 : vector<16xi1>
      %ge3A_770 = arith.constant 0 : i32
      %ge3A_771 = vector.broadcast %ge3A_770 : i32 to vector<16xi32>
      %ge3A_772 = arith.cmpi sge, %add3A_759, %ge3A_771 : vector<16xi32>
      %and3A_773 = arith.andi %and3A_769, %ge3A_772 : vector<16xi1>
      %lt3A_774 = arith.constant 32 : i32
      %lt3A_775 = vector.broadcast %lt3A_774 : i32 to vector<16xi32>
      %lt3A_776 = arith.cmpi slt, %add3A_759, %lt3A_775 : vector<16xi32>
      %and3A_777 = arith.andi %and3A_773, %lt3A_776 : vector<16xi1>
      %ge3A_778 = arith.constant 0 : i32
      %ge3A_779 = vector.broadcast %ge3A_778 : i32 to vector<16xi32>
      %ge3A_780 = arith.cmpi sge, %add3A_762, %ge3A_779 : vector<16xi32>
      %and3A_781 = arith.andi %and3A_777, %ge3A_780 : vector<16xi1>
      %lt3A_782 = arith.constant 32 : i32
      %lt3A_783 = vector.broadcast %lt3A_782 : i32 to vector<16xi32>
      %lt3A_784 = arith.cmpi slt, %add3A_762, %lt3A_783 : vector<16xi32>
      %and3A_785 = arith.andi %and3A_781, %lt3A_784 : vector<16xi1>
      %mul3A_786 = arith.constant 32 : i32
      %mul3A_787 = vector.broadcast %mul3A_786 : i32 to vector<16xi32>
      %mul3A_788 = arith.muli %add3A_756, %mul3A_787 : vector<16xi32>
      %add3A_789 = arith.addi %mul3A_788, %add3A_759 : vector<16xi32>
      %mul3A_790 = arith.constant 32 : i32
      %mul3A_791 = vector.broadcast %mul3A_790 : i32 to vector<16xi32>
      %mul3A_792 = arith.muli %add3A_789, %mul3A_791 : vector<16xi32>
      %add3A_793 = arith.addi %mul3A_792, %add3A_762 : vector<16xi32>
      %jit3A_794 = arith.constant 0 : i32
      %jit3A_795 = arith.constant 32767 : i32
      %max3A_796 = vector.broadcast %jit3A_794 : i32 to vector<16xi32>
      %max3A_797 = arith.maxsi %max3A_796, %add3A_793 : vector<16xi32>
      %min3A_798 = vector.broadcast %jit3A_795 : i32 to vector<16xi32>
      %min3A_799 = arith.minsi %min3A_798, %max3A_797 : vector<16xi32>
      %gather3A_800 = tpu.vector_load_idx %arg7[%min3A_799] : memref<32768xi32, #tpu.memory_space<vmem>>[vector<16xi32>], vector<16xi32>,
      %ge3A_801 = arith.constant 0 : i32
      %ge3A_802 = vector.broadcast %ge3A_801 : i32 to vector<16xi32>
      %ge3A_803 = arith.cmpi sge, %gather3A_800, %ge3A_802 : vector<16xi32>
      %and3A_804 = arith.andi %and3A_785, %ge3A_803 : vector<16xi1>
      %jit3A_805 = arith.constant 8192 : i32
      %broadcast_in_dim3A_806 = vector.broadcast %jit3A_805 : i32 to vector<16xi32>
      %select_n3A_807 = arith.select %and3A_804, %gather3A_800, %broadcast_in_dim3A_806 : vector<16xi1>, vector<16xi32>
      %mul3A_808 = arith.constant 27 : i32
      %mul3A_809 = vector.broadcast %mul3A_808 : i32 to vector<16xi32>
      %mul3A_810 = arith.muli %add3A_41, %mul3A_809 : vector<16xi32>
      %add3A_811 = arith.constant 12 : i32
      %add3A_812 = vector.broadcast %add3A_811 : i32 to vector<16xi32>
      %add3A_813 = arith.addi %mul3A_810, %add3A_812 : vector<16xi32>
      tpu.vector_store_idx %arg8[%add3A_813], %select_n3A_807 : memref<6912xi32, #tpu.memory_space<vmem>>[vector<16xi32>], vector<16xi32>,
      %add3A_814 = arith.constant 0 : i32
      %add3A_815 = vector.broadcast %add3A_814 : i32 to vector<16xi32>
      %add3A_816 = arith.addi %get3A_33, %add3A_815 : vector<16xi32>
      %add3A_817 = arith.constant 0 : i32
      %add3A_818 = vector.broadcast %add3A_817 : i32 to vector<16xi32>
      %add3A_819 = arith.addi %get3A_35, %add3A_818 : vector<16xi32>
      %add3A_820 = arith.constant 0 : i32
      %add3A_821 = vector.broadcast %add3A_820 : i32 to vector<16xi32>
      %add3A_822 = arith.addi %get3A_37, %add3A_821 : vector<16xi32>
      %ge3A_823 = arith.constant 0 : i32
      %ge3A_824 = vector.broadcast %ge3A_823 : i32 to vector<16xi32>
      %ge3A_825 = arith.cmpi sge, %add3A_816, %ge3A_824 : vector<16xi32>
      %lt3A_826 = arith.constant 32 : i32
      %lt3A_827 = vector.broadcast %lt3A_826 : i32 to vector<16xi32>
      %lt3A_828 = arith.cmpi slt, %add3A_816, %lt3A_827 : vector<16xi32>
      %and3A_829 = arith.andi %ge3A_825, %lt3A_828 : vector<16xi1>
      %ge3A_830 = arith.constant 0 : i32
      %ge3A_831 = vector.broadcast %ge3A_830 : i32 to vector<16xi32>
      %ge3A_832 = arith.cmpi sge, %add3A_819, %ge3A_831 : vector<16xi32>
      %and3A_833 = arith.andi %and3A_829, %ge3A_832 : vector<16xi1>
      %lt3A_834 = arith.constant 32 : i32
      %lt3A_835 = vector.broadcast %lt3A_834 : i32 to vector<16xi32>
      %lt3A_836 = arith.cmpi slt, %add3A_819, %lt3A_835 : vector<16xi32>
      %and3A_837 = arith.andi %and3A_833, %lt3A_836 : vector<16xi1>
      %ge3A_838 = arith.constant 0 : i32
      %ge3A_839 = vector.broadcast %ge3A_838 : i32 to vector<16xi32>
      %ge3A_840 = arith.cmpi sge, %add3A_822, %ge3A_839 : vector<16xi32>
      %and3A_841 = arith.andi %and3A_837, %ge3A_840 : vector<16xi1>
      %lt3A_842 = arith.constant 32 : i32
      %lt3A_843 = vector.broadcast %lt3A_842 : i32 to vector<16xi32>
      %lt3A_844 = arith.cmpi slt, %add3A_822, %lt3A_843 : vector<16xi32>
      %and3A_845 = arith.andi %and3A_841, %lt3A_844 : vector<16xi1>
      %mul3A_846 = arith.constant 32 : i32
      %mul3A_847 = vector.broadcast %mul3A_846 : i32 to vector<16xi32>
      %mul3A_848 = arith.muli %add3A_816, %mul3A_847 : vector<16xi32>
      %add3A_849 = arith.addi %mul3A_848, %add3A_819 : vector<16xi32>
      %mul3A_850 = arith.constant 32 : i32
      %mul3A_851 = vector.broadcast %mul3A_850 : i32 to vector<16xi32>
      %mul3A_852 = arith.muli %add3A_849, %mul3A_851 : vector<16xi32>
      %add3A_853 = arith.addi %mul3A_852, %add3A_822 : vector<16xi32>
      %jit3A_854 = arith.constant 0 : i32
      %jit3A_855 = arith.constant 32767 : i32
      %max3A_856 = vector.broadcast %jit3A_854 : i32 to vector<16xi32>
      %max3A_857 = arith.maxsi %max3A_856, %add3A_853 : vector<16xi32>
      %min3A_858 = vector.broadcast %jit3A_855 : i32 to vector<16xi32>
      %min3A_859 = arith.minsi %min3A_858, %max3A_857 : vector<16xi32>
      %gather3A_860 = tpu.vector_load_idx %arg7[%min3A_859] : memref<32768xi32, #tpu.memory_space<vmem>>[vector<16xi32>], vector<16xi32>,
      %ge3A_861 = arith.constant 0 : i32
      %ge3A_862 = vector.broadcast %ge3A_861 : i32 to vector<16xi32>
      %ge3A_863 = arith.cmpi sge, %gather3A_860, %ge3A_862 : vector<16xi32>
      %and3A_864 = arith.andi %and3A_845, %ge3A_863 : vector<16xi1>
      %jit3A_865 = arith.constant 8192 : i32
      %broadcast_in_dim3A_866 = vector.broadcast %jit3A_865 : i32 to vector<16xi32>
      %select_n3A_867 = arith.select %and3A_864, %gather3A_860, %broadcast_in_dim3A_866 : vector<16xi1>, vector<16xi32>
      %mul3A_868 = arith.constant 27 : i32
      %mul3A_869 = vector.broadcast %mul3A_868 : i32 to vector<16xi32>
      %mul3A_870 = arith.muli %add3A_41, %mul3A_869 : vector<16xi32>
      %add3A_871 = arith.constant 13 : i32
      %add3A_872 = vector.broadcast %add3A_871 : i32 to vector<16xi32>
      %add3A_873 = arith.addi %mul3A_870, %add3A_872 : vector<16xi32>
      tpu.vector_store_idx %arg8[%add3A_873], %select_n3A_867 : memref<6912xi32, #tpu.memory_space<vmem>>[vector<16xi32>], vector<16xi32>,
      %add3A_874 = arith.constant 0 : i32
      %add3A_875 = vector.broadcast %add3A_874 : i32 to vector<16xi32>
      %add3A_876 = arith.addi %get3A_33, %add3A_875 : vector<16xi32>
      %add3A_877 = arith.constant 0 : i32
      %add3A_878 = vector.broadcast %add3A_877 : i32 to vector<16xi32>
      %add3A_879 = arith.addi %get3A_35, %add3A_878 : vector<16xi32>
      %add3A_880 = arith.constant 1 : i32
      %add3A_881 = vector.broadcast %add3A_880 : i32 to vector<16xi32>
      %add3A_882 = arith.addi %get3A_37, %add3A_881 : vector<16xi32>
      %ge3A_883 = arith.constant 0 : i32
      %ge3A_884 = vector.broadcast %ge3A_883 : i32 to vector<16xi32>
      %ge3A_885 = arith.cmpi sge, %add3A_876, %ge3A_884 : vector<16xi32>
      %lt3A_886 = arith.constant 32 : i32
      %lt3A_887 = vector.broadcast %lt3A_886 : i32 to vector<16xi32>
      %lt3A_888 = arith.cmpi slt, %add3A_876, %lt3A_887 : vector<16xi32>
      %and3A_889 = arith.andi %ge3A_885, %lt3A_888 : vector<16xi1>
      %ge3A_890 = arith.constant 0 : i32
      %ge3A_891 = vector.broadcast %ge3A_890 : i32 to vector<16xi32>
      %ge3A_892 = arith.cmpi sge, %add3A_879, %ge3A_891 : vector<16xi32>
      %and3A_893 = arith.andi %and3A_889, %ge3A_892 : vector<16xi1>
      %lt3A_894 = arith.constant 32 : i32
      %lt3A_895 = vector.broadcast %lt3A_894 : i32 to vector<16xi32>
      %lt3A_896 = arith.cmpi slt, %add3A_879, %lt3A_895 : vector<16xi32>
      %and3A_897 = arith.andi %and3A_893, %lt3A_896 : vector<16xi1>
      %ge3A_898 = arith.constant 0 : i32
      %ge3A_899 = vector.broadcast %ge3A_898 : i32 to vector<16xi32>
      %ge3A_900 = arith.cmpi sge, %add3A_882, %ge3A_899 : vector<16xi32>
      %and3A_901 = arith.andi %and3A_897, %ge3A_900 : vector<16xi1>
      %lt3A_902 = arith.constant 32 : i32
      %lt3A_903 = vector.broadcast %lt3A_902 : i32 to vector<16xi32>
      %lt3A_904 = arith.cmpi slt, %add3A_882, %lt3A_903 : vector<16xi32>
      %and3A_905 = arith.andi %and3A_901, %lt3A_904 : vector<16xi1>
      %mul3A_906 = arith.constant 32 : i32
      %mul3A_907 = vector.broadcast %mul3A_906 : i32 to vector<16xi32>
      %mul3A_908 = arith.muli %add3A_876, %mul3A_907 : vector<16xi32>
      %add3A_909 = arith.addi %mul3A_908, %add3A_879 : vector<16xi32>
      %mul3A_910 = arith.constant 32 : i32
      %mul3A_911 = vector.broadcast %mul3A_910 : i32 to vector<16xi32>
      %mul3A_912 = arith.muli %add3A_909, %mul3A_911 : vector<16xi32>
      %add3A_913 = arith.addi %mul3A_912, %add3A_882 : vector<16xi32>
      %jit3A_914 = arith.constant 0 : i32
      %jit3A_915 = arith.constant 32767 : i32
      %max3A_916 = vector.broadcast %jit3A_914 : i32 to vector<16xi32>
      %max3A_917 = arith.maxsi %max3A_916, %add3A_913 : vector<16xi32>
      %min3A_918 = vector.broadcast %jit3A_915 : i32 to vector<16xi32>
      %min3A_919 = arith.minsi %min3A_918, %max3A_917 : vector<16xi32>
      %gather3A_920 = tpu.vector_load_idx %arg7[%min3A_919] : memref<32768xi32, #tpu.memory_space<vmem>>[vector<16xi32>], vector<16xi32>,
      %ge3A_921 = arith.constant 0 : i32
      %ge3A_922 = vector.broadcast %ge3A_921 : i32 to vector<16xi32>
      %ge3A_923 = arith.cmpi sge, %gather3A_920, %ge3A_922 : vector<16xi32>
      %and3A_924 = arith.andi %and3A_905, %ge3A_923 : vector<16xi1>
      %jit3A_925 = arith.constant 8192 : i32
      %broadcast_in_dim3A_926 = vector.broadcast %jit3A_925 : i32 to vector<16xi32>
      %select_n3A_927 = arith.select %and3A_924, %gather3A_920, %broadcast_in_dim3A_926 : vector<16xi1>, vector<16xi32>
      %mul3A_928 = arith.constant 27 : i32
      %mul3A_929 = vector.broadcast %mul3A_928 : i32 to vector<16xi32>
      %mul3A_930 = arith.muli %add3A_41, %mul3A_929 : vector<16xi32>
      %add3A_931 = arith.constant 14 : i32
      %add3A_932 = vector.broadcast %add3A_931 : i32 to vector<16xi32>
      %add3A_933 = arith.addi %mul3A_930, %add3A_932 : vector<16xi32>
      tpu.vector_store_idx %arg8[%add3A_933], %select_n3A_927 : memref<6912xi32, #tpu.memory_space<vmem>>[vector<16xi32>], vector<16xi32>,
      %add3A_934 = arith.constant 0 : i32
      %add3A_935 = vector.broadcast %add3A_934 : i32 to vector<16xi32>
      %add3A_936 = arith.addi %get3A_33, %add3A_935 : vector<16xi32>
      %add3A_937 = arith.constant 1 : i32
      %add3A_938 = vector.broadcast %add3A_937 : i32 to vector<16xi32>
      %add3A_939 = arith.addi %get3A_35, %add3A_938 : vector<16xi32>
      %add3A_940 = arith.constant -1 : i32
      %add3A_941 = vector.broadcast %add3A_940 : i32 to vector<16xi32>
      %add3A_942 = arith.addi %get3A_37, %add3A_941 : vector<16xi32>
      %ge3A_943 = arith.constant 0 : i32
      %ge3A_944 = vector.broadcast %ge3A_943 : i32 to vector<16xi32>
      %ge3A_945 = arith.cmpi sge, %add3A_936, %ge3A_944 : vector<16xi32>
      %lt3A_946 = arith.constant 32 : i32
      %lt3A_947 = vector.broadcast %lt3A_946 : i32 to vector<16xi32>
      %lt3A_948 = arith.cmpi slt, %add3A_936, %lt3A_947 : vector<16xi32>
      %and3A_949 = arith.andi %ge3A_945, %lt3A_948 : vector<16xi1>
      %ge3A_950 = arith.constant 0 : i32
      %ge3A_951 = vector.broadcast %ge3A_950 : i32 to vector<16xi32>
      %ge3A_952 = arith.cmpi sge, %add3A_939, %ge3A_951 : vector<16xi32>
      %and3A_953 = arith.andi %and3A_949, %ge3A_952 : vector<16xi1>
      %lt3A_954 = arith.constant 32 : i32
      %lt3A_955 = vector.broadcast %lt3A_954 : i32 to vector<16xi32>
      %lt3A_956 = arith.cmpi slt, %add3A_939, %lt3A_955 : vector<16xi32>
      %and3A_957 = arith.andi %and3A_953, %lt3A_956 : vector<16xi1>
      %ge3A_958 = arith.constant 0 : i32
      %ge3A_959 = vector.broadcast %ge3A_958 : i32 to vector<16xi32>
      %ge3A_960 = arith.cmpi sge, %add3A_942, %ge3A_959 : vector<16xi32>
      %and3A_961 = arith.andi %and3A_957, %ge3A_960 : vector<16xi1>
      %lt3A_962 = arith.constant 32 : i32
      %lt3A_963 = vector.broadcast %lt3A_962 : i32 to vector<16xi32>
      %lt3A_964 = arith.cmpi slt, %add3A_942, %lt3A_963 : vector<16xi32>
      %and3A_965 = arith.andi %and3A_961, %lt3A_964 : vector<16xi1>
      %mul3A_966 = arith.constant 32 : i32
      %mul3A_967 = vector.broadcast %mul3A_966 : i32 to vector<16xi32>
      %mul3A_968 = arith.muli %add3A_936, %mul3A_967 : vector<16xi32>
      %add3A_969 = arith.addi %mul3A_968, %add3A_939 : vector<16xi32>
      %mul3A_970 = arith.constant 32 : i32
      %mul3A_971 = vector.broadcast %mul3A_970 : i32 to vector<16xi32>
      %mul3A_972 = arith.muli %add3A_969, %mul3A_971 : vector<16xi32>
      %add3A_973 = arith.addi %mul3A_972, %add3A_942 : vector<16xi32>
      %jit3A_974 = arith.constant 0 : i32
      %jit3A_975 = arith.constant 32767 : i32
      %max3A_976 = vector.broadcast %jit3A_974 : i32 to vector<16xi32>
      %max3A_977 = arith.maxsi %max3A_976, %add3A_973 : vector<16xi32>
      %min3A_978 = vector.broadcast %jit3A_975 : i32 to vector<16xi32>
      %min3A_979 = arith.minsi %min3A_978, %max3A_977 : vector<16xi32>
      %gather3A_980 = tpu.vector_load_idx %arg7[%min3A_979] : memref<32768xi32, #tpu.memory_space<vmem>>[vector<16xi32>], vector<16xi32>,
      %ge3A_981 = arith.constant 0 : i32
      %ge3A_982 = vector.broadcast %ge3A_981 : i32 to vector<16xi32>
      %ge3A_983 = arith.cmpi sge, %gather3A_980, %ge3A_982 : vector<16xi32>
      %and3A_984 = arith.andi %and3A_965, %ge3A_983 : vector<16xi1>
      %jit3A_985 = arith.constant 8192 : i32
      %broadcast_in_dim3A_986 = vector.broadcast %jit3A_985 : i32 to vector<16xi32>
      %select_n3A_987 = arith.select %and3A_984, %gather3A_980, %broadcast_in_dim3A_986 : vector<16xi1>, vector<16xi32>
      %mul3A_988 = arith.constant 27 : i32
      %mul3A_989 = vector.broadcast %mul3A_988 : i32 to vector<16xi32>
      %mul3A_990 = arith.muli %add3A_41, %mul3A_989 : vector<16xi32>
      %add3A_991 = arith.constant 15 : i32
      %add3A_992 = vector.broadcast %add3A_991 : i32 to vector<16xi32>
      %add3A_993 = arith.addi %mul3A_990, %add3A_992 : vector<16xi32>
      tpu.vector_store_idx %arg8[%add3A_993], %select_n3A_987 : memref<6912xi32, #tpu.memory_space<vmem>>[vector<16xi32>], vector<16xi32>,
      %add3A_994 = arith.constant 0 : i32
      %add3A_995 = vector.broadcast %add3A_994 : i32 to vector<16xi32>
      %add3A_996 = arith.addi %get3A_33, %add3A_995 : vector<16xi32>
      %add3A_997 = arith.constant 1 : i32
      %add3A_998 = vector.broadcast %add3A_997 : i32 to vector<16xi32>
      %add3A_999 = arith.addi %get3A_35, %add3A_998 : vector<16xi32>
      %add3A_1000 = arith.constant 0 : i32
      %add3A_1001 = vector.broadcast %add3A_1000 : i32 to vector<16xi32>
      %add3A_1002 = arith.addi %get3A_37, %add3A_1001 : vector<16xi32>
      %ge3A_1003 = arith.constant 0 : i32
      %ge3A_1004 = vector.broadcast %ge3A_1003 : i32 to vector<16xi32>
      %ge3A_1005 = arith.cmpi sge, %add3A_996, %ge3A_1004 : vector<16xi32>
      %lt3A_1006 = arith.constant 32 : i32
      %lt3A_1007 = vector.broadcast %lt3A_1006 : i32 to vector<16xi32>
      %lt3A_1008 = arith.cmpi slt, %add3A_996, %lt3A_1007 : vector<16xi32>
      %and3A_1009 = arith.andi %ge3A_1005, %lt3A_1008 : vector<16xi1>
      %ge3A_1010 = arith.constant 0 : i32
      %ge3A_1011 = vector.broadcast %ge3A_1010 : i32 to vector<16xi32>
      %ge3A_1012 = arith.cmpi sge, %add3A_999, %ge3A_1011 : vector<16xi32>
      %and3A_1013 = arith.andi %and3A_1009, %ge3A_1012 : vector<16xi1>
      %lt3A_1014 = arith.constant 32 : i32
      %lt3A_1015 = vector.broadcast %lt3A_1014 : i32 to vector<16xi32>
      %lt3A_1016 = arith.cmpi slt, %add3A_999, %lt3A_1015 : vector<16xi32>
      %and3A_1017 = arith.andi %and3A_1013, %lt3A_1016 : vector<16xi1>
      %ge3A_1018 = arith.constant 0 : i32
      %ge3A_1019 = vector.broadcast %ge3A_1018 : i32 to vector<16xi32>
      %ge3A_1020 = arith.cmpi sge, %add3A_1002, %ge3A_1019 : vector<16xi32>
      %and3A_1021 = arith.andi %and3A_1017, %ge3A_1020 : vector<16xi1>
      %lt3A_1022 = arith.constant 32 : i32
      %lt3A_1023 = vector.broadcast %lt3A_1022 : i32 to vector<16xi32>
      %lt3A_1024 = arith.cmpi slt, %add3A_1002, %lt3A_1023 : vector<16xi32>
      %and3A_1025 = arith.andi %and3A_1021, %lt3A_1024 : vector<16xi1>
      %mul3A_1026 = arith.constant 32 : i32
      %mul3A_1027 = vector.broadcast %mul3A_1026 : i32 to vector<16xi32>
      %mul3A_1028 = arith.muli %add3A_996, %mul3A_1027 : vector<16xi32>
      %add3A_1029 = arith.addi %mul3A_1028, %add3A_999 : vector<16xi32>
      %mul3A_1030 = arith.constant 32 : i32
      %mul3A_1031 = vector.broadcast %mul3A_1030 : i32 to vector<16xi32>
      %mul3A_1032 = arith.muli %add3A_1029, %mul3A_1031 : vector<16xi32>
      %add3A_1033 = arith.addi %mul3A_1032, %add3A_1002 : vector<16xi32>
      %jit3A_1034 = arith.constant 0 : i32
      %jit3A_1035 = arith.constant 32767 : i32
      %max3A_1036 = vector.broadcast %jit3A_1034 : i32 to vector<16xi32>
      %max3A_1037 = arith.maxsi %max3A_1036, %add3A_1033 : vector<16xi32>
      %min3A_1038 = vector.broadcast %jit3A_1035 : i32 to vector<16xi32>
      %min3A_1039 = arith.minsi %min3A_1038, %max3A_1037 : vector<16xi32>
      %gather3A_1040 = tpu.vector_load_idx %arg7[%min3A_1039] : memref<32768xi32, #tpu.memory_space<vmem>>[vector<16xi32>], vector<16xi32>,
      %ge3A_1041 = arith.constant 0 : i32
      %ge3A_1042 = vector.broadcast %ge3A_1041 : i32 to vector<16xi32>
      %ge3A_1043 = arith.cmpi sge, %gather3A_1040, %ge3A_1042 : vector<16xi32>
      %and3A_1044 = arith.andi %and3A_1025, %ge3A_1043 : vector<16xi1>
      %jit3A_1045 = arith.constant 8192 : i32
      %broadcast_in_dim3A_1046 = vector.broadcast %jit3A_1045 : i32 to vector<16xi32>
      %select_n3A_1047 = arith.select %and3A_1044, %gather3A_1040, %broadcast_in_dim3A_1046 : vector<16xi1>, vector<16xi32>
      %mul3A_1048 = arith.constant 27 : i32
      %mul3A_1049 = vector.broadcast %mul3A_1048 : i32 to vector<16xi32>
      %mul3A_1050 = arith.muli %add3A_41, %mul3A_1049 : vector<16xi32>
      %add3A_1051 = arith.constant 16 : i32
      %add3A_1052 = vector.broadcast %add3A_1051 : i32 to vector<16xi32>
      %add3A_1053 = arith.addi %mul3A_1050, %add3A_1052 : vector<16xi32>
      tpu.vector_store_idx %arg8[%add3A_1053], %select_n3A_1047 : memref<6912xi32, #tpu.memory_space<vmem>>[vector<16xi32>], vector<16xi32>,
      %add3A_1054 = arith.constant 0 : i32
      %add3A_1055 = vector.broadcast %add3A_1054 : i32 to vector<16xi32>
      %add3A_1056 = arith.addi %get3A_33, %add3A_1055 : vector<16xi32>
      %add3A_1057 = arith.constant 1 : i32
      %add3A_1058 = vector.broadcast %add3A_1057 : i32 to vector<16xi32>
      %add3A_1059 = arith.addi %get3A_35, %add3A_1058 : vector<16xi32>
      %add3A_1060 = arith.constant 1 : i32
      %add3A_1061 = vector.broadcast %add3A_1060 : i32 to vector<16xi32>
      %add3A_1062 = arith.addi %get3A_37, %add3A_1061 : vector<16xi32>
      %ge3A_1063 = arith.constant 0 : i32
      %ge3A_1064 = vector.broadcast %ge3A_1063 : i32 to vector<16xi32>
      %ge3A_1065 = arith.cmpi sge, %add3A_1056, %ge3A_1064 : vector<16xi32>
      %lt3A_1066 = arith.constant 32 : i32
      %lt3A_1067 = vector.broadcast %lt3A_1066 : i32 to vector<16xi32>
      %lt3A_1068 = arith.cmpi slt, %add3A_1056, %lt3A_1067 : vector<16xi32>
      %and3A_1069 = arith.andi %ge3A_1065, %lt3A_1068 : vector<16xi1>
      %ge3A_1070 = arith.constant 0 : i32
      %ge3A_1071 = vector.broadcast %ge3A_1070 : i32 to vector<16xi32>
      %ge3A_1072 = arith.cmpi sge, %add3A_1059, %ge3A_1071 : vector<16xi32>
      %and3A_1073 = arith.andi %and3A_1069, %ge3A_1072 : vector<16xi1>
      %lt3A_1074 = arith.constant 32 : i32
      %lt3A_1075 = vector.broadcast %lt3A_1074 : i32 to vector<16xi32>
      %lt3A_1076 = arith.cmpi slt, %add3A_1059, %lt3A_1075 : vector<16xi32>
      %and3A_1077 = arith.andi %and3A_1073, %lt3A_1076 : vector<16xi1>
      %ge3A_1078 = arith.constant 0 : i32
      %ge3A_1079 = vector.broadcast %ge3A_1078 : i32 to vector<16xi32>
      %ge3A_1080 = arith.cmpi sge, %add3A_1062, %ge3A_1079 : vector<16xi32>
      %and3A_1081 = arith.andi %and3A_1077, %ge3A_1080 : vector<16xi1>
      %lt3A_1082 = arith.constant 32 : i32
      %lt3A_1083 = vector.broadcast %lt3A_1082 : i32 to vector<16xi32>
      %lt3A_1084 = arith.cmpi slt, %add3A_1062, %lt3A_1083 : vector<16xi32>
      %and3A_1085 = arith.andi %and3A_1081, %lt3A_1084 : vector<16xi1>
      %mul3A_1086 = arith.constant 32 : i32
      %mul3A_1087 = vector.broadcast %mul3A_1086 : i32 to vector<16xi32>
      %mul3A_1088 = arith.muli %add3A_1056, %mul3A_1087 : vector<16xi32>
      %add3A_1089 = arith.addi %mul3A_1088, %add3A_1059 : vector<16xi32>
      %mul3A_1090 = arith.constant 32 : i32
      %mul3A_1091 = vector.broadcast %mul3A_1090 : i32 to vector<16xi32>
      %mul3A_1092 = arith.muli %add3A_1089, %mul3A_1091 : vector<16xi32>
      %add3A_1093 = arith.addi %mul3A_1092, %add3A_1062 : vector<16xi32>
      %jit3A_1094 = arith.constant 0 : i32
      %jit3A_1095 = arith.constant 32767 : i32
      %max3A_1096 = vector.broadcast %jit3A_1094 : i32 to vector<16xi32>
      %max3A_1097 = arith.maxsi %max3A_1096, %add3A_1093 : vector<16xi32>
      %min3A_1098 = vector.broadcast %jit3A_1095 : i32 to vector<16xi32>
      %min3A_1099 = arith.minsi %min3A_1098, %max3A_1097 : vector<16xi32>
      %gather3A_1100 = tpu.vector_load_idx %arg7[%min3A_1099] : memref<32768xi32, #tpu.memory_space<vmem>>[vector<16xi32>], vector<16xi32>,
      %ge3A_1101 = arith.constant 0 : i32
      %ge3A_1102 = vector.broadcast %ge3A_1101 : i32 to vector<16xi32>
      %ge3A_1103 = arith.cmpi sge, %gather3A_1100, %ge3A_1102 : vector<16xi32>
      %and3A_1104 = arith.andi %and3A_1085, %ge3A_1103 : vector<16xi1>
      %jit3A_1105 = arith.constant 8192 : i32
      %broadcast_in_dim3A_1106 = vector.broadcast %jit3A_1105 : i32 to vector<16xi32>
      %select_n3A_1107 = arith.select %and3A_1104, %gather3A_1100, %broadcast_in_dim3A_1106 : vector<16xi1>, vector<16xi32>
      %mul3A_1108 = arith.constant 27 : i32
      %mul3A_1109 = vector.broadcast %mul3A_1108 : i32 to vector<16xi32>
      %mul3A_1110 = arith.muli %add3A_41, %mul3A_1109 : vector<16xi32>
      %add3A_1111 = arith.constant 17 : i32
      %add3A_1112 = vector.broadcast %add3A_1111 : i32 to vector<16xi32>
      %add3A_1113 = arith.addi %mul3A_1110, %add3A_1112 : vector<16xi32>
      tpu.vector_store_idx %arg8[%add3A_1113], %select_n3A_1107 : memref<6912xi32, #tpu.memory_space<vmem>>[vector<16xi32>], vector<16xi32>,
      %add3A_1114 = arith.constant 1 : i32
      %add3A_1115 = vector.broadcast %add3A_1114 : i32 to vector<16xi32>
      %add3A_1116 = arith.addi %get3A_33, %add3A_1115 : vector<16xi32>
      %add3A_1117 = arith.constant -1 : i32
      %add3A_1118 = vector.broadcast %add3A_1117 : i32 to vector<16xi32>
      %add3A_1119 = arith.addi %get3A_35, %add3A_1118 : vector<16xi32>
      %add3A_1120 = arith.constant -1 : i32
      %add3A_1121 = vector.broadcast %add3A_1120 : i32 to vector<16xi32>
      %add3A_1122 = arith.addi %get3A_37, %add3A_1121 : vector<16xi32>
      %ge3A_1123 = arith.constant 0 : i32
      %ge3A_1124 = vector.broadcast %ge3A_1123 : i32 to vector<16xi32>
      %ge3A_1125 = arith.cmpi sge, %add3A_1116, %ge3A_1124 : vector<16xi32>
      %lt3A_1126 = arith.constant 32 : i32
      %lt3A_1127 = vector.broadcast %lt3A_1126 : i32 to vector<16xi32>
      %lt3A_1128 = arith.cmpi slt, %add3A_1116, %lt3A_1127 : vector<16xi32>
      %and3A_1129 = arith.andi %ge3A_1125, %lt3A_1128 : vector<16xi1>
      %ge3A_1130 = arith.constant 0 : i32
      %ge3A_1131 = vector.broadcast %ge3A_1130 : i32 to vector<16xi32>
      %ge3A_1132 = arith.cmpi sge, %add3A_1119, %ge3A_1131 : vector<16xi32>
      %and3A_1133 = arith.andi %and3A_1129, %ge3A_1132 : vector<16xi1>
      %lt3A_1134 = arith.constant 32 : i32
      %lt3A_1135 = vector.broadcast %lt3A_1134 : i32 to vector<16xi32>
      %lt3A_1136 = arith.cmpi slt, %add3A_1119, %lt3A_1135 : vector<16xi32>
      %and3A_1137 = arith.andi %and3A_1133, %lt3A_1136 : vector<16xi1>
      %ge3A_1138 = arith.constant 0 : i32
      %ge3A_1139 = vector.broadcast %ge3A_1138 : i32 to vector<16xi32>
      %ge3A_1140 = arith.cmpi sge, %add3A_1122, %ge3A_1139 : vector<16xi32>
      %and3A_1141 = arith.andi %and3A_1137, %ge3A_1140 : vector<16xi1>
      %lt3A_1142 = arith.constant 32 : i32
      %lt3A_1143 = vector.broadcast %lt3A_1142 : i32 to vector<16xi32>
      %lt3A_1144 = arith.cmpi slt, %add3A_1122, %lt3A_1143 : vector<16xi32>
      %and3A_1145 = arith.andi %and3A_1141, %lt3A_1144 : vector<16xi1>
      %mul3A_1146 = arith.constant 32 : i32
      %mul3A_1147 = vector.broadcast %mul3A_1146 : i32 to vector<16xi32>
      %mul3A_1148 = arith.muli %add3A_1116, %mul3A_1147 : vector<16xi32>
      %add3A_1149 = arith.addi %mul3A_1148, %add3A_1119 : vector<16xi32>
      %mul3A_1150 = arith.constant 32 : i32
      %mul3A_1151 = vector.broadcast %mul3A_1150 : i32 to vector<16xi32>
      %mul3A_1152 = arith.muli %add3A_1149, %mul3A_1151 : vector<16xi32>
      %add3A_1153 = arith.addi %mul3A_1152, %add3A_1122 : vector<16xi32>
      %jit3A_1154 = arith.constant 0 : i32
      %jit3A_1155 = arith.constant 32767 : i32
      %max3A_1156 = vector.broadcast %jit3A_1154 : i32 to vector<16xi32>
      %max3A_1157 = arith.maxsi %max3A_1156, %add3A_1153 : vector<16xi32>
      %min3A_1158 = vector.broadcast %jit3A_1155 : i32 to vector<16xi32>
      %min3A_1159 = arith.minsi %min3A_1158, %max3A_1157 : vector<16xi32>
      %gather3A_1160 = tpu.vector_load_idx %arg7[%min3A_1159] : memref<32768xi32, #tpu.memory_space<vmem>>[vector<16xi32>], vector<16xi32>,
      %ge3A_1161 = arith.constant 0 : i32
      %ge3A_1162 = vector.broadcast %ge3A_1161 : i32 to vector<16xi32>
      %ge3A_1163 = arith.cmpi sge, %gather3A_1160, %ge3A_1162 : vector<16xi32>
      %and3A_1164 = arith.andi %and3A_1145, %ge3A_1163 : vector<16xi1>
      %jit3A_1165 = arith.constant 8192 : i32
      %broadcast_in_dim3A_1166 = vector.broadcast %jit3A_1165 : i32 to vector<16xi32>
      %select_n3A_1167 = arith.select %and3A_1164, %gather3A_1160, %broadcast_in_dim3A_1166 : vector<16xi1>, vector<16xi32>
      %mul3A_1168 = arith.constant 27 : i32
      %mul3A_1169 = vector.broadcast %mul3A_1168 : i32 to vector<16xi32>
      %mul3A_1170 = arith.muli %add3A_41, %mul3A_1169 : vector<16xi32>
      %add3A_1171 = arith.constant 18 : i32
      %add3A_1172 = vector.broadcast %add3A_1171 : i32 to vector<16xi32>
      %add3A_1173 = arith.addi %mul3A_1170, %add3A_1172 : vector<16xi32>
      tpu.vector_store_idx %arg8[%add3A_1173], %select_n3A_1167 : memref<6912xi32, #tpu.memory_space<vmem>>[vector<16xi32>], vector<16xi32>,
      %add3A_1174 = arith.constant 1 : i32
      %add3A_1175 = vector.broadcast %add3A_1174 : i32 to vector<16xi32>
      %add3A_1176 = arith.addi %get3A_33, %add3A_1175 : vector<16xi32>
      %add3A_1177 = arith.constant -1 : i32
      %add3A_1178 = vector.broadcast %add3A_1177 : i32 to vector<16xi32>
      %add3A_1179 = arith.addi %get3A_35, %add3A_1178 : vector<16xi32>
      %add3A_1180 = arith.constant 0 : i32
      %add3A_1181 = vector.broadcast %add3A_1180 : i32 to vector<16xi32>
      %add3A_1182 = arith.addi %get3A_37, %add3A_1181 : vector<16xi32>
      %ge3A_1183 = arith.constant 0 : i32
      %ge3A_1184 = vector.broadcast %ge3A_1183 : i32 to vector<16xi32>
      %ge3A_1185 = arith.cmpi sge, %add3A_1176, %ge3A_1184 : vector<16xi32>
      %lt3A_1186 = arith.constant 32 : i32
      %lt3A_1187 = vector.broadcast %lt3A_1186 : i32 to vector<16xi32>
      %lt3A_1188 = arith.cmpi slt, %add3A_1176, %lt3A_1187 : vector<16xi32>
      %and3A_1189 = arith.andi %ge3A_1185, %lt3A_1188 : vector<16xi1>
      %ge3A_1190 = arith.constant 0 : i32
      %ge3A_1191 = vector.broadcast %ge3A_1190 : i32 to vector<16xi32>
      %ge3A_1192 = arith.cmpi sge, %add3A_1179, %ge3A_1191 : vector<16xi32>
      %and3A_1193 = arith.andi %and3A_1189, %ge3A_1192 : vector<16xi1>
      %lt3A_1194 = arith.constant 32 : i32
      %lt3A_1195 = vector.broadcast %lt3A_1194 : i32 to vector<16xi32>
      %lt3A_1196 = arith.cmpi slt, %add3A_1179, %lt3A_1195 : vector<16xi32>
      %and3A_1197 = arith.andi %and3A_1193, %lt3A_1196 : vector<16xi1>
      %ge3A_1198 = arith.constant 0 : i32
      %ge3A_1199 = vector.broadcast %ge3A_1198 : i32 to vector<16xi32>
      %ge3A_1200 = arith.cmpi sge, %add3A_1182, %ge3A_1199 : vector<16xi32>
      %and3A_1201 = arith.andi %and3A_1197, %ge3A_1200 : vector<16xi1>
      %lt3A_1202 = arith.constant 32 : i32
      %lt3A_1203 = vector.broadcast %lt3A_1202 : i32 to vector<16xi32>
      %lt3A_1204 = arith.cmpi slt, %add3A_1182, %lt3A_1203 : vector<16xi32>
      %and3A_1205 = arith.andi %and3A_1201, %lt3A_1204 : vector<16xi1>
      %mul3A_1206 = arith.constant 32 : i32
      %mul3A_1207 = vector.broadcast %mul3A_1206 : i32 to vector<16xi32>
      %mul3A_1208 = arith.muli %add3A_1176, %mul3A_1207 : vector<16xi32>
      %add3A_1209 = arith.addi %mul3A_1208, %add3A_1179 : vector<16xi32>
      %mul3A_1210 = arith.constant 32 : i32
      %mul3A_1211 = vector.broadcast %mul3A_1210 : i32 to vector<16xi32>
      %mul3A_1212 = arith.muli %add3A_1209, %mul3A_1211 : vector<16xi32>
      %add3A_1213 = arith.addi %mul3A_1212, %add3A_1182 : vector<16xi32>
      %jit3A_1214 = arith.constant 0 : i32
      %jit3A_1215 = arith.constant 32767 : i32
      %max3A_1216 = vector.broadcast %jit3A_1214 : i32 to vector<16xi32>
      %max3A_1217 = arith.maxsi %max3A_1216, %add3A_1213 : vector<16xi32>
      %min3A_1218 = vector.broadcast %jit3A_1215 : i32 to vector<16xi32>
      %min3A_1219 = arith.minsi %min3A_1218, %max3A_1217 : vector<16xi32>
      %gather3A_1220 = tpu.vector_load_idx %arg7[%min3A_1219] : memref<32768xi32, #tpu.memory_space<vmem>>[vector<16xi32>], vector<16xi32>,
      %ge3A_1221 = arith.constant 0 : i32
      %ge3A_1222 = vector.broadcast %ge3A_1221 : i32 to vector<16xi32>
      %ge3A_1223 = arith.cmpi sge, %gather3A_1220, %ge3A_1222 : vector<16xi32>
      %and3A_1224 = arith.andi %and3A_1205, %ge3A_1223 : vector<16xi1>
      %jit3A_1225 = arith.constant 8192 : i32
      %broadcast_in_dim3A_1226 = vector.broadcast %jit3A_1225 : i32 to vector<16xi32>
      %select_n3A_1227 = arith.select %and3A_1224, %gather3A_1220, %broadcast_in_dim3A_1226 : vector<16xi1>, vector<16xi32>
      %mul3A_1228 = arith.constant 27 : i32
      %mul3A_1229 = vector.broadcast %mul3A_1228 : i32 to vector<16xi32>
      %mul3A_1230 = arith.muli %add3A_41, %mul3A_1229 : vector<16xi32>
      %add3A_1231 = arith.constant 19 : i32
      %add3A_1232 = vector.broadcast %add3A_1231 : i32 to vector<16xi32>
      %add3A_1233 = arith.addi %mul3A_1230, %add3A_1232 : vector<16xi32>
      tpu.vector_store_idx %arg8[%add3A_1233], %select_n3A_1227 : memref<6912xi32, #tpu.memory_space<vmem>>[vector<16xi32>], vector<16xi32>,
      %add3A_1234 = arith.constant 1 : i32
      %add3A_1235 = vector.broadcast %add3A_1234 : i32 to vector<16xi32>
      %add3A_1236 = arith.addi %get3A_33, %add3A_1235 : vector<16xi32>
      %add3A_1237 = arith.constant -1 : i32
      %add3A_1238 = vector.broadcast %add3A_1237 : i32 to vector<16xi32>
      %add3A_1239 = arith.addi %get3A_35, %add3A_1238 : vector<16xi32>
      %add3A_1240 = arith.constant 1 : i32
      %add3A_1241 = vector.broadcast %add3A_1240 : i32 to vector<16xi32>
      %add3A_1242 = arith.addi %get3A_37, %add3A_1241 : vector<16xi32>
      %ge3A_1243 = arith.constant 0 : i32
      %ge3A_1244 = vector.broadcast %ge3A_1243 : i32 to vector<16xi32>
      %ge3A_1245 = arith.cmpi sge, %add3A_1236, %ge3A_1244 : vector<16xi32>
      %lt3A_1246 = arith.constant 32 : i32
      %lt3A_1247 = vector.broadcast %lt3A_1246 : i32 to vector<16xi32>
      %lt3A_1248 = arith.cmpi slt, %add3A_1236, %lt3A_1247 : vector<16xi32>
      %and3A_1249 = arith.andi %ge3A_1245, %lt3A_1248 : vector<16xi1>
      %ge3A_1250 = arith.constant 0 : i32
      %ge3A_1251 = vector.broadcast %ge3A_1250 : i32 to vector<16xi32>
      %ge3A_1252 = arith.cmpi sge, %add3A_1239, %ge3A_1251 : vector<16xi32>
      %and3A_1253 = arith.andi %and3A_1249, %ge3A_1252 : vector<16xi1>
      %lt3A_1254 = arith.constant 32 : i32
      %lt3A_1255 = vector.broadcast %lt3A_1254 : i32 to vector<16xi32>
      %lt3A_1256 = arith.cmpi slt, %add3A_1239, %lt3A_1255 : vector<16xi32>
      %and3A_1257 = arith.andi %and3A_1253, %lt3A_1256 : vector<16xi1>
      %ge3A_1258 = arith.constant 0 : i32
      %ge3A_1259 = vector.broadcast %ge3A_1258 : i32 to vector<16xi32>
      %ge3A_1260 = arith.cmpi sge, %add3A_1242, %ge3A_1259 : vector<16xi32>
      %and3A_1261 = arith.andi %and3A_1257, %ge3A_1260 : vector<16xi1>
      %lt3A_1262 = arith.constant 32 : i32
      %lt3A_1263 = vector.broadcast %lt3A_1262 : i32 to vector<16xi32>
      %lt3A_1264 = arith.cmpi slt, %add3A_1242, %lt3A_1263 : vector<16xi32>
      %and3A_1265 = arith.andi %and3A_1261, %lt3A_1264 : vector<16xi1>
      %mul3A_1266 = arith.constant 32 : i32
      %mul3A_1267 = vector.broadcast %mul3A_1266 : i32 to vector<16xi32>
      %mul3A_1268 = arith.muli %add3A_1236, %mul3A_1267 : vector<16xi32>
      %add3A_1269 = arith.addi %mul3A_1268, %add3A_1239 : vector<16xi32>
      %mul3A_1270 = arith.constant 32 : i32
      %mul3A_1271 = vector.broadcast %mul3A_1270 : i32 to vector<16xi32>
      %mul3A_1272 = arith.muli %add3A_1269, %mul3A_1271 : vector<16xi32>
      %add3A_1273 = arith.addi %mul3A_1272, %add3A_1242 : vector<16xi32>
      %jit3A_1274 = arith.constant 0 : i32
      %jit3A_1275 = arith.constant 32767 : i32
      %max3A_1276 = vector.broadcast %jit3A_1274 : i32 to vector<16xi32>
      %max3A_1277 = arith.maxsi %max3A_1276, %add3A_1273 : vector<16xi32>
      %min3A_1278 = vector.broadcast %jit3A_1275 : i32 to vector<16xi32>
      %min3A_1279 = arith.minsi %min3A_1278, %max3A_1277 : vector<16xi32>
      %gather3A_1280 = tpu.vector_load_idx %arg7[%min3A_1279] : memref<32768xi32, #tpu.memory_space<vmem>>[vector<16xi32>], vector<16xi32>,
      %ge3A_1281 = arith.constant 0 : i32
      %ge3A_1282 = vector.broadcast %ge3A_1281 : i32 to vector<16xi32>
      %ge3A_1283 = arith.cmpi sge, %gather3A_1280, %ge3A_1282 : vector<16xi32>
      %and3A_1284 = arith.andi %and3A_1265, %ge3A_1283 : vector<16xi1>
      %jit3A_1285 = arith.constant 8192 : i32
      %broadcast_in_dim3A_1286 = vector.broadcast %jit3A_1285 : i32 to vector<16xi32>
      %select_n3A_1287 = arith.select %and3A_1284, %gather3A_1280, %broadcast_in_dim3A_1286 : vector<16xi1>, vector<16xi32>
      %mul3A_1288 = arith.constant 27 : i32
      %mul3A_1289 = vector.broadcast %mul3A_1288 : i32 to vector<16xi32>
      %mul3A_1290 = arith.muli %add3A_41, %mul3A_1289 : vector<16xi32>
      %add3A_1291 = arith.constant 20 : i32
      %add3A_1292 = vector.broadcast %add3A_1291 : i32 to vector<16xi32>
      %add3A_1293 = arith.addi %mul3A_1290, %add3A_1292 : vector<16xi32>
      tpu.vector_store_idx %arg8[%add3A_1293], %select_n3A_1287 : memref<6912xi32, #tpu.memory_space<vmem>>[vector<16xi32>], vector<16xi32>,
      %add3A_1294 = arith.constant 1 : i32
      %add3A_1295 = vector.broadcast %add3A_1294 : i32 to vector<16xi32>
      %add3A_1296 = arith.addi %get3A_33, %add3A_1295 : vector<16xi32>
      %add3A_1297 = arith.constant 0 : i32
      %add3A_1298 = vector.broadcast %add3A_1297 : i32 to vector<16xi32>
      %add3A_1299 = arith.addi %get3A_35, %add3A_1298 : vector<16xi32>
      %add3A_1300 = arith.constant -1 : i32
      %add3A_1301 = vector.broadcast %add3A_1300 : i32 to vector<16xi32>
      %add3A_1302 = arith.addi %get3A_37, %add3A_1301 : vector<16xi32>
      %ge3A_1303 = arith.constant 0 : i32
      %ge3A_1304 = vector.broadcast %ge3A_1303 : i32 to vector<16xi32>
      %ge3A_1305 = arith.cmpi sge, %add3A_1296, %ge3A_1304 : vector<16xi32>
      %lt3A_1306 = arith.constant 32 : i32
      %lt3A_1307 = vector.broadcast %lt3A_1306 : i32 to vector<16xi32>
      %lt3A_1308 = arith.cmpi slt, %add3A_1296, %lt3A_1307 : vector<16xi32>
      %and3A_1309 = arith.andi %ge3A_1305, %lt3A_1308 : vector<16xi1>
      %ge3A_1310 = arith.constant 0 : i32
      %ge3A_1311 = vector.broadcast %ge3A_1310 : i32 to vector<16xi32>
      %ge3A_1312 = arith.cmpi sge, %add3A_1299, %ge3A_1311 : vector<16xi32>
      %and3A_1313 = arith.andi %and3A_1309, %ge3A_1312 : vector<16xi1>
      %lt3A_1314 = arith.constant 32 : i32
      %lt3A_1315 = vector.broadcast %lt3A_1314 : i32 to vector<16xi32>
      %lt3A_1316 = arith.cmpi slt, %add3A_1299, %lt3A_1315 : vector<16xi32>
      %and3A_1317 = arith.andi %and3A_1313, %lt3A_1316 : vector<16xi1>
      %ge3A_1318 = arith.constant 0 : i32
      %ge3A_1319 = vector.broadcast %ge3A_1318 : i32 to vector<16xi32>
      %ge3A_1320 = arith.cmpi sge, %add3A_1302, %ge3A_1319 : vector<16xi32>
      %and3A_1321 = arith.andi %and3A_1317, %ge3A_1320 : vector<16xi1>
      %lt3A_1322 = arith.constant 32 : i32
      %lt3A_1323 = vector.broadcast %lt3A_1322 : i32 to vector<16xi32>
      %lt3A_1324 = arith.cmpi slt, %add3A_1302, %lt3A_1323 : vector<16xi32>
      %and3A_1325 = arith.andi %and3A_1321, %lt3A_1324 : vector<16xi1>
      %mul3A_1326 = arith.constant 32 : i32
      %mul3A_1327 = vector.broadcast %mul3A_1326 : i32 to vector<16xi32>
      %mul3A_1328 = arith.muli %add3A_1296, %mul3A_1327 : vector<16xi32>
      %add3A_1329 = arith.addi %mul3A_1328, %add3A_1299 : vector<16xi32>
      %mul3A_1330 = arith.constant 32 : i32
      %mul3A_1331 = vector.broadcast %mul3A_1330 : i32 to vector<16xi32>
      %mul3A_1332 = arith.muli %add3A_1329, %mul3A_1331 : vector<16xi32>
      %add3A_1333 = arith.addi %mul3A_1332, %add3A_1302 : vector<16xi32>
      %jit3A_1334 = arith.constant 0 : i32
      %jit3A_1335 = arith.constant 32767 : i32
      %max3A_1336 = vector.broadcast %jit3A_1334 : i32 to vector<16xi32>
      %max3A_1337 = arith.maxsi %max3A_1336, %add3A_1333 : vector<16xi32>
      %min3A_1338 = vector.broadcast %jit3A_1335 : i32 to vector<16xi32>
      %min3A_1339 = arith.minsi %min3A_1338, %max3A_1337 : vector<16xi32>
      %gather3A_1340 = tpu.vector_load_idx %arg7[%min3A_1339] : memref<32768xi32, #tpu.memory_space<vmem>>[vector<16xi32>], vector<16xi32>,
      %ge3A_1341 = arith.constant 0 : i32
      %ge3A_1342 = vector.broadcast %ge3A_1341 : i32 to vector<16xi32>
      %ge3A_1343 = arith.cmpi sge, %gather3A_1340, %ge3A_1342 : vector<16xi32>
      %and3A_1344 = arith.andi %and3A_1325, %ge3A_1343 : vector<16xi1>
      %jit3A_1345 = arith.constant 8192 : i32
      %broadcast_in_dim3A_1346 = vector.broadcast %jit3A_1345 : i32 to vector<16xi32>
      %select_n3A_1347 = arith.select %and3A_1344, %gather3A_1340, %broadcast_in_dim3A_1346 : vector<16xi1>, vector<16xi32>
      %mul3A_1348 = arith.constant 27 : i32
      %mul3A_1349 = vector.broadcast %mul3A_1348 : i32 to vector<16xi32>
      %mul3A_1350 = arith.muli %add3A_41, %mul3A_1349 : vector<16xi32>
      %add3A_1351 = arith.constant 21 : i32
      %add3A_1352 = vector.broadcast %add3A_1351 : i32 to vector<16xi32>
      %add3A_1353 = arith.addi %mul3A_1350, %add3A_1352 : vector<16xi32>
      tpu.vector_store_idx %arg8[%add3A_1353], %select_n3A_1347 : memref<6912xi32, #tpu.memory_space<vmem>>[vector<16xi32>], vector<16xi32>,
      %add3A_1354 = arith.constant 1 : i32
      %add3A_1355 = vector.broadcast %add3A_1354 : i32 to vector<16xi32>
      %add3A_1356 = arith.addi %get3A_33, %add3A_1355 : vector<16xi32>
      %add3A_1357 = arith.constant 0 : i32
      %add3A_1358 = vector.broadcast %add3A_1357 : i32 to vector<16xi32>
      %add3A_1359 = arith.addi %get3A_35, %add3A_1358 : vector<16xi32>
      %add3A_1360 = arith.constant 0 : i32
      %add3A_1361 = vector.broadcast %add3A_1360 : i32 to vector<16xi32>
      %add3A_1362 = arith.addi %get3A_37, %add3A_1361 : vector<16xi32>
      %ge3A_1363 = arith.constant 0 : i32
      %ge3A_1364 = vector.broadcast %ge3A_1363 : i32 to vector<16xi32>
      %ge3A_1365 = arith.cmpi sge, %add3A_1356, %ge3A_1364 : vector<16xi32>
      %lt3A_1366 = arith.constant 32 : i32
      %lt3A_1367 = vector.broadcast %lt3A_1366 : i32 to vector<16xi32>
      %lt3A_1368 = arith.cmpi slt, %add3A_1356, %lt3A_1367 : vector<16xi32>
      %and3A_1369 = arith.andi %ge3A_1365, %lt3A_1368 : vector<16xi1>
      %ge3A_1370 = arith.constant 0 : i32
      %ge3A_1371 = vector.broadcast %ge3A_1370 : i32 to vector<16xi32>
      %ge3A_1372 = arith.cmpi sge, %add3A_1359, %ge3A_1371 : vector<16xi32>
      %and3A_1373 = arith.andi %and3A_1369, %ge3A_1372 : vector<16xi1>
      %lt3A_1374 = arith.constant 32 : i32
      %lt3A_1375 = vector.broadcast %lt3A_1374 : i32 to vector<16xi32>
      %lt3A_1376 = arith.cmpi slt, %add3A_1359, %lt3A_1375 : vector<16xi32>
      %and3A_1377 = arith.andi %and3A_1373, %lt3A_1376 : vector<16xi1>
      %ge3A_1378 = arith.constant 0 : i32
      %ge3A_1379 = vector.broadcast %ge3A_1378 : i32 to vector<16xi32>
      %ge3A_1380 = arith.cmpi sge, %add3A_1362, %ge3A_1379 : vector<16xi32>
      %and3A_1381 = arith.andi %and3A_1377, %ge3A_1380 : vector<16xi1>
      %lt3A_1382 = arith.constant 32 : i32
      %lt3A_1383 = vector.broadcast %lt3A_1382 : i32 to vector<16xi32>
      %lt3A_1384 = arith.cmpi slt, %add3A_1362, %lt3A_1383 : vector<16xi32>
      %and3A_1385 = arith.andi %and3A_1381, %lt3A_1384 : vector<16xi1>
      %mul3A_1386 = arith.constant 32 : i32
      %mul3A_1387 = vector.broadcast %mul3A_1386 : i32 to vector<16xi32>
      %mul3A_1388 = arith.muli %add3A_1356, %mul3A_1387 : vector<16xi32>
      %add3A_1389 = arith.addi %mul3A_1388, %add3A_1359 : vector<16xi32>
      %mul3A_1390 = arith.constant 32 : i32
      %mul3A_1391 = vector.broadcast %mul3A_1390 : i32 to vector<16xi32>
      %mul3A_1392 = arith.muli %add3A_1389, %mul3A_1391 : vector<16xi32>
      %add3A_1393 = arith.addi %mul3A_1392, %add3A_1362 : vector<16xi32>
      %jit3A_1394 = arith.constant 0 : i32
      %jit3A_1395 = arith.constant 32767 : i32
      %max3A_1396 = vector.broadcast %jit3A_1394 : i32 to vector<16xi32>
      %max3A_1397 = arith.maxsi %max3A_1396, %add3A_1393 : vector<16xi32>
      %min3A_1398 = vector.broadcast %jit3A_1395 : i32 to vector<16xi32>
      %min3A_1399 = arith.minsi %min3A_1398, %max3A_1397 : vector<16xi32>
      %gather3A_1400 = tpu.vector_load_idx %arg7[%min3A_1399] : memref<32768xi32, #tpu.memory_space<vmem>>[vector<16xi32>], vector<16xi32>,
      %ge3A_1401 = arith.constant 0 : i32
      %ge3A_1402 = vector.broadcast %ge3A_1401 : i32 to vector<16xi32>
      %ge3A_1403 = arith.cmpi sge, %gather3A_1400, %ge3A_1402 : vector<16xi32>
      %and3A_1404 = arith.andi %and3A_1385, %ge3A_1403 : vector<16xi1>
      %jit3A_1405 = arith.constant 8192 : i32
      %broadcast_in_dim3A_1406 = vector.broadcast %jit3A_1405 : i32 to vector<16xi32>
      %select_n3A_1407 = arith.select %and3A_1404, %gather3A_1400, %broadcast_in_dim3A_1406 : vector<16xi1>, vector<16xi32>
      %mul3A_1408 = arith.constant 27 : i32
      %mul3A_1409 = vector.broadcast %mul3A_1408 : i32 to vector<16xi32>
      %mul3A_1410 = arith.muli %add3A_41, %mul3A_1409 : vector<16xi32>
      %add3A_1411 = arith.constant 22 : i32
      %add3A_1412 = vector.broadcast %add3A_1411 : i32 to vector<16xi32>
      %add3A_1413 = arith.addi %mul3A_1410, %add3A_1412 : vector<16xi32>
      tpu.vector_store_idx %arg8[%add3A_1413], %select_n3A_1407 : memref<6912xi32, #tpu.memory_space<vmem>>[vector<16xi32>], vector<16xi32>,
      %add3A_1414 = arith.constant 1 : i32
      %add3A_1415 = vector.broadcast %add3A_1414 : i32 to vector<16xi32>
      %add3A_1416 = arith.addi %get3A_33, %add3A_1415 : vector<16xi32>
      %add3A_1417 = arith.constant 0 : i32
      %add3A_1418 = vector.broadcast %add3A_1417 : i32 to vector<16xi32>
      %add3A_1419 = arith.addi %get3A_35, %add3A_1418 : vector<16xi32>
      %add3A_1420 = arith.constant 1 : i32
      %add3A_1421 = vector.broadcast %add3A_1420 : i32 to vector<16xi32>
      %add3A_1422 = arith.addi %get3A_37, %add3A_1421 : vector<16xi32>
      %ge3A_1423 = arith.constant 0 : i32
      %ge3A_1424 = vector.broadcast %ge3A_1423 : i32 to vector<16xi32>
      %ge3A_1425 = arith.cmpi sge, %add3A_1416, %ge3A_1424 : vector<16xi32>
      %lt3A_1426 = arith.constant 32 : i32
      %lt3A_1427 = vector.broadcast %lt3A_1426 : i32 to vector<16xi32>
      %lt3A_1428 = arith.cmpi slt, %add3A_1416, %lt3A_1427 : vector<16xi32>
      %and3A_1429 = arith.andi %ge3A_1425, %lt3A_1428 : vector<16xi1>
      %ge3A_1430 = arith.constant 0 : i32
      %ge3A_1431 = vector.broadcast %ge3A_1430 : i32 to vector<16xi32>
      %ge3A_1432 = arith.cmpi sge, %add3A_1419, %ge3A_1431 : vector<16xi32>
      %and3A_1433 = arith.andi %and3A_1429, %ge3A_1432 : vector<16xi1>
      %lt3A_1434 = arith.constant 32 : i32
      %lt3A_1435 = vector.broadcast %lt3A_1434 : i32 to vector<16xi32>
      %lt3A_1436 = arith.cmpi slt, %add3A_1419, %lt3A_1435 : vector<16xi32>
      %and3A_1437 = arith.andi %and3A_1433, %lt3A_1436 : vector<16xi1>
      %ge3A_1438 = arith.constant 0 : i32
      %ge3A_1439 = vector.broadcast %ge3A_1438 : i32 to vector<16xi32>
      %ge3A_1440 = arith.cmpi sge, %add3A_1422, %ge3A_1439 : vector<16xi32>
      %and3A_1441 = arith.andi %and3A_1437, %ge3A_1440 : vector<16xi1>
      %lt3A_1442 = arith.constant 32 : i32
      %lt3A_1443 = vector.broadcast %lt3A_1442 : i32 to vector<16xi32>
      %lt3A_1444 = arith.cmpi slt, %add3A_1422, %lt3A_1443 : vector<16xi32>
      %and3A_1445 = arith.andi %and3A_1441, %lt3A_1444 : vector<16xi1>
      %mul3A_1446 = arith.constant 32 : i32
      %mul3A_1447 = vector.broadcast %mul3A_1446 : i32 to vector<16xi32>
      %mul3A_1448 = arith.muli %add3A_1416, %mul3A_1447 : vector<16xi32>
      %add3A_1449 = arith.addi %mul3A_1448, %add3A_1419 : vector<16xi32>
      %mul3A_1450 = arith.constant 32 : i32
      %mul3A_1451 = vector.broadcast %mul3A_1450 : i32 to vector<16xi32>
      %mul3A_1452 = arith.muli %add3A_1449, %mul3A_1451 : vector<16xi32>
      %add3A_1453 = arith.addi %mul3A_1452, %add3A_1422 : vector<16xi32>
      %jit3A_1454 = arith.constant 0 : i32
      %jit3A_1455 = arith.constant 32767 : i32
      %max3A_1456 = vector.broadcast %jit3A_1454 : i32 to vector<16xi32>
      %max3A_1457 = arith.maxsi %max3A_1456, %add3A_1453 : vector<16xi32>
      %min3A_1458 = vector.broadcast %jit3A_1455 : i32 to vector<16xi32>
      %min3A_1459 = arith.minsi %min3A_1458, %max3A_1457 : vector<16xi32>
      %gather3A_1460 = tpu.vector_load_idx %arg7[%min3A_1459] : memref<32768xi32, #tpu.memory_space<vmem>>[vector<16xi32>], vector<16xi32>,
      %ge3A_1461 = arith.constant 0 : i32
      %ge3A_1462 = vector.broadcast %ge3A_1461 : i32 to vector<16xi32>
      %ge3A_1463 = arith.cmpi sge, %gather3A_1460, %ge3A_1462 : vector<16xi32>
      %and3A_1464 = arith.andi %and3A_1445, %ge3A_1463 : vector<16xi1>
      %jit3A_1465 = arith.constant 8192 : i32
      %broadcast_in_dim3A_1466 = vector.broadcast %jit3A_1465 : i32 to vector<16xi32>
      %select_n3A_1467 = arith.select %and3A_1464, %gather3A_1460, %broadcast_in_dim3A_1466 : vector<16xi1>, vector<16xi32>
      %mul3A_1468 = arith.constant 27 : i32
      %mul3A_1469 = vector.broadcast %mul3A_1468 : i32 to vector<16xi32>
      %mul3A_1470 = arith.muli %add3A_41, %mul3A_1469 : vector<16xi32>
      %add3A_1471 = arith.constant 23 : i32
      %add3A_1472 = vector.broadcast %add3A_1471 : i32 to vector<16xi32>
      %add3A_1473 = arith.addi %mul3A_1470, %add3A_1472 : vector<16xi32>
      tpu.vector_store_idx %arg8[%add3A_1473], %select_n3A_1467 : memref<6912xi32, #tpu.memory_space<vmem>>[vector<16xi32>], vector<16xi32>,
      %add3A_1474 = arith.constant 1 : i32
      %add3A_1475 = vector.broadcast %add3A_1474 : i32 to vector<16xi32>
      %add3A_1476 = arith.addi %get3A_33, %add3A_1475 : vector<16xi32>
      %add3A_1477 = arith.constant 1 : i32
      %add3A_1478 = vector.broadcast %add3A_1477 : i32 to vector<16xi32>
      %add3A_1479 = arith.addi %get3A_35, %add3A_1478 : vector<16xi32>
      %add3A_1480 = arith.constant -1 : i32
      %add3A_1481 = vector.broadcast %add3A_1480 : i32 to vector<16xi32>
      %add3A_1482 = arith.addi %get3A_37, %add3A_1481 : vector<16xi32>
      %ge3A_1483 = arith.constant 0 : i32
      %ge3A_1484 = vector.broadcast %ge3A_1483 : i32 to vector<16xi32>
      %ge3A_1485 = arith.cmpi sge, %add3A_1476, %ge3A_1484 : vector<16xi32>
      %lt3A_1486 = arith.constant 32 : i32
      %lt3A_1487 = vector.broadcast %lt3A_1486 : i32 to vector<16xi32>
      %lt3A_1488 = arith.cmpi slt, %add3A_1476, %lt3A_1487 : vector<16xi32>
      %and3A_1489 = arith.andi %ge3A_1485, %lt3A_1488 : vector<16xi1>
      %ge3A_1490 = arith.constant 0 : i32
      %ge3A_1491 = vector.broadcast %ge3A_1490 : i32 to vector<16xi32>
      %ge3A_1492 = arith.cmpi sge, %add3A_1479, %ge3A_1491 : vector<16xi32>
      %and3A_1493 = arith.andi %and3A_1489, %ge3A_1492 : vector<16xi1>
      %lt3A_1494 = arith.constant 32 : i32
      %lt3A_1495 = vector.broadcast %lt3A_1494 : i32 to vector<16xi32>
      %lt3A_1496 = arith.cmpi slt, %add3A_1479, %lt3A_1495 : vector<16xi32>
      %and3A_1497 = arith.andi %and3A_1493, %lt3A_1496 : vector<16xi1>
      %ge3A_1498 = arith.constant 0 : i32
      %ge3A_1499 = vector.broadcast %ge3A_1498 : i32 to vector<16xi32>
      %ge3A_1500 = arith.cmpi sge, %add3A_1482, %ge3A_1499 : vector<16xi32>
      %and3A_1501 = arith.andi %and3A_1497, %ge3A_1500 : vector<16xi1>
      %lt3A_1502 = arith.constant 32 : i32
      %lt3A_1503 = vector.broadcast %lt3A_1502 : i32 to vector<16xi32>
      %lt3A_1504 = arith.cmpi slt, %add3A_1482, %lt3A_1503 : vector<16xi32>
      %and3A_1505 = arith.andi %and3A_1501, %lt3A_1504 : vector<16xi1>
      %mul3A_1506 = arith.constant 32 : i32
      %mul3A_1507 = vector.broadcast %mul3A_1506 : i32 to vector<16xi32>
      %mul3A_1508 = arith.muli %add3A_1476, %mul3A_1507 : vector<16xi32>
      %add3A_1509 = arith.addi %mul3A_1508, %add3A_1479 : vector<16xi32>
      %mul3A_1510 = arith.constant 32 : i32
      %mul3A_1511 = vector.broadcast %mul3A_1510 : i32 to vector<16xi32>
      %mul3A_1512 = arith.muli %add3A_1509, %mul3A_1511 : vector<16xi32>
      %add3A_1513 = arith.addi %mul3A_1512, %add3A_1482 : vector<16xi32>
      %jit3A_1514 = arith.constant 0 : i32
      %jit3A_1515 = arith.constant 32767 : i32
      %max3A_1516 = vector.broadcast %jit3A_1514 : i32 to vector<16xi32>
      %max3A_1517 = arith.maxsi %max3A_1516, %add3A_1513 : vector<16xi32>
      %min3A_1518 = vector.broadcast %jit3A_1515 : i32 to vector<16xi32>
      %min3A_1519 = arith.minsi %min3A_1518, %max3A_1517 : vector<16xi32>
      %gather3A_1520 = tpu.vector_load_idx %arg7[%min3A_1519] : memref<32768xi32, #tpu.memory_space<vmem>>[vector<16xi32>], vector<16xi32>,
      %ge3A_1521 = arith.constant 0 : i32
      %ge3A_1522 = vector.broadcast %ge3A_1521 : i32 to vector<16xi32>
      %ge3A_1523 = arith.cmpi sge, %gather3A_1520, %ge3A_1522 : vector<16xi32>
      %and3A_1524 = arith.andi %and3A_1505, %ge3A_1523 : vector<16xi1>
      %jit3A_1525 = arith.constant 8192 : i32
      %broadcast_in_dim3A_1526 = vector.broadcast %jit3A_1525 : i32 to vector<16xi32>
      %select_n3A_1527 = arith.select %and3A_1524, %gather3A_1520, %broadcast_in_dim3A_1526 : vector<16xi1>, vector<16xi32>
      %mul3A_1528 = arith.constant 27 : i32
      %mul3A_1529 = vector.broadcast %mul3A_1528 : i32 to vector<16xi32>
      %mul3A_1530 = arith.muli %add3A_41, %mul3A_1529 : vector<16xi32>
      %add3A_1531 = arith.constant 24 : i32
      %add3A_1532 = vector.broadcast %add3A_1531 : i32 to vector<16xi32>
      %add3A_1533 = arith.addi %mul3A_1530, %add3A_1532 : vector<16xi32>
      tpu.vector_store_idx %arg8[%add3A_1533], %select_n3A_1527 : memref<6912xi32, #tpu.memory_space<vmem>>[vector<16xi32>], vector<16xi32>,
      %add3A_1534 = arith.constant 1 : i32
      %add3A_1535 = vector.broadcast %add3A_1534 : i32 to vector<16xi32>
      %add3A_1536 = arith.addi %get3A_33, %add3A_1535 : vector<16xi32>
      %add3A_1537 = arith.constant 1 : i32
      %add3A_1538 = vector.broadcast %add3A_1537 : i32 to vector<16xi32>
      %add3A_1539 = arith.addi %get3A_35, %add3A_1538 : vector<16xi32>
      %add3A_1540 = arith.constant 0 : i32
      %add3A_1541 = vector.broadcast %add3A_1540 : i32 to vector<16xi32>
      %add3A_1542 = arith.addi %get3A_37, %add3A_1541 : vector<16xi32>
      %ge3A_1543 = arith.constant 0 : i32
      %ge3A_1544 = vector.broadcast %ge3A_1543 : i32 to vector<16xi32>
      %ge3A_1545 = arith.cmpi sge, %add3A_1536, %ge3A_1544 : vector<16xi32>
      %lt3A_1546 = arith.constant 32 : i32
      %lt3A_1547 = vector.broadcast %lt3A_1546 : i32 to vector<16xi32>
      %lt3A_1548 = arith.cmpi slt, %add3A_1536, %lt3A_1547 : vector<16xi32>
      %and3A_1549 = arith.andi %ge3A_1545, %lt3A_1548 : vector<16xi1>
      %ge3A_1550 = arith.constant 0 : i32
      %ge3A_1551 = vector.broadcast %ge3A_1550 : i32 to vector<16xi32>
      %ge3A_1552 = arith.cmpi sge, %add3A_1539, %ge3A_1551 : vector<16xi32>
      %and3A_1553 = arith.andi %and3A_1549, %ge3A_1552 : vector<16xi1>
      %lt3A_1554 = arith.constant 32 : i32
      %lt3A_1555 = vector.broadcast %lt3A_1554 : i32 to vector<16xi32>
      %lt3A_1556 = arith.cmpi slt, %add3A_1539, %lt3A_1555 : vector<16xi32>
      %and3A_1557 = arith.andi %and3A_1553, %lt3A_1556 : vector<16xi1>
      %ge3A_1558 = arith.constant 0 : i32
      %ge3A_1559 = vector.broadcast %ge3A_1558 : i32 to vector<16xi32>
      %ge3A_1560 = arith.cmpi sge, %add3A_1542, %ge3A_1559 : vector<16xi32>
      %and3A_1561 = arith.andi %and3A_1557, %ge3A_1560 : vector<16xi1>
      %lt3A_1562 = arith.constant 32 : i32
      %lt3A_1563 = vector.broadcast %lt3A_1562 : i32 to vector<16xi32>
      %lt3A_1564 = arith.cmpi slt, %add3A_1542, %lt3A_1563 : vector<16xi32>
      %and3A_1565 = arith.andi %and3A_1561, %lt3A_1564 : vector<16xi1>
      %mul3A_1566 = arith.constant 32 : i32
      %mul3A_1567 = vector.broadcast %mul3A_1566 : i32 to vector<16xi32>
      %mul3A_1568 = arith.muli %add3A_1536, %mul3A_1567 : vector<16xi32>
      %add3A_1569 = arith.addi %mul3A_1568, %add3A_1539 : vector<16xi32>
      %mul3A_1570 = arith.constant 32 : i32
      %mul3A_1571 = vector.broadcast %mul3A_1570 : i32 to vector<16xi32>
      %mul3A_1572 = arith.muli %add3A_1569, %mul3A_1571 : vector<16xi32>
      %add3A_1573 = arith.addi %mul3A_1572, %add3A_1542 : vector<16xi32>
      %jit3A_1574 = arith.constant 0 : i32
      %jit3A_1575 = arith.constant 32767 : i32
      %max3A_1576 = vector.broadcast %jit3A_1574 : i32 to vector<16xi32>
      %max3A_1577 = arith.maxsi %max3A_1576, %add3A_1573 : vector<16xi32>
      %min3A_1578 = vector.broadcast %jit3A_1575 : i32 to vector<16xi32>
      %min3A_1579 = arith.minsi %min3A_1578, %max3A_1577 : vector<16xi32>
      %gather3A_1580 = tpu.vector_load_idx %arg7[%min3A_1579] : memref<32768xi32, #tpu.memory_space<vmem>>[vector<16xi32>], vector<16xi32>,
      %ge3A_1581 = arith.constant 0 : i32
      %ge3A_1582 = vector.broadcast %ge3A_1581 : i32 to vector<16xi32>
      %ge3A_1583 = arith.cmpi sge, %gather3A_1580, %ge3A_1582 : vector<16xi32>
      %and3A_1584 = arith.andi %and3A_1565, %ge3A_1583 : vector<16xi1>
      %jit3A_1585 = arith.constant 8192 : i32
      %broadcast_in_dim3A_1586 = vector.broadcast %jit3A_1585 : i32 to vector<16xi32>
      %select_n3A_1587 = arith.select %and3A_1584, %gather3A_1580, %broadcast_in_dim3A_1586 : vector<16xi1>, vector<16xi32>
      %mul3A_1588 = arith.constant 27 : i32
      %mul3A_1589 = vector.broadcast %mul3A_1588 : i32 to vector<16xi32>
      %mul3A_1590 = arith.muli %add3A_41, %mul3A_1589 : vector<16xi32>
      %add3A_1591 = arith.constant 25 : i32
      %add3A_1592 = vector.broadcast %add3A_1591 : i32 to vector<16xi32>
      %add3A_1593 = arith.addi %mul3A_1590, %add3A_1592 : vector<16xi32>
      tpu.vector_store_idx %arg8[%add3A_1593], %select_n3A_1587 : memref<6912xi32, #tpu.memory_space<vmem>>[vector<16xi32>], vector<16xi32>,
      %add3A_1594 = arith.constant 1 : i32
      %add3A_1595 = vector.broadcast %add3A_1594 : i32 to vector<16xi32>
      %add3A_1596 = arith.addi %get3A_33, %add3A_1595 : vector<16xi32>
      %add3A_1597 = arith.constant 1 : i32
      %add3A_1598 = vector.broadcast %add3A_1597 : i32 to vector<16xi32>
      %add3A_1599 = arith.addi %get3A_35, %add3A_1598 : vector<16xi32>
      %add3A_1600 = arith.constant 1 : i32
      %add3A_1601 = vector.broadcast %add3A_1600 : i32 to vector<16xi32>
      %add3A_1602 = arith.addi %get3A_37, %add3A_1601 : vector<16xi32>
      %ge3A_1603 = arith.constant 0 : i32
      %ge3A_1604 = vector.broadcast %ge3A_1603 : i32 to vector<16xi32>
      %ge3A_1605 = arith.cmpi sge, %add3A_1596, %ge3A_1604 : vector<16xi32>
      %lt3A_1606 = arith.constant 32 : i32
      %lt3A_1607 = vector.broadcast %lt3A_1606 : i32 to vector<16xi32>
      %lt3A_1608 = arith.cmpi slt, %add3A_1596, %lt3A_1607 : vector<16xi32>
      %and3A_1609 = arith.andi %ge3A_1605, %lt3A_1608 : vector<16xi1>
      %ge3A_1610 = arith.constant 0 : i32
      %ge3A_1611 = vector.broadcast %ge3A_1610 : i32 to vector<16xi32>
      %ge3A_1612 = arith.cmpi sge, %add3A_1599, %ge3A_1611 : vector<16xi32>
      %and3A_1613 = arith.andi %and3A_1609, %ge3A_1612 : vector<16xi1>
      %lt3A_1614 = arith.constant 32 : i32
      %lt3A_1615 = vector.broadcast %lt3A_1614 : i32 to vector<16xi32>
      %lt3A_1616 = arith.cmpi slt, %add3A_1599, %lt3A_1615 : vector<16xi32>
      %and3A_1617 = arith.andi %and3A_1613, %lt3A_1616 : vector<16xi1>
      %ge3A_1618 = arith.constant 0 : i32
      %ge3A_1619 = vector.broadcast %ge3A_1618 : i32 to vector<16xi32>
      %ge3A_1620 = arith.cmpi sge, %add3A_1602, %ge3A_1619 : vector<16xi32>
      %and3A_1621 = arith.andi %and3A_1617, %ge3A_1620 : vector<16xi1>
      %lt3A_1622 = arith.constant 32 : i32
      %lt3A_1623 = vector.broadcast %lt3A_1622 : i32 to vector<16xi32>
      %lt3A_1624 = arith.cmpi slt, %add3A_1602, %lt3A_1623 : vector<16xi32>
      %and3A_1625 = arith.andi %and3A_1621, %lt3A_1624 : vector<16xi1>
      %mul3A_1626 = arith.constant 32 : i32
      %mul3A_1627 = vector.broadcast %mul3A_1626 : i32 to vector<16xi32>
      %mul3A_1628 = arith.muli %add3A_1596, %mul3A_1627 : vector<16xi32>
      %add3A_1629 = arith.addi %mul3A_1628, %add3A_1599 : vector<16xi32>
      %mul3A_1630 = arith.constant 32 : i32
      %mul3A_1631 = vector.broadcast %mul3A_1630 : i32 to vector<16xi32>
      %mul3A_1632 = arith.muli %add3A_1629, %mul3A_1631 : vector<16xi32>
      %add3A_1633 = arith.addi %mul3A_1632, %add3A_1602 : vector<16xi32>
      %jit3A_1634 = arith.constant 0 : i32
      %jit3A_1635 = arith.constant 32767 : i32
      %max3A_1636 = vector.broadcast %jit3A_1634 : i32 to vector<16xi32>
      %max3A_1637 = arith.maxsi %max3A_1636, %add3A_1633 : vector<16xi32>
      %min3A_1638 = vector.broadcast %jit3A_1635 : i32 to vector<16xi32>
      %min3A_1639 = arith.minsi %min3A_1638, %max3A_1637 : vector<16xi32>
      %gather3A_1640 = tpu.vector_load_idx %arg7[%min3A_1639] : memref<32768xi32, #tpu.memory_space<vmem>>[vector<16xi32>], vector<16xi32>,
      %ge3A_1641 = arith.constant 0 : i32
      %ge3A_1642 = vector.broadcast %ge3A_1641 : i32 to vector<16xi32>
      %ge3A_1643 = arith.cmpi sge, %gather3A_1640, %ge3A_1642 : vector<16xi32>
      %and3A_1644 = arith.andi %and3A_1625, %ge3A_1643 : vector<16xi1>
      %jit3A_1645 = arith.constant 8192 : i32
      %broadcast_in_dim3A_1646 = vector.broadcast %jit3A_1645 : i32 to vector<16xi32>
      %select_n3A_1647 = arith.select %and3A_1644, %gather3A_1640, %broadcast_in_dim3A_1646 : vector<16xi1>, vector<16xi32>
      %mul3A_1648 = arith.constant 27 : i32
      %mul3A_1649 = vector.broadcast %mul3A_1648 : i32 to vector<16xi32>
      %mul3A_1650 = arith.muli %add3A_41, %mul3A_1649 : vector<16xi32>
      %add3A_1651 = arith.constant 26 : i32
      %add3A_1652 = vector.broadcast %add3A_1651 : i32 to vector<16xi32>
      %add3A_1653 = arith.addi %mul3A_1650, %add3A_1652 : vector<16xi32>
      tpu.vector_store_idx %arg8[%add3A_1653], %select_n3A_1647 : memref<6912xi32, #tpu.memory_space<vmem>>[vector<16xi32>], vector<16xi32>,
      %scan3A_1654 = arith.constant 0 : i32
      scf.yield %scan3A_1654 : i32
    }
    %scan3A_23 = arith.constant 16 : i32
    %mul3A_24 = arith.constant 6912 : i32
    %mul3A_25 = arith.muli %add3A, %mul3A_24 : i32
    "tpu.region"() ({
      %run_scoped3A_26 = tpu.sem_alloc : memref<!tpu.dma_semaphore, #tpu.memory_space<semaphore_mem>>
      %dma_start3A = tpu.memref_slice %arg3[%mul3A_25] : memref<221184xi32, #tpu.memory_space<hbm>> -> memref<6912xi32, #tpu.memory_space<hbm>>
      %dma_start3A_27 = tpu.memref_slice %arg3[%mul3A_25] : memref<221184xi32, #tpu.memory_space<hbm>> -> memref<6912xi32, #tpu.memory_space<hbm>>
      tpu.enqueue_dma source(%arg8 : memref<6912xi32, #tpu.memory_space<vmem>>) target(%dma_start3A_27 : memref<6912xi32, #tpu.memory_space<hbm>>) target_semaphore(%run_scoped3A_26 : memref<!tpu.dma_semaphore, #tpu.memory_space<semaphore_mem>>)
      %dma_wait3A = tpu.memref_slice %arg3[%mul3A_25] : memref<221184xi32, #tpu.memory_space<hbm>> -> memref<6912xi32, #tpu.memory_space<hbm>>
      %dma_wait3A_28 = tpu.memref_slice %arg3[%mul3A_25] : memref<221184xi32, #tpu.memory_space<hbm>> -> memref<6912xi32, #tpu.memory_space<hbm>>
      tpu.wait_dma2 semaphore(%run_scoped3A_26 : memref<!tpu.dma_semaphore, #tpu.memory_space<semaphore_mem>>) src(%arg8 : memref<6912xi32, #tpu.memory_space<vmem>>) dst(%dma_wait3A_28 : memref<6912xi32, #tpu.memory_space<hbm>>)
      tpu.yield
    }) : () -> ()
    return
  }
}

#map = affine_map<(d0, d1) -> (0, 0)>
#map1 = affine_map<(d0, d1) -> (0)>
module attributes {stable_mosaic.version = 14 : i64} {
  func.func @gather_kernel(%arg0: i32, %arg1: i32, %arg2: memref<8320x128xf32, #tpu.memory_space<hbm>>, %arg3: memref<221184xi32, #tpu.memory_space<hbm>>, %arg4: memref<221184x128xf32, #tpu.memory_space<hbm>>, %arg5: memref<8320x128xf32, #tpu.memory_space<vmem_shared>>, %arg6: memref<6912xi32, #tpu.memory_space<vmem>>, %arg7: memref<128x128xf32, #tpu.memory_space<vmem>>, %arg8: memref<128x128xf32, #tpu.memory_space<vmem>>, %arg9: memref<!tpu.dma_semaphore, #tpu.memory_space<semaphore_mem>>, %arg10: memref<!tpu.dma_semaphore, #tpu.memory_space<semaphore_mem>>, %arg11: memref<!tpu.dma_semaphore, #tpu.memory_space<semaphore_mem>>, %arg12: memref<!tpu.dma_semaphore, #tpu.memory_space<semaphore_mem>>) attributes {dimension_semantics = [#tpu.dimension_semantics<core_parallel>, #tpu.dimension_semantics<subcore_parallel>], iteration_bounds = array<i64: 2, 16>, scalar_prefetch = 0 : i64, scratch_operands = 8 : i64, tpu.core_type = #tpu.core_type<sc_vector_subcore>, window_params = [{transform_indices = #map}, {transform_indices = #map1}, {transform_indices = #map}]} {
    %mul3A = arith.constant 2 : i32
    %mul3A_0 = arith.muli %arg1, %mul3A : i32
    %add3A = arith.addi %mul3A_0, %arg0 : i32
    %mul3A_1 = arith.constant 520 : i32
    %mul3A_2 = arith.muli %arg1, %mul3A_1 : i32
    %mul3A_3 = arith.constant 520 : i32
    %mul3A_4 = arith.muli %arg1, %mul3A_3 : i32
    "tpu.region"() ({
      %run_scoped3A = tpu.sem_alloc : memref<!tpu.dma_semaphore, #tpu.memory_space<semaphore_mem>>
      %dma_start3A = arith.constant 0 : i32
      %dma_start3A_13 = tpu.memref_slice %arg5[%mul3A_4, %dma_start3A] : memref<8320x128xf32, #tpu.memory_space<vmem_shared>> -> memref<520x128xf32, #tpu.memory_space<vmem_shared>>
      %dma_start3A_14 = arith.constant 0 : i32
      %dma_start3A_15 = tpu.memref_slice %arg2[%mul3A_2, %dma_start3A_14] : memref<8320x128xf32, #tpu.memory_space<hbm>> -> memref<520x128xf32, #tpu.memory_space<hbm>>
      tpu.enqueue_dma source(%dma_start3A_15 : memref<520x128xf32, #tpu.memory_space<hbm>>) target(%dma_start3A_13 : memref<520x128xf32, #tpu.memory_space<vmem_shared>>) target_semaphore(%run_scoped3A : memref<!tpu.dma_semaphore, #tpu.memory_space<semaphore_mem>>)
      %dma_wait3A = arith.constant 0 : i32
      %dma_wait3A_16 = tpu.memref_slice %arg5[%mul3A_4, %dma_wait3A] : memref<8320x128xf32, #tpu.memory_space<vmem_shared>> -> memref<520x128xf32, #tpu.memory_space<vmem_shared>>
      %dma_wait3A_17 = arith.constant 0 : i32
      %dma_wait3A_18 = tpu.memref_slice %arg2[%mul3A_2, %dma_wait3A_17] : memref<8320x128xf32, #tpu.memory_space<hbm>> -> memref<520x128xf32, #tpu.memory_space<hbm>>
      tpu.wait_dma2 semaphore(%run_scoped3A : memref<!tpu.dma_semaphore, #tpu.memory_space<semaphore_mem>>) src(%dma_wait3A_18 : memref<520x128xf32, #tpu.memory_space<hbm>>) dst(%dma_wait3A_16 : memref<520x128xf32, #tpu.memory_space<vmem_shared>>)
      tpu.yield
    }) : () -> ()
    %barrier3A = arith.constant 0 : index
    tpu.barrier barrier_id(%barrier3A)
    %mul3A_5 = arith.constant 6912 : i32
    %mul3A_6 = arith.muli %add3A, %mul3A_5 : i32
    "tpu.region"() ({
      %run_scoped3A = tpu.sem_alloc : memref<!tpu.dma_semaphore, #tpu.memory_space<semaphore_mem>>
      %dma_start3A = tpu.memref_slice %arg3[%mul3A_6] : memref<221184xi32, #tpu.memory_space<hbm>> -> memref<6912xi32, #tpu.memory_space<hbm>>
      %dma_start3A_13 = tpu.memref_slice %arg3[%mul3A_6] : memref<221184xi32, #tpu.memory_space<hbm>> -> memref<6912xi32, #tpu.memory_space<hbm>>
      tpu.enqueue_dma source(%dma_start3A_13 : memref<6912xi32, #tpu.memory_space<hbm>>) target(%arg6 : memref<6912xi32, #tpu.memory_space<vmem>>) target_semaphore(%run_scoped3A : memref<!tpu.dma_semaphore, #tpu.memory_space<semaphore_mem>>)
      %dma_wait3A = tpu.memref_slice %arg3[%mul3A_6] : memref<221184xi32, #tpu.memory_space<hbm>> -> memref<6912xi32, #tpu.memory_space<hbm>>
      %dma_wait3A_14 = tpu.memref_slice %arg3[%mul3A_6] : memref<221184xi32, #tpu.memory_space<hbm>> -> memref<6912xi32, #tpu.memory_space<hbm>>
      tpu.wait_dma2 semaphore(%run_scoped3A : memref<!tpu.dma_semaphore, #tpu.memory_space<semaphore_mem>>) src(%dma_wait3A_14 : memref<6912xi32, #tpu.memory_space<hbm>>) dst(%arg6 : memref<6912xi32, #tpu.memory_space<vmem>>)
      tpu.yield
    }) : () -> ()
    %scan3A = arith.constant 0 : i32
    %scan3A_7 = arith.constant 0 : i32
    %scan3A_8 = arith.constant 27 : i32
    %scan3A_9 = arith.addi %scan3A_7, %scan3A_8 : i32
    %scan3A_10 = arith.constant 1 : i32
    %scan3A_11 = scf.for %scan3A_13 = %scan3A_7 to %scan3A_9 step %scan3A_10 iter_args(%scan3A_14 = %scan3A) -> (i32)  : i32 {
      %mul3A_15 = arith.constant 2 : i32
      %mul3A_16 = arith.muli %scan3A_13, %mul3A_15 : i32
      %mul3A_17 = arith.constant 128 : i32
      %mul3A_18 = arith.muli %mul3A_16, %mul3A_17 : i32
      %add3A_19 = arith.constant 128 : i32
      %add3A_20 = arith.addi %mul3A_18, %add3A_19 : i32
      %dma_start3A = tpu.memref_slice %arg6[%mul3A_18] : memref<6912xi32, #tpu.memory_space<vmem>> -> memref<128xi32, #tpu.memory_space<vmem>>
      %dma_start3A_21 = arith.constant 0 : i32
      %dma_start3A_22 = arith.constant 0 : i32
      %dma_start3A_23 = tpu.memref_slice %arg5[%dma_start3A_21, %dma_start3A_22] : memref<8320x128xf32, #tpu.memory_space<vmem_shared>> -> memref<8320x128xf32, #tpu.memory_space<vmem_shared>>
      tpu.enqueue_indirect_dma source(%dma_start3A_23 : memref<8320x128xf32, #tpu.memory_space<vmem_shared>>) target(%arg7 : memref<128x128xf32, #tpu.memory_space<vmem>>) offsets(%dma_start3A : memref<128xi32, #tpu.memory_space<vmem>>) semaphore(%arg9 : memref<!tpu.dma_semaphore, #tpu.memory_space<semaphore_mem>>)
      %dma_start3A_24 = tpu.memref_slice %arg6[%add3A_20] : memref<6912xi32, #tpu.memory_space<vmem>> -> memref<128xi32, #tpu.memory_space<vmem>>
      %dma_start3A_25 = arith.constant 0 : i32
      %dma_start3A_26 = arith.constant 0 : i32
      %dma_start3A_27 = tpu.memref_slice %arg5[%dma_start3A_25, %dma_start3A_26] : memref<8320x128xf32, #tpu.memory_space<vmem_shared>> -> memref<8320x128xf32, #tpu.memory_space<vmem_shared>>
      tpu.enqueue_indirect_dma source(%dma_start3A_27 : memref<8320x128xf32, #tpu.memory_space<vmem_shared>>) target(%arg8 : memref<128x128xf32, #tpu.memory_space<vmem>>) offsets(%dma_start3A_24 : memref<128xi32, #tpu.memory_space<vmem>>) semaphore(%arg10 : memref<!tpu.dma_semaphore, #tpu.memory_space<semaphore_mem>>)
      %dma_wait3A = tpu.memref_slice %arg6[%mul3A_18] : memref<6912xi32, #tpu.memory_space<vmem>> -> memref<128xi32, #tpu.memory_space<vmem>>
      %dma_wait3A_28 = arith.constant 0 : i32
      %dma_wait3A_29 = arith.constant 0 : i32
      %dma_wait3A_30 = tpu.memref_slice %arg5[%dma_wait3A_28, %dma_wait3A_29] : memref<8320x128xf32, #tpu.memory_space<vmem_shared>> -> memref<8320x128xf32, #tpu.memory_space<vmem_shared>>
      tpu.wait_indirect_dma semaphore(%arg9 : memref<!tpu.dma_semaphore, #tpu.memory_space<semaphore_mem>>) src(%dma_wait3A_30 : memref<8320x128xf32, #tpu.memory_space<vmem_shared>>) dst(%arg7 : memref<128x128xf32, #tpu.memory_space<vmem>>)
      %add3A_31 = arith.addi %mul3A_6, %mul3A_18 : i32
      %dma_start3A_32 = arith.constant 0 : i32
      %dma_start3A_33 = tpu.memref_slice %arg4[%add3A_31, %dma_start3A_32] : memref<221184x128xf32, #tpu.memory_space<hbm>> -> memref<128x128xf32, #tpu.memory_space<hbm>>
      %dma_start3A_34 = arith.constant 0 : i32
      %dma_start3A_35 = tpu.memref_slice %arg4[%add3A_31, %dma_start3A_34] : memref<221184x128xf32, #tpu.memory_space<hbm>> -> memref<128x128xf32, #tpu.memory_space<hbm>>
      tpu.enqueue_dma source(%arg7 : memref<128x128xf32, #tpu.memory_space<vmem>>) target(%dma_start3A_35 : memref<128x128xf32, #tpu.memory_space<hbm>>) target_semaphore(%arg11 : memref<!tpu.dma_semaphore, #tpu.memory_space<semaphore_mem>>)
      %dma_wait3A_36 = tpu.memref_slice %arg6[%add3A_20] : memref<6912xi32, #tpu.memory_space<vmem>> -> memref<128xi32, #tpu.memory_space<vmem>>
      %dma_wait3A_37 = arith.constant 0 : i32
      %dma_wait3A_38 = arith.constant 0 : i32
      %dma_wait3A_39 = tpu.memref_slice %arg5[%dma_wait3A_37, %dma_wait3A_38] : memref<8320x128xf32, #tpu.memory_space<vmem_shared>> -> memref<8320x128xf32, #tpu.memory_space<vmem_shared>>
      tpu.wait_indirect_dma semaphore(%arg10 : memref<!tpu.dma_semaphore, #tpu.memory_space<semaphore_mem>>) src(%dma_wait3A_39 : memref<8320x128xf32, #tpu.memory_space<vmem_shared>>) dst(%arg8 : memref<128x128xf32, #tpu.memory_space<vmem>>)
      %add3A_40 = arith.addi %mul3A_6, %add3A_20 : i32
      %dma_start3A_41 = arith.constant 0 : i32
      %dma_start3A_42 = tpu.memref_slice %arg4[%add3A_40, %dma_start3A_41] : memref<221184x128xf32, #tpu.memory_space<hbm>> -> memref<128x128xf32, #tpu.memory_space<hbm>>
      %dma_start3A_43 = arith.constant 0 : i32
      %dma_start3A_44 = tpu.memref_slice %arg4[%add3A_40, %dma_start3A_43] : memref<221184x128xf32, #tpu.memory_space<hbm>> -> memref<128x128xf32, #tpu.memory_space<hbm>>
      tpu.enqueue_dma source(%arg8 : memref<128x128xf32, #tpu.memory_space<vmem>>) target(%dma_start3A_44 : memref<128x128xf32, #tpu.memory_space<hbm>>) target_semaphore(%arg12 : memref<!tpu.dma_semaphore, #tpu.memory_space<semaphore_mem>>)
      %dma_wait3A_45 = arith.constant 0 : i32
      %dma_wait3A_46 = tpu.memref_slice %arg4[%add3A_31, %dma_wait3A_45] : memref<221184x128xf32, #tpu.memory_space<hbm>> -> memref<128x128xf32, #tpu.memory_space<hbm>>
      %dma_wait3A_47 = arith.constant 0 : i32
      %dma_wait3A_48 = tpu.memref_slice %arg4[%add3A_31, %dma_wait3A_47] : memref<221184x128xf32, #tpu.memory_space<hbm>> -> memref<128x128xf32, #tpu.memory_space<hbm>>
      tpu.wait_dma2 semaphore(%arg11 : memref<!tpu.dma_semaphore, #tpu.memory_space<semaphore_mem>>) src(%arg7 : memref<128x128xf32, #tpu.memory_space<vmem>>) dst(%dma_wait3A_48 : memref<128x128xf32, #tpu.memory_space<hbm>>)
      %dma_wait3A_49 = arith.constant 0 : i32
      %dma_wait3A_50 = tpu.memref_slice %arg4[%add3A_40, %dma_wait3A_49] : memref<221184x128xf32, #tpu.memory_space<hbm>> -> memref<128x128xf32, #tpu.memory_space<hbm>>
      %dma_wait3A_51 = arith.constant 0 : i32
      %dma_wait3A_52 = tpu.memref_slice %arg4[%add3A_40, %dma_wait3A_51] : memref<221184x128xf32, #tpu.memory_space<hbm>> -> memref<128x128xf32, #tpu.memory_space<hbm>>
      tpu.wait_dma2 semaphore(%arg12 : memref<!tpu.dma_semaphore, #tpu.memory_space<semaphore_mem>>) src(%arg8 : memref<128x128xf32, #tpu.memory_space<vmem>>) dst(%dma_wait3A_52 : memref<128x128xf32, #tpu.memory_space<hbm>>)
      %scan3A_53 = arith.constant 0 : i32
      scf.yield %scan3A_53 : i32
    }
    %scan3A_12 = arith.constant 27 : i32
    return
  }
}

#map = affine_map<(d0, d1) -> (0, 0, 0)>
#map1 = affine_map<(d0, d1) -> (0)>
module attributes {stable_mosaic.version = 14 : i64} {
  func.func @gather_kernel(%arg0: i32, %arg1: i32, %arg2: memref<2x8320x128xi32, #tpu.memory_space<hbm>>, %arg3: memref<221184xi32, #tpu.memory_space<hbm>>, %arg4: memref<221184x2x128xi32, #tpu.memory_space<hbm>>, %arg5: memref<8320x128xi32, #tpu.memory_space<vmem_shared>>, %arg6: memref<13824xi32, #tpu.memory_space<vmem>>, %arg7: memref<128x128xi32, #tpu.memory_space<vmem>>, %arg8: memref<128x128xi32, #tpu.memory_space<vmem>>, %arg9: memref<!tpu.dma_semaphore, #tpu.memory_space<semaphore_mem>>, %arg10: memref<!tpu.dma_semaphore, #tpu.memory_space<semaphore_mem>>, %arg11: memref<!tpu.dma_semaphore, #tpu.memory_space<semaphore_mem>>, %arg12: memref<!tpu.dma_semaphore, #tpu.memory_space<semaphore_mem>>) attributes {dimension_semantics = [#tpu.dimension_semantics<core_parallel>, #tpu.dimension_semantics<subcore_parallel>], iteration_bounds = array<i64: 2, 16>, scalar_prefetch = 0 : i64, scratch_operands = 8 : i64, tpu.core_type = #tpu.core_type<sc_vector_subcore>, window_params = [{transform_indices = #map}, {transform_indices = #map1}, {transform_indices = #map}]} {
    %mul3A = arith.constant 520 : i32
    %mul3A_0 = arith.muli %arg1, %mul3A : i32
    %mul3A_1 = arith.constant 520 : i32
    %mul3A_2 = arith.muli %arg1, %mul3A_1 : i32
    "tpu.region"() ({
      %run_scoped3A = tpu.sem_alloc : memref<!tpu.dma_semaphore, #tpu.memory_space<semaphore_mem>>
      %dma_start3A = arith.constant 0 : i32
      %dma_start3A_11 = tpu.memref_slice %arg5[%mul3A_2, %dma_start3A] : memref<8320x128xi32, #tpu.memory_space<vmem_shared>> -> memref<520x128xi32, #tpu.memory_space<vmem_shared>>
      %dma_start3A_12 = arith.constant 0 : i32
      %dma_start3A_13 = tpu.memref_slice %arg2[%arg0, %mul3A_0, %dma_start3A_12] : memref<2x8320x128xi32, #tpu.memory_space<hbm>> -> memref<1x520x128xi32, #tpu.memory_space<hbm>>
      %dma_start3A_14 = tpu.memref_squeeze %dma_start3A_13 : memref<1x520x128xi32, #tpu.memory_space<hbm>> -> memref<520x128xi32, #tpu.memory_space<hbm>>
      tpu.enqueue_dma source(%dma_start3A_14 : memref<520x128xi32, #tpu.memory_space<hbm>>) target(%dma_start3A_11 : memref<520x128xi32, #tpu.memory_space<vmem_shared>>) target_semaphore(%run_scoped3A : memref<!tpu.dma_semaphore, #tpu.memory_space<semaphore_mem>>)
      %dma_wait3A = arith.constant 0 : i32
      %dma_wait3A_15 = tpu.memref_slice %arg5[%mul3A_2, %dma_wait3A] : memref<8320x128xi32, #tpu.memory_space<vmem_shared>> -> memref<520x128xi32, #tpu.memory_space<vmem_shared>>
      %dma_wait3A_16 = arith.constant 0 : i32
      %dma_wait3A_17 = tpu.memref_slice %arg2[%arg0, %mul3A_0, %dma_wait3A_16] : memref<2x8320x128xi32, #tpu.memory_space<hbm>> -> memref<1x520x128xi32, #tpu.memory_space<hbm>>
      %dma_wait3A_18 = tpu.memref_squeeze %dma_wait3A_17 : memref<1x520x128xi32, #tpu.memory_space<hbm>> -> memref<520x128xi32, #tpu.memory_space<hbm>>
      tpu.wait_dma2 semaphore(%run_scoped3A : memref<!tpu.dma_semaphore, #tpu.memory_space<semaphore_mem>>) src(%dma_wait3A_18 : memref<520x128xi32, #tpu.memory_space<hbm>>) dst(%dma_wait3A_15 : memref<520x128xi32, #tpu.memory_space<vmem_shared>>)
      tpu.yield
    }) : () -> ()
    %barrier3A = arith.constant 0 : index
    tpu.barrier barrier_id(%barrier3A)
    %mul3A_3 = arith.constant 13824 : i32
    %mul3A_4 = arith.muli %arg1, %mul3A_3 : i32
    "tpu.region"() ({
      %run_scoped3A = tpu.sem_alloc : memref<!tpu.dma_semaphore, #tpu.memory_space<semaphore_mem>>
      %dma_start3A = tpu.memref_slice %arg3[%mul3A_4] : memref<221184xi32, #tpu.memory_space<hbm>> -> memref<13824xi32, #tpu.memory_space<hbm>>
      %dma_start3A_11 = tpu.memref_slice %arg3[%mul3A_4] : memref<221184xi32, #tpu.memory_space<hbm>> -> memref<13824xi32, #tpu.memory_space<hbm>>
      tpu.enqueue_dma source(%dma_start3A_11 : memref<13824xi32, #tpu.memory_space<hbm>>) target(%arg6 : memref<13824xi32, #tpu.memory_space<vmem>>) target_semaphore(%run_scoped3A : memref<!tpu.dma_semaphore, #tpu.memory_space<semaphore_mem>>)
      %dma_wait3A = tpu.memref_slice %arg3[%mul3A_4] : memref<221184xi32, #tpu.memory_space<hbm>> -> memref<13824xi32, #tpu.memory_space<hbm>>
      %dma_wait3A_12 = tpu.memref_slice %arg3[%mul3A_4] : memref<221184xi32, #tpu.memory_space<hbm>> -> memref<13824xi32, #tpu.memory_space<hbm>>
      tpu.wait_dma2 semaphore(%run_scoped3A : memref<!tpu.dma_semaphore, #tpu.memory_space<semaphore_mem>>) src(%dma_wait3A_12 : memref<13824xi32, #tpu.memory_space<hbm>>) dst(%arg6 : memref<13824xi32, #tpu.memory_space<vmem>>)
      tpu.yield
    }) : () -> ()
    %scan3A = arith.constant 0 : i32
    %scan3A_5 = arith.constant 0 : i32
    %scan3A_6 = arith.constant 54 : i32
    %scan3A_7 = arith.addi %scan3A_5, %scan3A_6 : i32
    %scan3A_8 = arith.constant 1 : i32
    %scan3A_9 = scf.for %scan3A_11 = %scan3A_5 to %scan3A_7 step %scan3A_8 iter_args(%scan3A_12 = %scan3A) -> (i32)  : i32 {
      %mul3A_13 = arith.constant 2 : i32
      %mul3A_14 = arith.muli %scan3A_11, %mul3A_13 : i32
      %mul3A_15 = arith.constant 128 : i32
      %mul3A_16 = arith.muli %mul3A_14, %mul3A_15 : i32
      %add3A = arith.constant 128 : i32
      %add3A_17 = arith.addi %mul3A_16, %add3A : i32
      %dma_start3A = tpu.memref_slice %arg6[%mul3A_16] : memref<13824xi32, #tpu.memory_space<vmem>> -> memref<128xi32, #tpu.memory_space<vmem>>
      %dma_start3A_18 = arith.constant 0 : i32
      %dma_start3A_19 = arith.constant 0 : i32
      %dma_start3A_20 = tpu.memref_slice %arg5[%dma_start3A_18, %dma_start3A_19] : memref<8320x128xi32, #tpu.memory_space<vmem_shared>> -> memref<8320x128xi32, #tpu.memory_space<vmem_shared>>
      tpu.enqueue_indirect_dma source(%dma_start3A_20 : memref<8320x128xi32, #tpu.memory_space<vmem_shared>>) target(%arg7 : memref<128x128xi32, #tpu.memory_space<vmem>>) offsets(%dma_start3A : memref<128xi32, #tpu.memory_space<vmem>>) semaphore(%arg9 : memref<!tpu.dma_semaphore, #tpu.memory_space<semaphore_mem>>)
      %dma_start3A_21 = tpu.memref_slice %arg6[%add3A_17] : memref<13824xi32, #tpu.memory_space<vmem>> -> memref<128xi32, #tpu.memory_space<vmem>>
      %dma_start3A_22 = arith.constant 0 : i32
      %dma_start3A_23 = arith.constant 0 : i32
      %dma_start3A_24 = tpu.memref_slice %arg5[%dma_start3A_22, %dma_start3A_23] : memref<8320x128xi32, #tpu.memory_space<vmem_shared>> -> memref<8320x128xi32, #tpu.memory_space<vmem_shared>>
      tpu.enqueue_indirect_dma source(%dma_start3A_24 : memref<8320x128xi32, #tpu.memory_space<vmem_shared>>) target(%arg8 : memref<128x128xi32, #tpu.memory_space<vmem>>) offsets(%dma_start3A_21 : memref<128xi32, #tpu.memory_space<vmem>>) semaphore(%arg10 : memref<!tpu.dma_semaphore, #tpu.memory_space<semaphore_mem>>)
      %dma_wait3A = tpu.memref_slice %arg6[%mul3A_16] : memref<13824xi32, #tpu.memory_space<vmem>> -> memref<128xi32, #tpu.memory_space<vmem>>
      %dma_wait3A_25 = arith.constant 0 : i32
      %dma_wait3A_26 = arith.constant 0 : i32
      %dma_wait3A_27 = tpu.memref_slice %arg5[%dma_wait3A_25, %dma_wait3A_26] : memref<8320x128xi32, #tpu.memory_space<vmem_shared>> -> memref<8320x128xi32, #tpu.memory_space<vmem_shared>>
      tpu.wait_indirect_dma semaphore(%arg9 : memref<!tpu.dma_semaphore, #tpu.memory_space<semaphore_mem>>) src(%dma_wait3A_27 : memref<8320x128xi32, #tpu.memory_space<vmem_shared>>) dst(%arg7 : memref<128x128xi32, #tpu.memory_space<vmem>>)
      %add3A_28 = arith.addi %mul3A_4, %mul3A_16 : i32
      %dma_start3A_29 = arith.constant 0 : i32
      %dma_start3A_30 = tpu.memref_slice %arg4[%add3A_28, %arg0, %dma_start3A_29] : memref<221184x2x128xi32, #tpu.memory_space<hbm>> -> memref<128x1x128xi32, #tpu.memory_space<hbm>>
      %dma_start3A_31 = tpu.memref_squeeze %dma_start3A_30 : memref<128x1x128xi32, #tpu.memory_space<hbm>> -> memref<128x128xi32, #tpu.memory_space<hbm>>
      %dma_start3A_32 = arith.constant 0 : i32
      %dma_start3A_33 = tpu.memref_slice %arg4[%add3A_28, %arg0, %dma_start3A_32] : memref<221184x2x128xi32, #tpu.memory_space<hbm>> -> memref<128x1x128xi32, #tpu.memory_space<hbm>>
      %dma_start3A_34 = tpu.memref_squeeze %dma_start3A_33 : memref<128x1x128xi32, #tpu.memory_space<hbm>> -> memref<128x128xi32, #tpu.memory_space<hbm>>
      tpu.enqueue_dma source(%arg7 : memref<128x128xi32, #tpu.memory_space<vmem>>) target(%dma_start3A_34 : memref<128x128xi32, #tpu.memory_space<hbm>>) target_semaphore(%arg11 : memref<!tpu.dma_semaphore, #tpu.memory_space<semaphore_mem>>)
      %dma_wait3A_35 = tpu.memref_slice %arg6[%add3A_17] : memref<13824xi32, #tpu.memory_space<vmem>> -> memref<128xi32, #tpu.memory_space<vmem>>
      %dma_wait3A_36 = arith.constant 0 : i32
      %dma_wait3A_37 = arith.constant 0 : i32
      %dma_wait3A_38 = tpu.memref_slice %arg5[%dma_wait3A_36, %dma_wait3A_37] : memref<8320x128xi32, #tpu.memory_space<vmem_shared>> -> memref<8320x128xi32, #tpu.memory_space<vmem_shared>>
      tpu.wait_indirect_dma semaphore(%arg10 : memref<!tpu.dma_semaphore, #tpu.memory_space<semaphore_mem>>) src(%dma_wait3A_38 : memref<8320x128xi32, #tpu.memory_space<vmem_shared>>) dst(%arg8 : memref<128x128xi32, #tpu.memory_space<vmem>>)
      %add3A_39 = arith.addi %mul3A_4, %add3A_17 : i32
      %dma_start3A_40 = arith.constant 0 : i32
      %dma_start3A_41 = tpu.memref_slice %arg4[%add3A_39, %arg0, %dma_start3A_40] : memref<221184x2x128xi32, #tpu.memory_space<hbm>> -> memref<128x1x128xi32, #tpu.memory_space<hbm>>
      %dma_start3A_42 = tpu.memref_squeeze %dma_start3A_41 : memref<128x1x128xi32, #tpu.memory_space<hbm>> -> memref<128x128xi32, #tpu.memory_space<hbm>>
      %dma_start3A_43 = arith.constant 0 : i32
      %dma_start3A_44 = tpu.memref_slice %arg4[%add3A_39, %arg0, %dma_start3A_43] : memref<221184x2x128xi32, #tpu.memory_space<hbm>> -> memref<128x1x128xi32, #tpu.memory_space<hbm>>
      %dma_start3A_45 = tpu.memref_squeeze %dma_start3A_44 : memref<128x1x128xi32, #tpu.memory_space<hbm>> -> memref<128x128xi32, #tpu.memory_space<hbm>>
      tpu.enqueue_dma source(%arg8 : memref<128x128xi32, #tpu.memory_space<vmem>>) target(%dma_start3A_45 : memref<128x128xi32, #tpu.memory_space<hbm>>) target_semaphore(%arg12 : memref<!tpu.dma_semaphore, #tpu.memory_space<semaphore_mem>>)
      %dma_wait3A_46 = arith.constant 0 : i32
      %dma_wait3A_47 = tpu.memref_slice %arg4[%add3A_28, %arg0, %dma_wait3A_46] : memref<221184x2x128xi32, #tpu.memory_space<hbm>> -> memref<128x1x128xi32, #tpu.memory_space<hbm>>
      %dma_wait3A_48 = tpu.memref_squeeze %dma_wait3A_47 : memref<128x1x128xi32, #tpu.memory_space<hbm>> -> memref<128x128xi32, #tpu.memory_space<hbm>>
      %dma_wait3A_49 = arith.constant 0 : i32
      %dma_wait3A_50 = tpu.memref_slice %arg4[%add3A_28, %arg0, %dma_wait3A_49] : memref<221184x2x128xi32, #tpu.memory_space<hbm>> -> memref<128x1x128xi32, #tpu.memory_space<hbm>>
      %dma_wait3A_51 = tpu.memref_squeeze %dma_wait3A_50 : memref<128x1x128xi32, #tpu.memory_space<hbm>> -> memref<128x128xi32, #tpu.memory_space<hbm>>
      tpu.wait_dma2 semaphore(%arg11 : memref<!tpu.dma_semaphore, #tpu.memory_space<semaphore_mem>>) src(%arg7 : memref<128x128xi32, #tpu.memory_space<vmem>>) dst(%dma_wait3A_51 : memref<128x128xi32, #tpu.memory_space<hbm>>)
      %dma_wait3A_52 = arith.constant 0 : i32
      %dma_wait3A_53 = tpu.memref_slice %arg4[%add3A_39, %arg0, %dma_wait3A_52] : memref<221184x2x128xi32, #tpu.memory_space<hbm>> -> memref<128x1x128xi32, #tpu.memory_space<hbm>>
      %dma_wait3A_54 = tpu.memref_squeeze %dma_wait3A_53 : memref<128x1x128xi32, #tpu.memory_space<hbm>> -> memref<128x128xi32, #tpu.memory_space<hbm>>
      %dma_wait3A_55 = arith.constant 0 : i32
      %dma_wait3A_56 = tpu.memref_slice %arg4[%add3A_39, %arg0, %dma_wait3A_55] : memref<221184x2x128xi32, #tpu.memory_space<hbm>> -> memref<128x1x128xi32, #tpu.memory_space<hbm>>
      %dma_wait3A_57 = tpu.memref_squeeze %dma_wait3A_56 : memref<128x1x128xi32, #tpu.memory_space<hbm>> -> memref<128x128xi32, #tpu.memory_space<hbm>>
      tpu.wait_dma2 semaphore(%arg12 : memref<!tpu.dma_semaphore, #tpu.memory_space<semaphore_mem>>) src(%arg8 : memref<128x128xi32, #tpu.memory_space<vmem>>) dst(%dma_wait3A_57 : memref<128x128xi32, #tpu.memory_space<hbm>>)
      %scan3A_58 = arith.constant 0 : i32
      scf.yield %scan3A_58 : i32
    }
    %scan3A_10 = arith.constant 54 : i32
    return
  }
}

module attributes {stable_mosaic.version = 14 : i64} {
  func.func @_gn1_body(%arg0: memref<8192x64xf32, #tpu.memory_space<vmem>>, %arg1: memref<1x64xf32, #tpu.memory_space<vmem>>, %arg2: memref<1x64xf32, #tpu.memory_space<vmem>>, %arg3: memref<64x64xf32, #tpu.memory_space<vmem>>, %arg4: memref<8320x128xf32, #tpu.memory_space<vmem>>) attributes {dimension_semantics = [], scalar_prefetch = 0 : i64, scratch_operands = 0 : i64, tpu.core_type = #tpu.core_type<tc>} {
    %get3A = arith.constant 0 : index
    %get3A_0 = arith.constant 0 : index
    %get3A_1 = vector.load %arg0[%get3A, %get3A_0] : memref<8192x64xf32, #tpu.memory_space<vmem>>, vector<8192x64xf32>
    %reduce_sum3A = arith.constant dense<0.000000e+00> : vector<64xf32>
    %reduce_sum3A_2 = vector.multi_reduction <add>, %get3A_1, %reduce_sum3A [0] : vector<8192x64xf32> to vector<64xf32>
    %broadcast_in_dim3A = vector.shape_cast %reduce_sum3A_2 : vector<64xf32> to vector<1x64xf32>
    %mul3A = arith.mulf %get3A_1, %get3A_1 : vector<8192x64xf32>
    %reduce_sum3A_3 = arith.constant dense<0.000000e+00> : vector<64xf32>
    %reduce_sum3A_4 = vector.multi_reduction <add>, %mul3A, %reduce_sum3A_3 [0] : vector<8192x64xf32> to vector<64xf32>
    %broadcast_in_dim3A_5 = vector.shape_cast %reduce_sum3A_4 : vector<64xf32> to vector<1x64xf32>
    %get3A_6 = arith.constant 0 : index
    %get3A_7 = arith.constant 0 : index
    %get3A_8 = vector.load %arg3[%get3A_6, %get3A_7] : memref<64x64xf32, #tpu.memory_space<vmem>>, vector<64x64xf32>
    %dot_general3A = arith.constant dense<0.000000e+00> : vector<1x64xf32>
    %dot_general3A_9 = tpu.matmul %broadcast_in_dim3A, %get3A_8, %dot_general3A {dimension_numbers = #tpu.dot_dimension_numbers<[1], [0], [0], [1], [0, 0, 1, 1], [], []>, transpose_lhs_hint = false} : vector<1x64xf32>, vector<64x64xf32>, vector<1x64xf32> -> vector<1x64xf32>
    %get3A_10 = arith.constant 0 : index
    %get3A_11 = arith.constant 0 : index
    %get3A_12 = vector.load %arg3[%get3A_10, %get3A_11] : memref<64x64xf32, #tpu.memory_space<vmem>>, vector<64x64xf32>
    %dot_general3A_13 = arith.constant dense<0.000000e+00> : vector<1x64xf32>
    %dot_general3A_14 = tpu.matmul %broadcast_in_dim3A_5, %get3A_12, %dot_general3A_13 {dimension_numbers = #tpu.dot_dimension_numbers<[1], [0], [0], [1], [0, 0, 1, 1], [], []>, transpose_lhs_hint = false} : vector<1x64xf32>, vector<64x64xf32>, vector<1x64xf32> -> vector<1x64xf32>
    %div3A = arith.constant 1.638400e+04 : f32
    %div3A_15 = vector.broadcast %div3A : f32 to vector<1x64xf32>
    %div3A_16 = arith.divf %dot_general3A_9, %div3A_15 : vector<1x64xf32>
    %div3A_17 = arith.constant 1.638400e+04 : f32
    %div3A_18 = vector.broadcast %div3A_17 : f32 to vector<1x64xf32>
    %div3A_19 = arith.divf %dot_general3A_14, %div3A_18 : vector<1x64xf32>
    %mul3A_20 = arith.mulf %div3A_16, %div3A_16 : vector<1x64xf32>
    %sub3A = arith.subf %div3A_19, %mul3A_20 : vector<1x64xf32>
    %sub3A_21 = vector.broadcast %div3A_16 : vector<1x64xf32> to vector<8192x64xf32>
    %sub3A_22 = arith.subf %get3A_1, %sub3A_21 : vector<8192x64xf32>
    %add3A = arith.constant 9.99999974E-6 : f32
    %add3A_23 = vector.broadcast %add3A : f32 to vector<1x64xf32>
    %add3A_24 = arith.addf %sub3A, %add3A_23 : vector<1x64xf32>
    %rsqrt3A = math.rsqrt %add3A_24 : vector<1x64xf32>
    %mul3A_25 = vector.broadcast %rsqrt3A : vector<1x64xf32> to vector<8192x64xf32>
    %mul3A_26 = arith.mulf %sub3A_22, %mul3A_25 : vector<8192x64xf32>
    %get3A_27 = arith.constant 0 : index
    %get3A_28 = arith.constant 0 : index
    %get3A_29 = vector.load %arg1[%get3A_27, %get3A_28] : memref<1x64xf32, #tpu.memory_space<vmem>>, vector<1x64xf32>
    %mul3A_30 = vector.broadcast %get3A_29 : vector<1x64xf32> to vector<8192x64xf32>
    %mul3A_31 = arith.mulf %mul3A_26, %mul3A_30 : vector<8192x64xf32>
    %get3A_32 = arith.constant 0 : index
    %get3A_33 = arith.constant 0 : index
    %get3A_34 = vector.load %arg2[%get3A_32, %get3A_33] : memref<1x64xf32, #tpu.memory_space<vmem>>, vector<1x64xf32>
    %add3A_35 = vector.broadcast %get3A_34 : vector<1x64xf32> to vector<8192x64xf32>
    %add3A_36 = arith.addf %mul3A_31, %add3A_35 : vector<8192x64xf32>
    %logistic3A = arith.negf %add3A_36 : vector<8192x64xf32>
    %logistic3A_37 = math.exp %logistic3A : vector<8192x64xf32>
    %logistic3A_38 = arith.constant 1.000000e+00 : f32
    %logistic3A_39 = vector.broadcast %logistic3A_38 : f32 to vector<8192x64xf32>
    %logistic3A_40 = arith.addf %logistic3A_39, %logistic3A_37 : vector<8192x64xf32>
    %logistic3A_41 = arith.divf %logistic3A_39, %logistic3A_40 : vector<8192x64xf32>
    %mul3A_42 = arith.mulf %add3A_36, %logistic3A_41 : vector<8192x64xf32>
    %broadcast_in_dim3A_43 = arith.constant 0.000000e+00 : f32
    %broadcast_in_dim3A_44 = vector.broadcast %broadcast_in_dim3A_43 : f32 to vector<8192x64xf32>
    %concatenate3A = tpu.concatenate %mul3A_42, %broadcast_in_dim3A_44 in 1 : vector<8192x64xf32>, vector<8192x64xf32> -> vector<8192x128xf32>
    %broadcast_in_dim3A_45 = arith.constant 0.000000e+00 : f32
    %broadcast_in_dim3A_46 = vector.broadcast %broadcast_in_dim3A_45 : f32 to vector<128x128xf32>
    %concatenate3A_47 = tpu.concatenate %concatenate3A, %broadcast_in_dim3A_46 in 0 : vector<8192x128xf32>, vector<128x128xf32> -> vector<8320x128xf32>
    %swap3A = arith.constant 0 : index
    %swap3A_48 = arith.constant 0 : index
    %swap3A_49 = vector.load %arg4[%swap3A, %swap3A_48] : memref<8320x128xf32, #tpu.memory_space<vmem>>, vector<8320x128xf32>
    tpu.vector_store %arg4[%swap3A, %swap3A_48], %concatenate3A_47 {strides = array<i32>} : memref<8320x128xf32, #tpu.memory_space<vmem>>, vector<8320x128xf32>,
    return
  }
}

module attributes {stable_mosaic.version = 14 : i64} {
  func.func @_conv1_body(%arg0: i32, %arg1: memref<1024x3456xf32, #tpu.memory_space<vmem>>, %arg2: memref<3456x512xf32, #tpu.memory_space<vmem>>, %arg3: memref<1x512xf32, #tpu.memory_space<vmem>>, %arg4: memref<1024x512xf32, #tpu.memory_space<vmem>>, %arg5: memref<2x512xf32, #tpu.memory_space<vmem>>) attributes {dimension_semantics = [#tpu.dimension_semantics<arbitrary>], iteration_bounds = array<i64: 8>, scalar_prefetch = 0 : i64, scratch_operands = 0 : i64, tpu.core_type = #tpu.core_type<tc>, window_params = [{transform_indices = @transform_0, window_bounds = array<i64: 1024, 3456>}, {pipeline_mode = #tpu.pipeline_mode<synchronous>, transform_indices = @transform_1, window_bounds = array<i64: 3456, 512>}, {pipeline_mode = #tpu.pipeline_mode<synchronous>, transform_indices = @transform_2, window_bounds = array<i64: 1, 512>}, {transform_indices = @transform_3, window_bounds = array<i64: 1024, 512>}, {pipeline_mode = #tpu.pipeline_mode<synchronous>, transform_indices = @transform_4, window_bounds = array<i64: 2, 512>}]} {
    %get3A = arith.constant 0 : index
    %get3A_0 = arith.constant 0 : index
    %get3A_1 = vector.load %arg1[%get3A, %get3A_0] : memref<1024x3456xf32, #tpu.memory_space<vmem>>, vector<1024x3456xf32>
    %get3A_2 = arith.constant 0 : index
    %get3A_3 = arith.constant 0 : index
    %get3A_4 = vector.load %arg2[%get3A_2, %get3A_3] : memref<3456x512xf32, #tpu.memory_space<vmem>>, vector<3456x512xf32>
    %dot_general3A = arith.constant dense<0.000000e+00> : vector<1024x512xf32>
    %dot_general3A_5 = tpu.matmul %get3A_1, %get3A_4, %dot_general3A {dimension_numbers = #tpu.dot_dimension_numbers<[1], [0], [0], [1], [0, 0, 1, 1], [], []>, transpose_lhs_hint = false} : vector<1024x3456xf32>, vector<3456x512xf32>, vector<1024x512xf32> -> vector<1024x512xf32>
    %get3A_6 = arith.constant 0 : index
    %get3A_7 = arith.constant 0 : index
    %get3A_8 = vector.load %arg3[%get3A_6, %get3A_7] : memref<1x512xf32, #tpu.memory_space<vmem>>, vector<1x512xf32>
    %add3A = vector.broadcast %get3A_8 : vector<1x512xf32> to vector<1024x512xf32>
    %add3A_9 = arith.addf %dot_general3A_5, %add3A : vector<1024x512xf32>
    %swap3A = arith.constant 0 : index
    %swap3A_10 = arith.constant 0 : index
    %swap3A_11 = vector.load %arg4[%swap3A, %swap3A_10] : memref<1024x512xf32, #tpu.memory_space<vmem>>, vector<1024x512xf32>
    tpu.vector_store %arg4[%swap3A, %swap3A_10], %add3A_9 {strides = array<i32>} : memref<1024x512xf32, #tpu.memory_space<vmem>>, vector<1024x512xf32>,
    %reduce_sum3A = arith.constant dense<0.000000e+00> : vector<512xf32>
    %reduce_sum3A_12 = vector.multi_reduction <add>, %add3A_9, %reduce_sum3A [0] : vector<1024x512xf32> to vector<512xf32>
    %broadcast_in_dim3A = vector.shape_cast %reduce_sum3A_12 : vector<512xf32> to vector<1x512xf32>
    %mul3A = arith.mulf %add3A_9, %add3A_9 : vector<1024x512xf32>
    %reduce_sum3A_13 = arith.constant dense<0.000000e+00> : vector<512xf32>
    %reduce_sum3A_14 = vector.multi_reduction <add>, %mul3A, %reduce_sum3A_13 [0] : vector<1024x512xf32> to vector<512xf32>
    %broadcast_in_dim3A_15 = vector.shape_cast %reduce_sum3A_14 : vector<512xf32> to vector<1x512xf32>
    %concatenate3A = tpu.concatenate %broadcast_in_dim3A, %broadcast_in_dim3A_15 in 0 : vector<1x512xf32>, vector<1x512xf32> -> vector<2x512xf32>
    %eq3A = arith.constant 0 : i32
    %eq3A_16 = arith.cmpi eq, %arg0, %eq3A : i32
    %convert_element_type3A = arith.extui %eq3A_16 : i1 to i32
    %cond3A = arith.constant 0 : i32
    %cond3A_17 = arith.cmpi ne, %convert_element_type3A, %cond3A : i32
    scf.if %cond3A_17 {
      %swap3A_22 = arith.constant 0 : index
      %swap3A_23 = arith.constant 0 : index
      %swap3A_24 = vector.load %arg5[%swap3A_22, %swap3A_23] : memref<2x512xf32, #tpu.memory_space<vmem>>, vector<2x512xf32>
      tpu.vector_store %arg5[%swap3A_22, %swap3A_23], %concatenate3A {strides = array<i32>} : memref<2x512xf32, #tpu.memory_space<vmem>>, vector<2x512xf32>,
    } else {
    }
    %ne3A = arith.constant 0 : i32
    %ne3A_18 = arith.cmpi ne, %arg0, %ne3A : i32
    %convert_element_type3A_19 = arith.extui %ne3A_18 : i1 to i32
    %cond3A_20 = arith.constant 0 : i32
    %cond3A_21 = arith.cmpi ne, %convert_element_type3A_19, %cond3A_20 : i32
    scf.if %cond3A_21 {
      %get3A_22 = arith.constant 0 : index
      %get3A_23 = arith.constant 0 : index
      %get3A_24 = vector.load %arg5[%get3A_22, %get3A_23] : memref<2x512xf32, #tpu.memory_space<vmem>>, vector<2x512xf32>
      %add3A_25 = arith.addf %get3A_24, %concatenate3A : vector<2x512xf32>
      %swap3A_26 = arith.constant 0 : index
      %swap3A_27 = arith.constant 0 : index
      %swap3A_28 = vector.load %arg5[%swap3A_26, %swap3A_27] : memref<2x512xf32, #tpu.memory_space<vmem>>, vector<2x512xf32>
      tpu.vector_store %arg5[%swap3A_26, %swap3A_27], %add3A_25 {strides = array<i32>} : memref<2x512xf32, #tpu.memory_space<vmem>>, vector<2x512xf32>,
    } else {
    }
    return
  }
  func.func @transform_0(%arg0: i32) -> (i32, i32) {
    %c0_i32 = arith.constant 0 : i32
    %c0_i32_0 = arith.constant 0 : i32
    return %arg0, %c0_i32 : i32, i32
  }
  func.func @transform_1(%arg0: i32) -> (i32, i32) {
    %c0_i32 = arith.constant 0 : i32
    %c0_i32_0 = arith.constant 0 : i32
    %c0_i32_1 = arith.constant 0 : i32
    return %c0_i32, %c0_i32_0 : i32, i32
  }
  func.func @transform_2(%arg0: i32) -> (i32, i32) {
    %c0_i32 = arith.constant 0 : i32
    %c0_i32_0 = arith.constant 0 : i32
    %c0_i32_1 = arith.constant 0 : i32
    return %c0_i32, %c0_i32_0 : i32, i32
  }
  func.func @transform_3(%arg0: i32) -> (i32, i32) {
    %c0_i32 = arith.constant 0 : i32
    %c0_i32_0 = arith.constant 0 : i32
    return %arg0, %c0_i32 : i32, i32
  }
  func.func @transform_4(%arg0: i32) -> (i32, i32) {
    %c0_i32 = arith.constant 0 : i32
    %c0_i32_0 = arith.constant 0 : i32
    %c0_i32_1 = arith.constant 0 : i32
    return %c0_i32, %c0_i32_0 : i32, i32
  }
}

module attributes {stable_mosaic.version = 14 : i64} {
  func.func @_gn2_body(%arg0: i32, %arg1: memref<1024x512xf32, #tpu.memory_space<vmem>>, %arg2: memref<2x512xf32, #tpu.memory_space<vmem>>, %arg3: memref<1x512xf32, #tpu.memory_space<vmem>>, %arg4: memref<1x512xf32, #tpu.memory_space<vmem>>, %arg5: memref<512x512xf32, #tpu.memory_space<vmem>>, %arg6: memref<1024x512xbf16, #tpu.memory_space<vmem>>) attributes {dimension_semantics = [#tpu.dimension_semantics<arbitrary>], iteration_bounds = array<i64: 8>, scalar_prefetch = 0 : i64, scratch_operands = 0 : i64, tpu.core_type = #tpu.core_type<tc>, window_params = [{transform_indices = @transform_0, window_bounds = array<i64: 1024, 512>}, {pipeline_mode = #tpu.pipeline_mode<synchronous>, transform_indices = @transform_1, window_bounds = array<i64: 2, 512>}, {pipeline_mode = #tpu.pipeline_mode<synchronous>, transform_indices = @transform_2, window_bounds = array<i64: 1, 512>}, {pipeline_mode = #tpu.pipeline_mode<synchronous>, transform_indices = @transform_3, window_bounds = array<i64: 1, 512>}, {pipeline_mode = #tpu.pipeline_mode<synchronous>, transform_indices = @transform_4, window_bounds = array<i64: 512, 512>}, {transform_indices = @transform_5, window_bounds = array<i64: 1024, 512>}]} {
    %get3A = arith.constant 0 : index
    %get3A_0 = arith.constant 0 : index
    %get3A_1 = vector.load %arg2[%get3A, %get3A_0] : memref<2x512xf32, #tpu.memory_space<vmem>>, vector<1x512xf32>
    %get3A_2 = arith.constant 0 : index
    %get3A_3 = arith.constant 0 : index
    %get3A_4 = vector.load %arg5[%get3A_2, %get3A_3] : memref<512x512xf32, #tpu.memory_space<vmem>>, vector<512x512xf32>
    %dot_general3A = arith.constant dense<0.000000e+00> : vector<1x512xf32>
    %dot_general3A_5 = tpu.matmul %get3A_1, %get3A_4, %dot_general3A {dimension_numbers = #tpu.dot_dimension_numbers<[1], [0], [0], [1], [0, 0, 1, 1], [], []>, transpose_lhs_hint = false} : vector<1x512xf32>, vector<512x512xf32>, vector<1x512xf32> -> vector<1x512xf32>
    %get3A_6 = arith.constant 1 : index
    %get3A_7 = arith.constant 0 : index
    %get3A_8 = vector.load %arg2[%get3A_6, %get3A_7] : memref<2x512xf32, #tpu.memory_space<vmem>>, vector<1x512xf32>
    %get3A_9 = arith.constant 0 : index
    %get3A_10 = arith.constant 0 : index
    %get3A_11 = vector.load %arg5[%get3A_9, %get3A_10] : memref<512x512xf32, #tpu.memory_space<vmem>>, vector<512x512xf32>
    %dot_general3A_12 = arith.constant dense<0.000000e+00> : vector<1x512xf32>
    %dot_general3A_13 = tpu.matmul %get3A_8, %get3A_11, %dot_general3A_12 {dimension_numbers = #tpu.dot_dimension_numbers<[1], [0], [0], [1], [0, 0, 1, 1], [], []>, transpose_lhs_hint = false} : vector<1x512xf32>, vector<512x512xf32>, vector<1x512xf32> -> vector<1x512xf32>
    %div3A = arith.constant 1.310720e+05 : f32
    %div3A_14 = vector.broadcast %div3A : f32 to vector<1x512xf32>
    %div3A_15 = arith.divf %dot_general3A_5, %div3A_14 : vector<1x512xf32>
    %div3A_16 = arith.constant 1.310720e+05 : f32
    %div3A_17 = vector.broadcast %div3A_16 : f32 to vector<1x512xf32>
    %div3A_18 = arith.divf %dot_general3A_13, %div3A_17 : vector<1x512xf32>
    %mul3A = arith.mulf %div3A_15, %div3A_15 : vector<1x512xf32>
    %sub3A = arith.subf %div3A_18, %mul3A : vector<1x512xf32>
    %get3A_19 = arith.constant 0 : index
    %get3A_20 = arith.constant 0 : index
    %get3A_21 = vector.load %arg1[%get3A_19, %get3A_20] : memref<1024x512xf32, #tpu.memory_space<vmem>>, vector<1024x512xf32>
    %sub3A_22 = vector.broadcast %div3A_15 : vector<1x512xf32> to vector<1024x512xf32>
    %sub3A_23 = arith.subf %get3A_21, %sub3A_22 : vector<1024x512xf32>
    %add3A = arith.constant 9.99999974E-6 : f32
    %add3A_24 = vector.broadcast %add3A : f32 to vector<1x512xf32>
    %add3A_25 = arith.addf %sub3A, %add3A_24 : vector<1x512xf32>
    %rsqrt3A = math.rsqrt %add3A_25 : vector<1x512xf32>
    %mul3A_26 = vector.broadcast %rsqrt3A : vector<1x512xf32> to vector<1024x512xf32>
    %mul3A_27 = arith.mulf %sub3A_23, %mul3A_26 : vector<1024x512xf32>
    %get3A_28 = arith.constant 0 : index
    %get3A_29 = arith.constant 0 : index
    %get3A_30 = vector.load %arg3[%get3A_28, %get3A_29] : memref<1x512xf32, #tpu.memory_space<vmem>>, vector<1x512xf32>
    %mul3A_31 = vector.broadcast %get3A_30 : vector<1x512xf32> to vector<1024x512xf32>
    %mul3A_32 = arith.mulf %mul3A_27, %mul3A_31 : vector<1024x512xf32>
    %get3A_33 = arith.constant 0 : index
    %get3A_34 = arith.constant 0 : index
    %get3A_35 = vector.load %arg4[%get3A_33, %get3A_34] : memref<1x512xf32, #tpu.memory_space<vmem>>, vector<1x512xf32>
    %add3A_36 = vector.broadcast %get3A_35 : vector<1x512xf32> to vector<1024x512xf32>
    %add3A_37 = arith.addf %mul3A_32, %add3A_36 : vector<1024x512xf32>
    %logistic3A = arith.negf %add3A_37 : vector<1024x512xf32>
    %logistic3A_38 = math.exp %logistic3A : vector<1024x512xf32>
    %logistic3A_39 = arith.constant 1.000000e+00 : f32
    %logistic3A_40 = vector.broadcast %logistic3A_39 : f32 to vector<1024x512xf32>
    %logistic3A_41 = arith.addf %logistic3A_40, %logistic3A_38 : vector<1024x512xf32>
    %logistic3A_42 = arith.divf %logistic3A_40, %logistic3A_41 : vector<1024x512xf32>
    %mul3A_43 = arith.mulf %add3A_37, %logistic3A_42 : vector<1024x512xf32>
    %convert_element_type3A = arith.truncf %mul3A_43 : vector<1024x512xf32> to vector<1024x512xbf16>
    %swap3A = arith.constant 0 : index
    %swap3A_44 = arith.constant 0 : index
    %swap3A_45 = vector.load %arg6[%swap3A, %swap3A_44] : memref<1024x512xbf16, #tpu.memory_space<vmem>>, vector<1024x512xbf16>
    tpu.vector_store %arg6[%swap3A, %swap3A_44], %convert_element_type3A {strides = array<i32>} : memref<1024x512xbf16, #tpu.memory_space<vmem>>, vector<1024x512xbf16>,
    return
  }
  func.func @transform_0(%arg0: i32) -> (i32, i32) {
    %c0_i32 = arith.constant 0 : i32
    %c0_i32_0 = arith.constant 0 : i32
    return %arg0, %c0_i32 : i32, i32
  }
  func.func @transform_1(%arg0: i32) -> (i32, i32) {
    %c0_i32 = arith.constant 0 : i32
    %c0_i32_0 = arith.constant 0 : i32
    %c0_i32_1 = arith.constant 0 : i32
    return %c0_i32, %c0_i32_0 : i32, i32
  }
  func.func @transform_2(%arg0: i32) -> (i32, i32) {
    %c0_i32 = arith.constant 0 : i32
    %c0_i32_0 = arith.constant 0 : i32
    %c0_i32_1 = arith.constant 0 : i32
    return %c0_i32, %c0_i32_0 : i32, i32
  }
  func.func @transform_3(%arg0: i32) -> (i32, i32) {
    %c0_i32 = arith.constant 0 : i32
    %c0_i32_0 = arith.constant 0 : i32
    %c0_i32_1 = arith.constant 0 : i32
    return %c0_i32, %c0_i32_0 : i32, i32
  }
  func.func @transform_4(%arg0: i32) -> (i32, i32) {
    %c0_i32 = arith.constant 0 : i32
    %c0_i32_0 = arith.constant 0 : i32
    %c0_i32_1 = arith.constant 0 : i32
    return %c0_i32, %c0_i32_0 : i32, i32
  }
  func.func @transform_5(%arg0: i32) -> (i32, i32) {
    %c0_i32 = arith.constant 0 : i32
    %c0_i32_0 = arith.constant 0 : i32
    return %arg0, %c0_i32 : i32, i32
  }
}

module attributes {stable_mosaic.version = 14 : i64} {
  func.func @_conv2_body(%arg0: i32, %arg1: i32, %arg2: memref<1024x512xbf16, #tpu.memory_space<vmem>>, %arg3: memref<512x512xbf16, #tpu.memory_space<vmem>>, %arg4: memref<1024x64xf32, #tpu.memory_space<vmem>>, %arg5: memref<1x512xf32, #tpu.memory_space<vmem>>, %arg6: memref<1024x512xf32, #tpu.memory_space<vmem>>) attributes {dimension_semantics = [#tpu.dimension_semantics<arbitrary>, #tpu.dimension_semantics<arbitrary>], iteration_bounds = array<i64: 8, 27>, scalar_prefetch = 0 : i64, scratch_operands = 0 : i64, tpu.core_type = #tpu.core_type<tc>, window_params = [{transform_indices = @transform_0, window_bounds = array<i64: 1024, 512>}, {transform_indices = @transform_1, window_bounds = array<i64: 512, 512>}, {transform_indices = @transform_2, window_bounds = array<i64: 1024, 64>}, {pipeline_mode = #tpu.pipeline_mode<synchronous>, transform_indices = @transform_3, window_bounds = array<i64: 1, 512>}, {transform_indices = @transform_4, window_bounds = array<i64: 1024, 512>}]} {
    %eq3A = arith.constant 0 : i32
    %eq3A_0 = arith.cmpi eq, %arg1, %eq3A : i32
    %convert_element_type3A = arith.extui %eq3A_0 : i1 to i32
    %cond3A = arith.constant 0 : i32
    %cond3A_1 = arith.cmpi ne, %convert_element_type3A, %cond3A : i32
    scf.if %cond3A_1 {
      %get3A_13 = arith.constant 0 : index
      %get3A_14 = arith.constant 0 : index
      %get3A_15 = vector.load %arg4[%get3A_13, %get3A_14] : memref<1024x64xf32, #tpu.memory_space<vmem>>, vector<1024x64xf32>
      %concatenate3A = tpu.concatenate %get3A_15, %get3A_15, %get3A_15, %get3A_15, %get3A_15, %get3A_15, %get3A_15, %get3A_15 in 1 : vector<1024x64xf32>, vector<1024x64xf32>, vector<1024x64xf32>, vector<1024x64xf32>, vector<1024x64xf32>, vector<1024x64xf32>, vector<1024x64xf32>, vector<1024x64xf32> -> vector<1024x512xf32>
      %get3A_16 = arith.constant 0 : index
      %get3A_17 = arith.constant 0 : index
      %get3A_18 = vector.load %arg5[%get3A_16, %get3A_17] : memref<1x512xf32, #tpu.memory_space<vmem>>, vector<1x512xf32>
      %add3A_19 = vector.broadcast %get3A_18 : vector<1x512xf32> to vector<1024x512xf32>
      %add3A_20 = arith.addf %concatenate3A, %add3A_19 : vector<1024x512xf32>
      %swap3A_21 = arith.constant 0 : index
      %swap3A_22 = arith.constant 0 : index
      %swap3A_23 = vector.load %arg6[%swap3A_21, %swap3A_22] : memref<1024x512xf32, #tpu.memory_space<vmem>>, vector<1024x512xf32>
      tpu.vector_store %arg6[%swap3A_21, %swap3A_22], %add3A_20 {strides = array<i32>} : memref<1024x512xf32, #tpu.memory_space<vmem>>, vector<1024x512xf32>,
    } else {
    }
    %get3A = arith.constant 0 : index
    %get3A_2 = arith.constant 0 : index
    %get3A_3 = vector.load %arg6[%get3A, %get3A_2] : memref<1024x512xf32, #tpu.memory_space<vmem>>, vector<1024x512xf32>
    %get3A_4 = arith.constant 0 : index
    %get3A_5 = arith.constant 0 : index
    %get3A_6 = vector.load %arg2[%get3A_4, %get3A_5] : memref<1024x512xbf16, #tpu.memory_space<vmem>>, vector<1024x512xbf16>
    %get3A_7 = arith.constant 0 : index
    %get3A_8 = arith.constant 0 : index
    %get3A_9 = vector.load %arg3[%get3A_7, %get3A_8] : memref<512x512xbf16, #tpu.memory_space<vmem>>, vector<512x512xbf16>
    %dot_general3A = arith.constant dense<0.000000e+00> : vector<1024x512xf32>
    %dot_general3A_10 = tpu.matmul %get3A_6, %get3A_9, %dot_general3A {dimension_numbers = #tpu.dot_dimension_numbers<[1], [0], [0], [1], [0, 0, 1, 1], [], []>, transpose_lhs_hint = false} : vector<1024x512xbf16>, vector<512x512xbf16>, vector<1024x512xf32> -> vector<1024x512xf32>
    %add3A = arith.addf %get3A_3, %dot_general3A_10 : vector<1024x512xf32>
    %swap3A = arith.constant 0 : index
    %swap3A_11 = arith.constant 0 : index
    %swap3A_12 = vector.load %arg6[%swap3A, %swap3A_11] : memref<1024x512xf32, #tpu.memory_space<vmem>>, vector<1024x512xf32>
    tpu.vector_store %arg6[%swap3A, %swap3A_11], %add3A {strides = array<i32>} : memref<1024x512xf32, #tpu.memory_space<vmem>>, vector<1024x512xf32>,
    return
  }
  func.func @transform_0(%arg0: i32, %arg1: i32) -> (i32, i32) {
    %c0_i32 = arith.constant 0 : i32
    return %arg0, %arg1 : i32, i32
  }
  func.func @transform_1(%arg0: i32, %arg1: i32) -> (i32, i32) {
    %c0_i32 = arith.constant 0 : i32
    %c0_i32_0 = arith.constant 0 : i32
    return %arg1, %c0_i32 : i32, i32
  }
  func.func @transform_2(%arg0: i32, %arg1: i32) -> (i32, i32) {
    %c0_i32 = arith.constant 0 : i32
    %c0_i32_0 = arith.constant 0 : i32
    return %arg0, %c0_i32 : i32, i32
  }
  func.func @transform_3(%arg0: i32, %arg1: i32) -> (i32, i32) {
    %c0_i32 = arith.constant 0 : i32
    %c0_i32_0 = arith.constant 0 : i32
    %c0_i32_1 = arith.constant 0 : i32
    return %c0_i32, %c0_i32_0 : i32, i32
  }
  func.func @transform_4(%arg0: i32, %arg1: i32) -> (i32, i32) {
    %c0_i32 = arith.constant 0 : i32
    %c0_i32_0 = arith.constant 0 : i32
    return %arg0, %c0_i32 : i32, i32
  }
}

</mosaic_0001>

<sc_bundles>
// kernel: kernel.12.cloned.1.call-start
scs
__scs_entry_jumppad:
0x0: {  	(pc) =	sbr.rel $0x88, $3  }
0x1: {  	(tag) =	ssettag $0x0;
	lr =	simm.s32 $0x1  }
0x2: {  	[smem:$0x3F97] =	sst lr;
	_ =	strace $0xD0000000  }
0x3: {  	_ = 	snop  }
0x4: {  	_ = 	snop  }
0x5: {  	_ = 	snop  }
0x6: {  	_ = 	snop  }
0x7: {  	_ = 	snop  }
__scs_overlays_trampoline_lowered:
0x8: {  	[smem:$0x3FA6] =	sst s0  }
0x9: {  	[smem:$0x3FA7] =	sst s1  }
0xa: {  	[smem:$0x3FA8] =	sst s2  }
0xb: {  	[smem:$0x3FA9] =	sst s3  }
0xc: {  	[smem:$0x3FAA] =	sst s4  }
0xd: {  	[smem:$0x3FAB] =	sst s5  }
0xe: {  	[smem:$0x3FAC] =	sst s6  }
0xf: {  	[smem:$0x3FAD] =	sst s7  }
0x10: {  	[smem:$0x3FAE] =	sst s8  }
0x11: {  	[smem:$0x3FAF] =	sst s9;
	s0 =	simm.s32 @!p0 $0x0  }
0x12: {  	s1 =	sld [smem:$0x3F95];
	s0 =	simm.s32 @p0 $0x1  }
0x13: {  	[smem:$0x3FB0] =	sst s0;
	s0 =	simm.s32 @!p1 $0x0  }
0x14: {  	s2 =	sld [smem:$0x3F94];
	s0 =	simm.s32 @p1 $0x1  }
0x15: {  	[smem:$0x3FB1] =	sst s0;
	s0 =	simm.s32 @!p2 $0x0  }
0x16: {  	s3 =	sld [smem:$0x3FDB];
	s0 =	simm.s32 @p2 $0x1  }
0x17: {  	s4 =	simm.s32 $0x1BF5;
	[smem:$0x3FB3] =	sst s0  }
0x18: {  	s0 =	sld [smem:$0x3F96];
	_ =	swait.ge [sflag:s4], $0x0  }
0x19: {  	s7 =	sld [smem:$0x3F97]  }
0x1a: {  	s8 =	sadd.s32 $0xFFFFE003, lr  }
0x1b: {  	s9 =	sadd.s32 $0xFFFFFEF7, lr;
	s5 =	simm.s32 $0xFFFFFFFF;
	p2 =	slt.u32 s8, $0xFFFFF086  }
0x1c: {  	p1 =	slt.u32 s9, $0xF7A;
	s5 =	simm.s32 @!p2 $0x0  }
0x1d: {  	s5 =	simm.s32 @p1 $0x1;
	p0 =	seq.s32 s7, s2  }
0x1e: {  	s7 =	smul.u32 @!p0 $0xF7A, s2;
	p2 =	seq.s32 @!p0 s5, $0x0  }
0x1f: {  	s9 =	smul.u32 $0xF7A, s1;
	s8 =	simm.s32 @!p0 $0x1BF5;
	p2 =	por !p2, p0  }
0x20: {  	[sflag:s8] =	ssyncset.s32 @!p0 $0xFFFFF086;
	s6 =	sadd.s32 @!p0 s3, s7;
	s7 =	simm.s32 @!p0 $0x108  }
0x21: {  	s3 =	sadd.s32 s3, s9;
	s6 =	sadd.s32 @!p0 $0x88, s6;
	s7 =	simm.s32 @p2 $0x1082  }
0x22: {  	[simem:s7], [sflag:s8] =	dma.local @!p0 [hbm:s6], $0xF7A  }
0x23: {  	s9 =	sor.u32 $0xD0000000, s2;
	s6 =	simm.s32 $0x108;
	_ =	swait.ge @!p0 [sflag:s8], $0x0  }
0x24: {  	s3 =	sadd.s32 $0x88, s3;
	s6 =	simm.s32 @!p1 $0x1082;
	[sflag:s4] =	ssyncset.s32 $0xFFFFF086  }
0x25: {  	[simem:s6], [sflag:s4] =	dma.local [hbm:s3], $0xF7A  }
0x26: {  	[smem:$0x3F97] =	sst s1;
	(tag) =	ssettag s2;
	_ =	strace s9  }
0x27: {  	s1 =	sld [smem:$0x3FA7]  }
0x28: {  	s2 =	sld [smem:$0x3FA8]  }
0x29: {  	s4 =	sld [smem:$0x3FAA]  }
0x2a: {  	p0 =	seq.s32 s5, $0x0;
	s5 =	sld [smem:$0x3FAB]  }
0x2b: {  	s6 =	sld [smem:$0x3FAC]  }
0x2c: {  	s7 =	sld [smem:$0x3FAD]  }
0x2d: {  	s3 =	simm.s32 $0x108;
	s8 =	sld [smem:$0x3FAE]  }
0x2e: {  	s3 =	simm.s32 @!p0 $0x1082;
	s9 =	sld [smem:$0x3FAF]  }
0x2f: {  	lr =	sadd.s32 s0, s3;
	s0 =	sld [smem:$0x3FA6]  }
0x30: {  	s3 =	sld [smem:$0x3FA9]  }
0x31: {  	[smem:$0x3FB2] =	sst s10  }
0x32: {  	s10 =	sld [smem:$0x3FB0];
	_ =	sdelay $0x3  }
0x33: {  	p0 =	seq.s32 s10, $0x1;
	s10 =	sld [smem:$0x3FB2];
	_ =	sdelay $0x3  }
0x34: {  	[smem:$0x3FB2] =	sst s10  }
0x35: {  	s10 =	sld [smem:$0x3FB1];
	_ =	sdelay $0x3  }
0x36: {  	p1 =	seq.s32 s10, $0x1;
	s10 =	sld [smem:$0x3FB2];
	_ =	sdelay $0x3  }
0x37: {  	[smem:$0x3FB2] =	sst s10  }
0x38: {  	s10 =	sld [smem:$0x3FB3]  }
0x39: {  	_ = 	snop;
	(pc) =	sbr.ind lr, $3  }
0x3a: {  	_ = 	snop  }
0x3b: {  	_ = 	snop  }
0x3c: {  	p2 =	seq.s32 s10, $0x1;
	s10 =	sld [smem:$0x3FB2]  }
0x3d: {  	_ =	shalt  }
0x3e: {  	_ =	shalt  }
0x3f: {  	_ =	shalt  }
0x40: {  	_ =	shalt  }
0x41: {  	_ =	shalt  }
0x42: {  	_ =	shalt  }
0x43: {  	_ =	shalt  }
0x44: {  	_ =	shalt  }
0x45: {  	_ =	shalt  }
0x46: {  	_ =	shalt  }
0x47: {  	_ =	shalt  }
0x48: {  	_ =	shalt  }
0x49: {  	_ =	shalt  }
0x4a: {  	_ =	shalt  }
0x4b: {  	_ =	shalt  }
0x4c: {  	_ =	shalt  }
0x4d: {  	_ =	shalt  }
0x4e: {  	_ =	shalt  }
0x4f: {  	_ =	shalt  }
0x50: {  	_ =	shalt  }
0x51: {  	_ =	shalt  }
0x52: {  	_ =	shalt  }
0x53: {  	_ =	shalt  }
0x54: {  	_ =	shalt  }
0x55: {  	_ =	shalt  }
0x56: {  	_ =	shalt  }
0x57: {  	_ =	shalt  }
0x58: {  	_ =	shalt  }
0x59: {  	_ =	shalt  }
0x5a: {  	_ =	shalt  }
0x5b: {  	_ =	shalt  }
0x5c: {  	_ =	shalt  }
0x5d: {  	_ =	shalt  }
0x5e: {  	_ =	shalt  }
0x5f: {  	_ =	shalt  }
0x60: {  	_ =	shalt  }
0x61: {  	_ =	shalt  }
0x62: {  	_ =	shalt  }
0x63: {  	_ =	shalt  }
0x64: {  	_ =	shalt  }
0x65: {  	_ =	shalt  }
0x66: {  	_ =	shalt  }
0x67: {  	_ =	shalt  }
0x68: {  	_ =	shalt  }
0x69: {  	_ =	shalt  }
0x6a: {  	_ =	shalt  }
0x6b: {  	_ =	shalt  }
0x6c: {  	_ =	shalt  }
0x6d: {  	_ =	shalt  }
0x6e: {  	_ =	shalt  }
0x6f: {  	_ =	shalt  }
0x70: {  	_ =	shalt  }
0x71: {  	_ =	shalt  }
0x72: {  	_ =	shalt  }
0x73: {  	_ =	shalt  }
0x74: {  	_ =	shalt  }
0x75: {  	_ =	shalt  }
0x76: {  	_ =	shalt  }
0x77: {  	_ =	shalt  }
0x78: {  	_ =	shalt  }
0x79: {  	_ =	shalt  }
0x7a: {  	_ =	shalt  }
0x7b: {  	_ =	shalt  }
0x7c: {  	_ =	shalt  }
0x7d: {  	_ =	shalt  }
0x7e: {  	_ =	shalt  }
0x7f: {  	_ =	shalt  }
0x80: {  	_ =	shalt  }
0x81: {  	_ =	shalt  }
0x82: {  	_ =	shalt  }
0x83: {  	_ =	shalt  }
0x84: {  	_ =	shalt  }
0x85: {  	_ =	shalt  }
0x86: {  	_ =	shalt  }
0x87: {  	_ =	shalt  }
.Lfunc_end0:
.L_simem_size_0:
called_computation.3_lowered:
.L_overlay_start_0:
0x88: {  	s2 =	sld [smem:$0x3FD9]  }
0x89: {  	s3 =	sld [smem:$0x3FFE];
	_ =	sdelay $0x1  }
0x8a: {  	s1 =	srdreg.scid  }
0x8b: {  	s0 =	sand.u32 $0x1, s1  }
0x8c: {  	s14 =	sshll.u32 s0, $0xA;
	s2 =	sadd.s32 s3, s2  }
0x8d: {  	s2 =	sadd.s32 s2, s14  }
0x8e: {  	[smem:$0x3FBE] =	sst s2  }
0x8f: {  	_ = 	snop  }
0x90: {  	s2 =	sld [smem:$0x3FD0];
	_ =	sdelay $0x2  }
0x91: {  	s15 =	simm.s32 $0xA;
	s4 =	simm.s32 $0x10  }
0x92: {  	[smem:s4], [sflag:s15] =	dma.local [hbm:s2], $0x1  }
0x93: {  	_ =	swait.eq [sflag:s15], $0x1  }
0x94: {  	[sflag:s15] =	ssyncset.done $0x0  }
0x95: {  	s16 =	sld [smem:$0x10];
	[sflag:s15] =	ssyncadd.s32 $0xFFFFFFFF  }
0x96: {  	s17 =	sld [smem:$0x11];
	(tm) =	ssettm $0x1  }
0x97: {  	s18 =	sld [smem:$0x3FFB];
	_ =	sdelay $0x3  }
0x98: {  	_ =	strace s18  }
0x99: {  	s4 =	sld [smem:$0x3FFC];
	_ =	sdelay $0x3  }
0x9a: {  	_ =	strace s4  }
0x9b: {  	s4 =	sld [smem:$0x3FFD];
	_ =	sdelay $0x3  }
0x9c: {  	_ =	strace s4  }
0x9d: {  	_ =	strace $0x8FFFFFFF  }
0x9e: {  	s19 =	sld [smem:$0x3FDB];
	_ =	sdelay $0x1  }
0x9f: {  	s5 =	simm.s32 $_scs_section_size  }
0xa0: {  	s6 =	simm.s32 $_size__tile_overlayer_lowered;
	s7 =	simm.s32 $_tile_overlayer_lowered  }
0xa1: {  	s22 =	simm.s32 $0x1BFF;
	s21 =	sshll.u32 s7, $0x1;
	s4 =	sadd.s32 s5, s19  }
0xa2: {  	s8 =	simm.s32 $0x0;
	s20 =	sshll.u32 s6, $0x1;
	s6 =	sadd.s32 s21, s4  }
0xa3: {  	[timem:s8], [sflag:s22] =	dma.local [hbm:s6], s20  }
0xa4: {  	_ =	swait.ge [sflag:s22], s20  }
0xa5: {  	s5 =	ssub.s32 $0x0, s20;
	[sflag:s22] =	ssyncset.done $0x0  }
0xa6: {  	[sflag:s22] =	ssyncadd.s32 s5;
	_ =	sdelay $0x1  }
0xa7: {  	s23 =	simm.s32 $0x1B8B  }
0xa8: {  	_ =	swait.ge [sflag:s23], $0x1  }
0xa9: {  	[sflag:s23] =	ssyncset.done $0x0  }
0xaa: {  	s25 =	simm.s32 $0x1B8E;
	s24 =	sld [smem:$0x3FFE];
	[sflag:s23] =	ssyncadd.s32 $0xFFFFFFFF  }
0xab: {  	s26 =	simm.s32 $execute0_lowered;
	[smem:$0x3FD2] =	sst s25  }
0xac: {  	s6 =	sshll.u32 s26, $0x1;
	_ =	strace $0x80000049;
	[dreg:$0x1] =	wrdreg $0xFFFFFFFF  }
0xad: {  	s28 =	simm.s32 $_size_execute0_lowered;
	s4 =	sadd.s32 s4, s6;
	[dreg:$0x0] =	wrdreg $0x0  }
0xae: {  	s6 =	sshll.u32 s28, $0x1;
	[dreg:$0x2] =	wrdreg s4  }
0xaf: {  	[dreg:$0x3] =	wrdreg s6  }
0xb0: {  	[dreg:$0x4] =	wrdreg $0xC0  }
0xb1: {  	_ =	task [dreg:s8], $0x5FFFF  }
0xb2: {  	[dreg:$0x1] =	wrdreg $0xFFFFFFFF  }
0xb3: {  	[dreg:$0x0] =	wrdreg $0x60  }
0xb4: {  	[dreg:$0x2] =	wrdreg s16  }
0xb5: {  	[dreg:$0x3] =	wrdreg s17  }
0xb6: {  	[dreg:$0x4] =	wrdreg s24  }
0xb7: {  	[dreg:$0x5] =	wrdreg $0x0  }
0xb8: {  	[dreg:$0x6] =	wrdreg $0x9  }
0xb9: {  	_ =	task.clear_ibuf [dreg:s8], $0x7FFFF;
	_ =	strace $0x90000049  }
0xba: {  	s29 =	simm.s32 $0x9;
	_ =	strace $0x8000004B  }
0xbb: {  	_ =	swait.ge [sflag:s29], $0x1  }
0xbc: {  	[sflag:s29] =	ssyncadd.s32 $0xFFFFFFFF  }
0xbd: {  	_ =	strace $0x9000004B  }
0xbe: {  	_ =	sfence  }
0xbf: {  	s30 =	sld [smem:$0x0];
	_ =	sdelay $0x2  }
0xc0: {  	s31 =	sshll.u32 s1, $0xD;
	s1 =	sshrl.u32 s1, $0x2  }
0xc1: {  	s3 =	sand.u32 $0x4000, s31;
	s1 =	sadd.s32 s1, s30  }
0xc2: {  	s0 =	sor.u32 s3, s0;
	s1 =	sshll.u32 s1, $0x11  }
0xc3: {  	s0 =	sor.u32 s1, s0  }
0xc4: {  	s0 =	sadd.s32 $0x8F2B, s0  }
0xc5: {  	[sflag:s0] =	ssyncadd.remote.s32 $0x1  }
0xc6: {  	_ =	sfence.sel $0xFFFF  }
0xc7: {  	[dreg:$0x0] =	wrdreg $0xFFFFFFFF;
	(pc) =	sbr.abs _section_cstart, $3  }
0xc8: {  	[dreg:$0x1] =	wrdreg $0xFFFFFFFF  }
0xc9: {  	_ =	task.clear_ibuf [dreg:s8], $0x2FFFF;
	_ =	strace $0x9FFFFFFF  }
0xca: {  	(tm) =	ssettm $0x7FFFFFFF  }
0xcb: {  	_ =	shalt  }
tec
execute0_lowered:
.L_overlay_start_1:
0x0: {  	(tag) =	ssettag $0x1  }
0x1: {  	s4 =	rddreg [dreg:$0x0]  }
0x2: {  	s6 =	rddreg [dreg:$0x1]  }
0x3: {  	s5 =	rddreg [dreg:$0x2]  }
0x4: {  	s2 =	rddreg [dreg:$0x3]  }
0x5: {  	s1 =	stileid.u32;
	s0 =	rddreg [dreg:$0x4];
	s3 =	simm.s32 $0x0  }
0x6: {  	s8 =	srdreg.scid;
	s14 =	simm.s32 $0x15F00;
	s15 =	simm.s32 $0x1  }
0x7: {  	s16 =	simm.s32 $0x2;
	s17 =	simm.s32 $0x3;
	s18 =	simm.s32 $0x4  }
0x8: {  	s19 =	simm.s32 $0x0;
	s7 =	smul.u32 $0x36000, s1;
	[smem:$0x7FF] =	sst s3  }
0x9: {  	s24 =	sand.u32 $0x1, s8;
	s26 =	smul.u32 $0x41000, s1;
	s10 =	sshll.u32 s1, $0x1  }
0xa: {  	s12 =	smul.u32 $0x2080, s1;
	s29 =	sshll.u32 s1, $0x6;
	_ =	strace $0x8000004A  }
0xb: {  	s25 =	ssub.s32 $0x2, s24;
	s10 =	sor.u32 s24, s10;
	s13 =	smul.u32 $0x1B000, s24  }
0xc: {  	s9 =	sadd.s32 s7, s5;
	s11 =	sshrl.u32 s25, $0x1;
	s8 =	sshrl.u32 s26, $0x2  }
0xd: {  	s10 =	smul.u32 $0x1B00, s10;
	s4 =	sadd.s32 s4, s12;
	s5 =	sor.u32 $0x1C05, s29  }
0xe: {  	s12 =	simm.s32 $0x80;
	s7 =	ssub.s32 s25, s11;
	s28 =	sadd.s32 s8, s2  }
0xf: {  	s31 =	sadd.s32 s13, s9;
	s11 =	simm.s32 $0x10400;
	s13 =	simm.s32 $0x11F00  }
0x10: {  	s30 =	sshrl.u32 s10, $0x3;
	s7 =	smax.u32 s7, $0x1;
	s8 =	sadd.s32 $0x24000, s31  }
0x11: {  	s9 =	sshrl.u32 s28, $0x3;
	s10 =	simm.s32 $0x5;
	s6 =	sadd.s32 s6, s30  }
.LBB2_1:
0x12: {  	[spmem:s9], [sflag:s5] =	dma.local [hbm:s4], $0x2080  }
0x13: {  	_ =	swait.ge [sflag:s10], $0x2080  }
0x14: {  	[sflag:s10] =	ssyncset.done $0x0  }
0x15: {  	[sflag:s10] =	ssyncadd.s32 $0xFFFFDF80  }
0x16: {  	[bflag:$0x0] =	sbarrier.arrive $0xFFFF  }
0x17: {  	[tilespmem:s11], [sflag:$0x5] =	stream.linear.gather [hbm4b:s6+s3], $0x1B00, $0x38;
	[tilespmem:$0x19F00] =	vst v63  }
0x18: {  	_ =	swait.ge [sflag:s10], $0x1B00  }
0x19: {  	[sflag:s10] =	ssyncset.done $0x0  }
0x1a: {  	s20 =	simm.s32 $0x10400;
	[sflag:s10] =	ssyncadd.s32 $0xFFFFE500  }
0x1b: {  	[tilespmem:s13], [sflag:$0x1] =	stream.indirect.gather [spmem:s2], $0x80, s20, s12, $0xb8;
	[tilespmem:$0x19F00] =	vst v63  }
0x1c: {  	s30 =	simm.s32 $0x10480  }
0x1d: {  	[tilespmem:s14], [sflag:$0x2] =	stream.indirect.gather [spmem:s2], $0x80, s30, s12, $0xb8;
	[tilespmem:$0x19F00] =	vst v63  }
0x1e: {  	_ =	swait.ge [sflag:s15], $0x4000  }
0x1f: {  	[sflag:s15] =	ssyncset.done $0x0  }
0x20: {  	s31 =	sadd.s32 $0xFFFFF800, s8;
	[sflag:s15] =	ssyncadd.s32 $0xFFFFC000  }
0x21: {  	[hbm4b:s31+s3] =	stream.linear.scatter [tilespmem:s13], [sflag:$0x3], $0x4000, $0x38;
	[tilespmem:$0x19F00] =	vst v63  }
0x22: {  	_ =	swait.ge [sflag:s16], $0x4000  }
0x23: {  	[sflag:s16] =	ssyncset.done $0x0  }
0x24: {  	[sflag:s16] =	ssyncadd.s32 $0xFFFFC000  }
0x25: {  	[hbm4b:s8+s3] =	stream.linear.scatter [tilespmem:s14], [sflag:$0x4], $0x4000, $0x38;
	[tilespmem:$0x19F00] =	vst v63  }
0x26: {  	_ =	swait.ge [sflag:s17], $0x4000  }
0x27: {  	[sflag:s17] =	ssyncset.done $0x0  }
0x28: {  	[sflag:s17] =	ssyncadd.s32 $0xFFFFC000  }
0x29: {  	s22 =	simm.s32 $0x800;
	_ =	swait.ge [sflag:s18], $0x4000  }
0x2a: {  	s21 =	simm.s32 $0x100;
	s20 =	sadd.s32 $0x1000, s8;
	[sflag:s18] =	ssyncset.done $0x0  }
.LBB2_2:
0x2b: {  	s23 =	sadd.s32 $0x10400, s21  }
0x2c: {  	[sflag:s18] =	ssyncadd.s32 $0xFFFFC000;
	s24 =	smov.u32 s22;
	s25 =	sadd.s32 $0x400, s22  }
0x2d: {  	[tilespmem:s13], [sflag:$0x1] =	stream.indirect.gather [spmem:s2], $0x80, s23, s12, $0xb8;
	[tilespmem:$0x19F00] =	vst v63  }
0x2e: {  	p0 =	sne.s32 s22, $0x6800;
	s21 =	sadd.s32 $0x10480, s21  }
0x2f: {  	[tilespmem:s14], [sflag:$0x2] =	stream.indirect.gather [spmem:s2], $0x80, s21, s12, $0xb8;
	[tilespmem:$0x19F00] =	vst v63  }
0x30: {  	_ =	swait.ge [sflag:s15], $0x4000  }
0x31: {  	[sflag:s15] =	ssyncset.done $0x0  }
0x32: {  	s21 =	sadd.s32 $0xFFFFF800, s20;
	[sflag:s15] =	ssyncadd.s32 $0xFFFFC000  }
0x33: {  	[hbm4b:s21+s3] =	stream.linear.scatter [tilespmem:s13], [sflag:$0x3], $0x4000, $0x38;
	[tilespmem:$0x19F00] =	vst v63  }
0x34: {  	_ =	swait.ge [sflag:s16], $0x4000  }
0x35: {  	[sflag:s16] =	ssyncset.done $0x0  }
0x36: {  	[sflag:s16] =	ssyncadd.s32 $0xFFFFC000  }
0x37: {  	[hbm4b:s20+s3] =	stream.linear.scatter [tilespmem:s14], [sflag:$0x4], $0x4000, $0x38;
	[tilespmem:$0x19F00] =	vst v63  }
.Ltmp0:
0x38: {  	_ =	swait.ge [sflag:s17], $0x4000;
	(pc) =	sbr.rel @p0 .LBB2_2-.Ltmp0, $4  }
0x39: {  	[sflag:s17] =	ssyncset.done $0x0  }
0x3a: {  	[sflag:s17] =	ssyncadd.s32 $0xFFFFC000  }
0x3b: {  	s22 =	smov.u32 s25;
	_ =	swait.ge [sflag:s18], $0x4000  }
0x3c: {  	s21 =	sshra.s32 s24, $0x2;
	s20 =	sadd.s32 $0x1000, s20;
	[sflag:s18] =	ssyncset.done $0x0  }
0x3d: {  	s22 =	sadd.s32 $0x10400, s21;
	[sflag:s18] =	ssyncadd.s32 $0xFFFFC000  }
0x3e: {  	[tilespmem:s13], [sflag:$0x1] =	stream.indirect.gather [spmem:s2], $0x80, s22, s12, $0xb8;
	[tilespmem:$0x19F00] =	vst v63  }
0x3f: {  	s30 =	sadd.s32 $0x10480, s21  }
0x40: {  	[tilespmem:s14], [sflag:$0x2] =	stream.indirect.gather [spmem:s2], $0x80, s30, s12, $0xb8;
	[tilespmem:$0x19F00] =	vst v63  }
0x41: {  	_ =	swait.ge [sflag:s15], $0x4000  }
0x42: {  	[sflag:s15] =	ssyncset.done $0x0  }
0x43: {  	s31 =	sadd.s32 $0xFFFFF800, s20;
	[sflag:s15] =	ssyncadd.s32 $0xFFFFC000  }
0x44: {  	[hbm4b:s31+s3] =	stream.linear.scatter [tilespmem:s13], [sflag:$0x3], $0x4000, $0x38;
	[tilespmem:$0x19F00] =	vst v63  }
0x45: {  	_ =	swait.ge [sflag:s16], $0x4000  }
0x46: {  	[sflag:s16] =	ssyncset.done $0x0  }
0x47: {  	s19 =	sadd.s32 $0x1, s19;
	[sflag:s16] =	ssyncadd.s32 $0xFFFFC000  }
0x48: {  	[hbm4b:s20+s3] =	stream.linear.scatter [tilespmem:s14], [sflag:$0x4], $0x4000, $0x38;
	[tilespmem:$0x19F00] =	vst v63  }
0x49: {  	p0 =	sne.s32 s19, s7;
	_ =	swait.ge [sflag:s17], $0x4000  }
.Ltmp1:
0x4a: {  	[sflag:s17] =	ssyncset.done $0x0;
	(pc) =	sbr.rel @p0 .LBB2_1-.Ltmp1, $4  }
0x4b: {  	[sflag:s17] =	ssyncadd.s32 $0xFFFFC000  }
0x4c: {  	_ =	swait.ge [sflag:s18], $0x4000  }
0x4d: {  	[sflag:s18] =	ssyncset.done $0x0  }
0x4e: {  	[sflag:s18] =	ssyncadd.s32 $0xFFFFC000  }
0x4f: {  	_ =	sfence.sel $0x180000  }
0x50: {  	[bflag:$0x0] =	sbarrier.arrive $0xFFFF  }
0x51: {  	p0 =	sne.s32 s1, $0x0;
	_ =	strace $0x9000004A  }
0x52: {  	s0 =	sadd.s32 @!p0 $0x100000, s0;
	[bflag:$0x2] =	sbarrier.arrive $0xFFFF  }
0x53: {  	[sflag:s0] =	ssyncadd.tile.s32 @!p0 $0x1;
	_ =	shalt  }
.Lfunc_end2:
_tile_overlayer_lowered:
.L_overlay_start_2:
0x54: {  	(tag) =	ssettag $0x2  }
0x55: {  	s0 =	rddreg [dreg:$0x0];
	s2 =	stileid.u32  }
0x56: {  	s1 =	rddreg [dreg:$0x1];
	p0 =	sne.s32 s2, $0x0  }
0x57: {  	s3 =	rddreg [dreg:$0x2];
	[bflag:$0x3] =	sbarrier.arrive $0xFFFF;
	s2 =	simm.s32 @!p0 $0x1C05  }
0x58: {  	[timem:s3], [sflag:s2] =	dma.local @!p0 [hbm:s0], s1  }
0x59: {  	s0 =	simm.s32 @!p0 $0x5  }
0x5a: {  	_ =	swait.ge @!p0 [sflag:s0], s1  }
0x5b: {  	s1 =	ssub.s32 @!p0 $0x0, s1;
	[sflag:s0] =	ssyncset.done @!p0 $0x0  }
0x5c: {  	[sflag:s0] =	ssyncadd.s32 @!p0 s1  }
0x5d: {  	[bflag:$0x3] =	sbarrier.arrive $0xFFFF  }
0x5e: {  	_ =	shalt  }

// kernel: kernel.15.cloned.1.call-start
scs
__scs_entry_jumppad:
0x0: {  	(pc) =	sbr.rel $0x88, $3  }
0x1: {  	(tag) =	ssettag $0x0;
	lr =	simm.s32 $0x1  }
0x2: {  	[smem:$0x3F97] =	sst lr;
	_ =	strace $0xD0000000  }
0x3: {  	_ = 	snop  }
0x4: {  	_ = 	snop  }
0x5: {  	_ = 	snop  }
0x6: {  	_ = 	snop  }
0x7: {  	_ = 	snop  }
__scs_overlays_trampoline_lowered:
0x8: {  	[smem:$0x3FA6] =	sst s0  }
0x9: {  	[smem:$0x3FA7] =	sst s1  }
0xa: {  	[smem:$0x3FA8] =	sst s2  }
0xb: {  	[smem:$0x3FA9] =	sst s3  }
0xc: {  	[smem:$0x3FAA] =	sst s4  }
0xd: {  	[smem:$0x3FAB] =	sst s5  }
0xe: {  	[smem:$0x3FAC] =	sst s6  }
0xf: {  	[smem:$0x3FAD] =	sst s7  }
0x10: {  	[smem:$0x3FAE] =	sst s8  }
0x11: {  	[smem:$0x3FAF] =	sst s9;
	s0 =	simm.s32 @!p0 $0x0  }
0x12: {  	s1 =	sld [smem:$0x3F95];
	s0 =	simm.s32 @p0 $0x1  }
0x13: {  	[smem:$0x3FB0] =	sst s0;
	s0 =	simm.s32 @!p1 $0x0  }
0x14: {  	s2 =	sld [smem:$0x3F94];
	s0 =	simm.s32 @p1 $0x1  }
0x15: {  	[smem:$0x3FB1] =	sst s0;
	s0 =	simm.s32 @!p2 $0x0  }
0x16: {  	s3 =	sld [smem:$0x3FDB];
	s0 =	simm.s32 @p2 $0x1  }
0x17: {  	s4 =	simm.s32 $0x1BF5;
	[smem:$0x3FB3] =	sst s0  }
0x18: {  	s0 =	sld [smem:$0x3F96];
	_ =	swait.ge [sflag:s4], $0x0  }
0x19: {  	s7 =	sld [smem:$0x3F97]  }
0x1a: {  	s8 =	sadd.s32 $0xFFFFE003, lr  }
0x1b: {  	s9 =	sadd.s32 $0xFFFFFEF7, lr;
	s5 =	simm.s32 $0xFFFFFFFF;
	p2 =	slt.u32 s8, $0xFFFFF086  }
0x1c: {  	p1 =	slt.u32 s9, $0xF7A;
	s5 =	simm.s32 @!p2 $0x0  }
0x1d: {  	s5 =	simm.s32 @p1 $0x1;
	p0 =	seq.s32 s7, s2  }
0x1e: {  	s7 =	smul.u32 @!p0 $0xF7A, s2;
	p2 =	seq.s32 @!p0 s5, $0x0  }
0x1f: {  	s9 =	smul.u32 $0xF7A, s1;
	s8 =	simm.s32 @!p0 $0x1BF5;
	p2 =	por !p2, p0  }
0x20: {  	[sflag:s8] =	ssyncset.s32 @!p0 $0xFFFFF086;
	s6 =	sadd.s32 @!p0 s3, s7;
	s7 =	simm.s32 @!p0 $0x108  }
0x21: {  	s3 =	sadd.s32 s3, s9;
	s6 =	sadd.s32 @!p0 $0x88, s6;
	s7 =	simm.s32 @p2 $0x1082  }
0x22: {  	[simem:s7], [sflag:s8] =	dma.local @!p0 [hbm:s6], $0xF7A  }
0x23: {  	s9 =	sor.u32 $0xD0000000, s2;
	s6 =	simm.s32 $0x108;
	_ =	swait.ge @!p0 [sflag:s8], $0x0  }
0x24: {  	s3 =	sadd.s32 $0x88, s3;
	s6 =	simm.s32 @!p1 $0x1082;
	[sflag:s4] =	ssyncset.s32 $0xFFFFF086  }
0x25: {  	[simem:s6], [sflag:s4] =	dma.local [hbm:s3], $0xF7A  }
0x26: {  	[smem:$0x3F97] =	sst s1;
	(tag) =	ssettag s2;
	_ =	strace s9  }
0x27: {  	s1 =	sld [smem:$0x3FA7]  }
0x28: {  	s2 =	sld [smem:$0x3FA8]  }
0x29: {  	s4 =	sld [smem:$0x3FAA]  }
0x2a: {  	p0 =	seq.s32 s5, $0x0;
	s5 =	sld [smem:$0x3FAB]  }
0x2b: {  	s6 =	sld [smem:$0x3FAC]  }
0x2c: {  	s7 =	sld [smem:$0x3FAD]  }
0x2d: {  	s3 =	simm.s32 $0x108;
	s8 =	sld [smem:$0x3FAE]  }
0x2e: {  	s3 =	simm.s32 @!p0 $0x1082;
	s9 =	sld [smem:$0x3FAF]  }
0x2f: {  	lr =	sadd.s32 s0, s3;
	s0 =	sld [smem:$0x3FA6]  }
0x30: {  	s3 =	sld [smem:$0x3FA9]  }
0x31: {  	[smem:$0x3FB2] =	sst s10  }
0x32: {  	s10 =	sld [smem:$0x3FB0];
	_ =	sdelay $0x3  }
0x33: {  	p0 =	seq.s32 s10, $0x1;
	s10 =	sld [smem:$0x3FB2];
	_ =	sdelay $0x3  }
0x34: {  	[smem:$0x3FB2] =	sst s10  }
0x35: {  	s10 =	sld [smem:$0x3FB1];
	_ =	sdelay $0x3  }
0x36: {  	p1 =	seq.s32 s10, $0x1;
	s10 =	sld [smem:$0x3FB2];
	_ =	sdelay $0x3  }
0x37: {  	[smem:$0x3FB2] =	sst s10  }
0x38: {  	s10 =	sld [smem:$0x3FB3]  }
0x39: {  	_ = 	snop;
	(pc) =	sbr.ind lr, $3  }
0x3a: {  	_ = 	snop  }
0x3b: {  	_ = 	snop  }
0x3c: {  	p2 =	seq.s32 s10, $0x1;
	s10 =	sld [smem:$0x3FB2]  }
0x3d: {  	_ =	shalt  }
0x3e: {  	_ =	shalt  }
0x3f: {  	_ =	shalt  }
0x40: {  	_ =	shalt  }
0x41: {  	_ =	shalt  }
0x42: {  	_ =	shalt  }
0x43: {  	_ =	shalt  }
0x44: {  	_ =	shalt  }
0x45: {  	_ =	shalt  }
0x46: {  	_ =	shalt  }
0x47: {  	_ =	shalt  }
0x48: {  	_ =	shalt  }
0x49: {  	_ =	shalt  }
0x4a: {  	_ =	shalt  }
0x4b: {  	_ =	shalt  }
0x4c: {  	_ =	shalt  }
0x4d: {  	_ =	shalt  }
0x4e: {  	_ =	shalt  }
0x4f: {  	_ =	shalt  }
0x50: {  	_ =	shalt  }
0x51: {  	_ =	shalt  }
0x52: {  	_ =	shalt  }
0x53: {  	_ =	shalt  }
0x54: {  	_ =	shalt  }
0x55: {  	_ =	shalt  }
0x56: {  	_ =	shalt  }
0x57: {  	_ =	shalt  }
0x58: {  	_ =	shalt  }
0x59: {  	_ =	shalt  }
0x5a: {  	_ =	shalt  }
0x5b: {  	_ =	shalt  }
0x5c: {  	_ =	shalt  }
0x5d: {  	_ =	shalt  }
0x5e: {  	_ =	shalt  }
0x5f: {  	_ =	shalt  }
0x60: {  	_ =	shalt  }
0x61: {  	_ =	shalt  }
0x62: {  	_ =	shalt  }
0x63: {  	_ =	shalt  }
0x64: {  	_ =	shalt  }
0x65: {  	_ =	shalt  }
0x66: {  	_ =	shalt  }
0x67: {  	_ =	shalt  }
0x68: {  	_ =	shalt  }
0x69: {  	_ =	shalt  }
0x6a: {  	_ =	shalt  }
0x6b: {  	_ =	shalt  }
0x6c: {  	_ =	shalt  }
0x6d: {  	_ =	shalt  }
0x6e: {  	_ =	shalt  }
0x6f: {  	_ =	shalt  }
0x70: {  	_ =	shalt  }
0x71: {  	_ =	shalt  }
0x72: {  	_ =	shalt  }
0x73: {  	_ =	shalt  }
0x74: {  	_ =	shalt  }
0x75: {  	_ =	shalt  }
0x76: {  	_ =	shalt  }
0x77: {  	_ =	shalt  }
0x78: {  	_ =	shalt  }
0x79: {  	_ =	shalt  }
0x7a: {  	_ =	shalt  }
0x7b: {  	_ =	shalt  }
0x7c: {  	_ =	shalt  }
0x7d: {  	_ =	shalt  }
0x7e: {  	_ =	shalt  }
0x7f: {  	_ =	shalt  }
0x80: {  	_ =	shalt  }
0x81: {  	_ =	shalt  }
0x82: {  	_ =	shalt  }
0x83: {  	_ =	shalt  }
0x84: {  	_ =	shalt  }
0x85: {  	_ =	shalt  }
0x86: {  	_ =	shalt  }
0x87: {  	_ =	shalt  }
.Lfunc_end0:
.L_simem_size_0:
called_computation.4_lowered:
.L_overlay_start_0:
0x88: {  	s2 =	sld [smem:$0x3FD9]  }
0x89: {  	s3 =	sld [smem:$0x3FFE];
	_ =	sdelay $0x1  }
0x8a: {  	s1 =	srdreg.scid  }
0x8b: {  	s0 =	sand.u32 $0x1, s1  }
0x8c: {  	s14 =	sshll.u32 s0, $0xA;
	s2 =	sadd.s32 s3, s2  }
0x8d: {  	s2 =	sadd.s32 s2, s14  }
0x8e: {  	[smem:$0x3FBE] =	sst s2  }
0x8f: {  	_ = 	snop  }
0x90: {  	s2 =	sld [smem:$0x3FD0];
	_ =	sdelay $0x2  }
0x91: {  	s15 =	simm.s32 $0xA;
	s4 =	simm.s32 $0x10  }
0x92: {  	[smem:s4], [sflag:s15] =	dma.local [hbm:s2], $0x1  }
0x93: {  	_ =	swait.eq [sflag:s15], $0x1  }
0x94: {  	[sflag:s15] =	ssyncset.done $0x0  }
0x95: {  	s16 =	sld [smem:$0x10];
	[sflag:s15] =	ssyncadd.s32 $0xFFFFFFFF  }
0x96: {  	s17 =	sld [smem:$0x11];
	(tm) =	ssettm $0x1  }
0x97: {  	s18 =	sld [smem:$0x3FFB];
	_ =	sdelay $0x3  }
0x98: {  	_ =	strace s18  }
0x99: {  	s4 =	sld [smem:$0x3FFC];
	_ =	sdelay $0x3  }
0x9a: {  	_ =	strace s4  }
0x9b: {  	s4 =	sld [smem:$0x3FFD];
	_ =	sdelay $0x3  }
0x9c: {  	_ =	strace s4  }
0x9d: {  	_ =	strace $0x8FFFFFFF  }
0x9e: {  	s19 =	sld [smem:$0x3FDB];
	_ =	sdelay $0x1  }
0x9f: {  	s5 =	simm.s32 $_scs_section_size  }
0xa0: {  	s6 =	simm.s32 $_size__tile_overlayer_lowered;
	s7 =	simm.s32 $_tile_overlayer_lowered  }
0xa1: {  	s22 =	simm.s32 $0x1BFF;
	s21 =	sshll.u32 s7, $0x1;
	s4 =	sadd.s32 s5, s19  }
0xa2: {  	s8 =	simm.s32 $0x0;
	s20 =	sshll.u32 s6, $0x1;
	s6 =	sadd.s32 s21, s4  }
0xa3: {  	[timem:s8], [sflag:s22] =	dma.local [hbm:s6], s20  }
0xa4: {  	_ =	swait.ge [sflag:s22], s20  }
0xa5: {  	s5 =	ssub.s32 $0x0, s20;
	[sflag:s22] =	ssyncset.done $0x0  }
0xa6: {  	[sflag:s22] =	ssyncadd.s32 s5;
	_ =	sdelay $0x1  }
0xa7: {  	s23 =	simm.s32 $0x1B8B  }
0xa8: {  	_ =	swait.ge [sflag:s23], $0x1  }
0xa9: {  	[sflag:s23] =	ssyncset.done $0x0  }
0xaa: {  	s25 =	simm.s32 $0x1B8E;
	s24 =	sld [smem:$0x3FFE];
	[sflag:s23] =	ssyncadd.s32 $0xFFFFFFFF  }
0xab: {  	s26 =	simm.s32 $execute0_lowered;
	[smem:$0x3FD2] =	sst s25  }
0xac: {  	s6 =	sshll.u32 s26, $0x1;
	_ =	strace $0x8000004C;
	[dreg:$0x1] =	wrdreg $0xFFFFFFFF  }
0xad: {  	s28 =	simm.s32 $_size_execute0_lowered;
	s4 =	sadd.s32 s4, s6;
	[dreg:$0x0] =	wrdreg $0x0  }
0xae: {  	s6 =	sshll.u32 s28, $0x1;
	[dreg:$0x2] =	wrdreg s4  }
0xaf: {  	[dreg:$0x3] =	wrdreg s6  }
0xb0: {  	[dreg:$0x4] =	wrdreg $0xC0  }
0xb1: {  	_ =	task [dreg:s8], $0x5FFFF  }
0xb2: {  	[dreg:$0x1] =	wrdreg $0xFFFFFFFF  }
0xb3: {  	[dreg:$0x0] =	wrdreg $0x60  }
0xb4: {  	[dreg:$0x2] =	wrdreg s16  }
0xb5: {  	[dreg:$0x3] =	wrdreg s17  }
0xb6: {  	[dreg:$0x4] =	wrdreg s24  }
0xb7: {  	[dreg:$0x5] =	wrdreg $0x0  }
0xb8: {  	[dreg:$0x6] =	wrdreg $0x9  }
0xb9: {  	_ =	task.clear_ibuf [dreg:s8], $0x7FFFF;
	_ =	strace $0x9000004C  }
0xba: {  	s29 =	simm.s32 $0x9;
	_ =	strace $0x8000004E  }
0xbb: {  	_ =	swait.ge [sflag:s29], $0x1  }
0xbc: {  	[sflag:s29] =	ssyncadd.s32 $0xFFFFFFFF  }
0xbd: {  	_ =	strace $0x9000004E  }
0xbe: {  	_ =	sfence  }
0xbf: {  	s30 =	sld [smem:$0x0];
	_ =	sdelay $0x2  }
0xc0: {  	s31 =	sshll.u32 s1, $0xD;
	s1 =	sshrl.u32 s1, $0x2  }
0xc1: {  	s3 =	sand.u32 $0x4000, s31;
	s1 =	sadd.s32 s1, s30  }
0xc2: {  	s0 =	sor.u32 s3, s0;
	s1 =	sshll.u32 s1, $0x11  }
0xc3: {  	s0 =	sor.u32 s1, s0  }
0xc4: {  	s0 =	sadd.s32 $0x8F2B, s0  }
0xc5: {  	[sflag:s0] =	ssyncadd.remote.s32 $0x1  }
0xc6: {  	_ =	sfence.sel $0xFFFF  }
0xc7: {  	[dreg:$0x0] =	wrdreg $0xFFFFFFFF;
	(pc) =	sbr.abs _section_cstart, $3  }
0xc8: {  	[dreg:$0x1] =	wrdreg $0xFFFFFFFF  }
0xc9: {  	_ =	task.clear_ibuf [dreg:s8], $0x2FFFF;
	_ =	strace $0x9FFFFFFF  }
0xca: {  	(tm) =	ssettm $0x7FFFFFFF  }
0xcb: {  	_ =	shalt  }
tec
execute0_lowered:
.L_overlay_start_1:
0x0: {  	(tag) =	ssettag $0x1  }
0x1: {  	s4 =	rddreg [dreg:$0x0]  }
0x2: {  	s6 =	rddreg [dreg:$0x1]  }
0x3: {  	s5 =	rddreg [dreg:$0x2]  }
0x4: {  	s2 =	rddreg [dreg:$0x3]  }
0x5: {  	s1 =	srdreg.scid;
	s0 =	rddreg [dreg:$0x4]  }
0x6: {  	s3 =	simm.s32 $0x0;
	s14 =	simm.s32 $0x17A00;
	s15 =	simm.s32 $0x1  }
0x7: {  	s16 =	simm.s32 $0x100;
	s17 =	simm.s32 $0x2;
	s7 =	sand.u32 $0x1, s1  }
0x8: {  	s18 =	simm.s32 $0x3;
	s1 =	stileid.u32;
	s8 =	smul.u32 $0x104000, s7  }
0x9: {  	s19 =	simm.s32 $0x4;
	s20 =	simm.s32 $0x0;
	s10 =	smul.u32 $0x10400, s1  }
0xa: {  	[smem:$0x7FF] =	sst s3;
	s13 =	sadd.s32 $0x23800, s5;
	s12 =	smul.u32 $0x41000, s1  }
0xb: {  	s9 =	ssub.s32 $0x2, s7;
	_ =	strace $0x8000004D;
	s25 =	smul.u32 $0x360000, s1  }
0xc: {  	s26 =	smul.u32 $0x3600, s1;
	s7 =	sshll.u32 s7, $0x7;
	s11 =	sshrl.u32 s9, $0x1  }
0xd: {  	s28 =	sshll.u32 s1, $0x6;
	s9 =	ssub.s32 s9, s11;
	s23 =	sadd.s32 s10, s8  }
0xe: {  	s24 =	sshrl.u32 s12, $0x2;
	s10 =	sor.u32 s7, s25;
	s29 =	sshrl.u32 s26, $0x3  }
0xf: {  	s11 =	simm.s32 $0x5;
	s5 =	sshrl.u32 s23, $0x3;
	s12 =	sadd.s32 s24, s2  }
0x10: {  	s30 =	sor.u32 $0x8000, s10;
	s6 =	sadd.s32 s6, s29;
	s7 =	smax.u32 s9, $0x1  }
0x11: {  	s31 =	sshrl.u32 s10, $0x3;
	s4 =	sadd.s32 s4, s5;
	s5 =	sor.u32 $0x1C05, s28  }
0x12: {  	s8 =	sshrl.u32 s30, $0x3;
	s9 =	sadd.s32 s31, s13;
	s10 =	sshrl.u32 s12, $0x3  }
0x13: {  	s12 =	simm.s32 $0x80;
	s8 =	sadd.s32 s8, s13;
	s13 =	simm.s32 $0x13A00  }
.LBB2_1:
0x14: {  	[spmem:s10], [sflag:s5] =	dma.local [hbm:s4], $0x2080  }
0x15: {  	_ =	swait.ge [sflag:s11], $0x2080  }
0x16: {  	[sflag:s11] =	ssyncset.done $0x0  }
0x17: {  	[sflag:s11] =	ssyncadd.s32 $0xFFFFDF80  }
0x18: {  	s21 =	simm.s32 $0x10400;
	[bflag:$0x0] =	sbarrier.arrive $0xFFFF  }
0x19: {  	[tilespmem:s21], [sflag:$0x5] =	stream.linear.gather [hbm4b:s6+s3], $0x3600, $0x38;
	[tilespmem:$0x1BA00] =	vst v63  }
0x1a: {  	_ =	swait.ge [sflag:s11], $0x3600  }
0x1b: {  	[sflag:s11] =	ssyncset.done $0x0  }
0x1c: {  	[sflag:s11] =	ssyncadd.s32 $0xFFFFCA00  }
0x1d: {  	[tilespmem:s13], [sflag:$0x1] =	stream.indirect.gather [spmem:s2], $0x80, s21, s12, $0xb8;
	[tilespmem:$0x1BA00] =	vst v63  }
0x1e: {  	s22 =	simm.s32 $0x10480  }
0x1f: {  	[tilespmem:s14], [sflag:$0x2] =	stream.indirect.gather [spmem:s2], $0x80, s22, s12, $0xb8;
	[tilespmem:$0x1BA00] =	vst v63  }
0x20: {  	_ =	swait.ge [sflag:s15], $0x4000  }
0x21: {  	[sflag:s15] =	ssyncset.done $0x0  }
0x22: {  	s30 =	sadd.s32 $0x0, s9;
	[sflag:s15] =	ssyncadd.s32 $0xFFFFC000  }
0x23: {  	[hbm4b:s30+s12] =	stream.strided.scatter [tilespmem:s13], [sflag:$0x3], $0x4000, s16, s12, $0x38;
	[tilespmem:$0x1BA00] =	vst v63  }
0x24: {  	_ =	swait.ge [sflag:s17], $0x4000  }
0x25: {  	[sflag:s17] =	ssyncset.done $0x0  }
0x26: {  	s31 =	sadd.s32 $0x0, s8;
	[sflag:s17] =	ssyncadd.s32 $0xFFFFC000  }
0x27: {  	[hbm4b:s31+s12] =	stream.strided.scatter [tilespmem:s14], [sflag:$0x4], $0x4000, s16, s12, $0x38;
	[tilespmem:$0x1BA00] =	vst v63  }
0x28: {  	_ =	swait.ge [sflag:s18], $0x4000  }
0x29: {  	[sflag:s18] =	ssyncset.done $0x0  }
0x2a: {  	[sflag:s18] =	ssyncadd.s32 $0xFFFFC000  }
0x2b: {  	_ =	swait.ge [sflag:s19], $0x4000  }
0x2c: {  	s22 =	simm.s32 $0x2000;
	[sflag:s19] =	ssyncset.done $0x0  }
.LBB2_2:
0x2d: {  	p0 =	sne.s32 s22, $0x6A000;
	[sflag:s19] =	ssyncadd.s32 $0xFFFFC000;
	s21 =	sadd.s32 $0x100, s21  }
0x2e: {  	[tilespmem:s13], [sflag:$0x1] =	stream.indirect.gather [spmem:s2], $0x80, s21, s12, $0xb8;
	[tilespmem:$0x1BA00] =	vst v63  }
0x2f: {  	s24 =	smov.u32 s22;
	s22 =	sadd.s32 $0x2000, s22;
	s23 =	sadd.s32 $0x80, s21  }
0x30: {  	[tilespmem:s14], [sflag:$0x2] =	stream.indirect.gather [spmem:s2], $0x80, s23, s12, $0xb8;
	[tilespmem:$0x1BA00] =	vst v63  }
0x31: {  	_ =	swait.ge [sflag:s15], $0x4000  }
0x32: {  	[sflag:s15] =	ssyncset.done $0x0  }
0x33: {  	s23 =	sadd.s32 s24, s9;
	[sflag:s15] =	ssyncadd.s32 $0xFFFFC000  }
0x34: {  	[hbm4b:s23+s12] =	stream.strided.scatter [tilespmem:s13], [sflag:$0x3], $0x4000, s16, s12, $0x38;
	[tilespmem:$0x1BA00] =	vst v63  }
0x35: {  	_ =	swait.ge [sflag:s17], $0x4000  }
0x36: {  	[sflag:s17] =	ssyncset.done $0x0  }
0x37: {  	s23 =	sadd.s32 s24, s8;
	[sflag:s17] =	ssyncadd.s32 $0xFFFFC000  }
0x38: {  	[hbm4b:s23+s12] =	stream.strided.scatter [tilespmem:s14], [sflag:$0x4], $0x4000, s16, s12, $0x38;
	[tilespmem:$0x1BA00] =	vst v63  }
.Ltmp0:
0x39: {  	_ =	swait.ge [sflag:s18], $0x4000;
	(pc) =	sbr.rel @p0 .LBB2_2-.Ltmp0, $4  }
0x3a: {  	[sflag:s18] =	ssyncset.done $0x0  }
0x3b: {  	[sflag:s18] =	ssyncadd.s32 $0xFFFFC000  }
0x3c: {  	_ =	swait.ge [sflag:s19], $0x4000  }
0x3d: {  	[sflag:s19] =	ssyncset.done $0x0  }
0x3e: {  	s20 =	sadd.s32 $0x1, s20  }
0x3f: {  	p0 =	sne.s32 s20, s7  }
.Ltmp1:
0x40: {  	_ = 	snop;
	(pc) =	sbr.rel @p0 .LBB2_1-.Ltmp1, $2  }
0x41: {  	_ =	sdelay $0x2  }
0x42: {  	[sflag:s19] =	ssyncadd.s32 $0xFFFFC000  }
0x43: {  	_ =	sfence.sel $0x180000  }
0x44: {  	[bflag:$0x0] =	sbarrier.arrive $0xFFFF  }
0x45: {  	p0 =	sne.s32 s1, $0x0;
	_ =	strace $0x9000004D  }
0x46: {  	s0 =	sadd.s32 @!p0 $0x100000, s0;
	[bflag:$0x2] =	sbarrier.arrive $0xFFFF  }
0x47: {  	[sflag:s0] =	ssyncadd.tile.s32 @!p0 $0x1;
	_ =	shalt  }
.Lfunc_end2:
_tile_overlayer_lowered:
.L_overlay_start_2:
0x48: {  	(tag) =	ssettag $0x2  }
0x49: {  	s0 =	rddreg [dreg:$0x0];
	s2 =	stileid.u32  }
0x4a: {  	s1 =	rddreg [dreg:$0x1];
	p0 =	sne.s32 s2, $0x0  }
0x4b: {  	s3 =	rddreg [dreg:$0x2];
	[bflag:$0x3] =	sbarrier.arrive $0xFFFF;
	s2 =	simm.s32 @!p0 $0x1C05  }
0x4c: {  	[timem:s3], [sflag:s2] =	dma.local @!p0 [hbm:s0], s1  }
0x4d: {  	s0 =	simm.s32 @!p0 $0x5  }
0x4e: {  	_ =	swait.ge @!p0 [sflag:s0], s1  }
0x4f: {  	s1 =	ssub.s32 @!p0 $0x0, s1;
	[sflag:s0] =	ssyncset.done @!p0 $0x0  }
0x50: {  	[sflag:s0] =	ssyncadd.s32 @!p0 s1  }
0x51: {  	[bflag:$0x3] =	sbarrier.arrive $0xFFFF  }
0x52: {  	_ =	shalt  }

// kernel: kernel.9.cloned.1.call-start
scs
__scs_entry_jumppad:
0x0: {  	(pc) =	sbr.rel $0x88, $3  }
0x1: {  	(tag) =	ssettag $0x0;
	lr =	simm.s32 $0x1  }
0x2: {  	[smem:$0x3F97] =	sst lr;
	_ =	strace $0xD0000000  }
0x3: {  	_ = 	snop  }
0x4: {  	_ = 	snop  }
0x5: {  	_ = 	snop  }
0x6: {  	_ = 	snop  }
0x7: {  	_ = 	snop  }
__scs_overlays_trampoline_lowered:
0x8: {  	[smem:$0x3FA6] =	sst s0  }
0x9: {  	[smem:$0x3FA7] =	sst s1  }
0xa: {  	[smem:$0x3FA8] =	sst s2  }
0xb: {  	[smem:$0x3FA9] =	sst s3  }
0xc: {  	[smem:$0x3FAA] =	sst s4  }
0xd: {  	[smem:$0x3FAB] =	sst s5  }
0xe: {  	[smem:$0x3FAC] =	sst s6  }
0xf: {  	[smem:$0x3FAD] =	sst s7  }
0x10: {  	[smem:$0x3FAE] =	sst s8  }
0x11: {  	[smem:$0x3FAF] =	sst s9;
	s0 =	simm.s32 @!p0 $0x0  }
0x12: {  	s1 =	sld [smem:$0x3F95];
	s0 =	simm.s32 @p0 $0x1  }
0x13: {  	[smem:$0x3FB0] =	sst s0;
	s0 =	simm.s32 @!p1 $0x0  }
0x14: {  	s2 =	sld [smem:$0x3F94];
	s0 =	simm.s32 @p1 $0x1  }
0x15: {  	[smem:$0x3FB1] =	sst s0;
	s0 =	simm.s32 @!p2 $0x0  }
0x16: {  	s3 =	sld [smem:$0x3FDB];
	s0 =	simm.s32 @p2 $0x1  }
0x17: {  	s4 =	simm.s32 $0x1BF5;
	[smem:$0x3FB3] =	sst s0  }
0x18: {  	s0 =	sld [smem:$0x3F96];
	_ =	swait.ge [sflag:s4], $0x0  }
0x19: {  	s7 =	sld [smem:$0x3F97]  }
0x1a: {  	s8 =	sadd.s32 $0xFFFFE003, lr  }
0x1b: {  	s9 =	sadd.s32 $0xFFFFFEF7, lr;
	s5 =	simm.s32 $0xFFFFFFFF;
	p2 =	slt.u32 s8, $0xFFFFF086  }
0x1c: {  	p1 =	slt.u32 s9, $0xF7A;
	s5 =	simm.s32 @!p2 $0x0  }
0x1d: {  	s5 =	simm.s32 @p1 $0x1;
	p0 =	seq.s32 s7, s2  }
0x1e: {  	s7 =	smul.u32 @!p0 $0xF7A, s2;
	p2 =	seq.s32 @!p0 s5, $0x0  }
0x1f: {  	s9 =	smul.u32 $0xF7A, s1;
	s8 =	simm.s32 @!p0 $0x1BF5;
	p2 =	por !p2, p0  }
0x20: {  	[sflag:s8] =	ssyncset.s32 @!p0 $0xFFFFF086;
	s6 =	sadd.s32 @!p0 s3, s7;
	s7 =	simm.s32 @!p0 $0x108  }
0x21: {  	s3 =	sadd.s32 s3, s9;
	s6 =	sadd.s32 @!p0 $0x88, s6;
	s7 =	simm.s32 @p2 $0x1082  }
0x22: {  	[simem:s7], [sflag:s8] =	dma.local @!p0 [hbm:s6], $0xF7A  }
0x23: {  	s9 =	sor.u32 $0xD0000000, s2;
	s6 =	simm.s32 $0x108;
	_ =	swait.ge @!p0 [sflag:s8], $0x0  }
0x24: {  	s3 =	sadd.s32 $0x88, s3;
	s6 =	simm.s32 @!p1 $0x1082;
	[sflag:s4] =	ssyncset.s32 $0xFFFFF086  }
0x25: {  	[simem:s6], [sflag:s4] =	dma.local [hbm:s3], $0xF7A  }
0x26: {  	[smem:$0x3F97] =	sst s1;
	(tag) =	ssettag s2;
	_ =	strace s9  }
0x27: {  	s1 =	sld [smem:$0x3FA7]  }
0x28: {  	s2 =	sld [smem:$0x3FA8]  }
0x29: {  	s4 =	sld [smem:$0x3FAA]  }
0x2a: {  	p0 =	seq.s32 s5, $0x0;
	s5 =	sld [smem:$0x3FAB]  }
0x2b: {  	s6 =	sld [smem:$0x3FAC]  }
0x2c: {  	s7 =	sld [smem:$0x3FAD]  }
0x2d: {  	s3 =	simm.s32 $0x108;
	s8 =	sld [smem:$0x3FAE]  }
0x2e: {  	s3 =	simm.s32 @!p0 $0x1082;
	s9 =	sld [smem:$0x3FAF]  }
0x2f: {  	lr =	sadd.s32 s0, s3;
	s0 =	sld [smem:$0x3FA6]  }
0x30: {  	s3 =	sld [smem:$0x3FA9]  }
0x31: {  	[smem:$0x3FB2] =	sst s10  }
0x32: {  	s10 =	sld [smem:$0x3FB0];
	_ =	sdelay $0x3  }
0x33: {  	p0 =	seq.s32 s10, $0x1;
	s10 =	sld [smem:$0x3FB2];
	_ =	sdelay $0x3  }
0x34: {  	[smem:$0x3FB2] =	sst s10  }
0x35: {  	s10 =	sld [smem:$0x3FB1];
	_ =	sdelay $0x3  }
0x36: {  	p1 =	seq.s32 s10, $0x1;
	s10 =	sld [smem:$0x3FB2];
	_ =	sdelay $0x3  }
0x37: {  	[smem:$0x3FB2] =	sst s10  }
0x38: {  	s10 =	sld [smem:$0x3FB3]  }
0x39: {  	_ = 	snop;
	(pc) =	sbr.ind lr, $3  }
0x3a: {  	_ = 	snop  }
0x3b: {  	_ = 	snop  }
0x3c: {  	p2 =	seq.s32 s10, $0x1;
	s10 =	sld [smem:$0x3FB2]  }
0x3d: {  	_ =	shalt  }
0x3e: {  	_ =	shalt  }
0x3f: {  	_ =	shalt  }
0x40: {  	_ =	shalt  }
0x41: {  	_ =	shalt  }
0x42: {  	_ =	shalt  }
0x43: {  	_ =	shalt  }
0x44: {  	_ =	shalt  }
0x45: {  	_ =	shalt  }
0x46: {  	_ =	shalt  }
0x47: {  	_ =	shalt  }
0x48: {  	_ =	shalt  }
0x49: {  	_ =	shalt  }
0x4a: {  	_ =	shalt  }
0x4b: {  	_ =	shalt  }
0x4c: {  	_ =	shalt  }
0x4d: {  	_ =	shalt  }
0x4e: {  	_ =	shalt  }
0x4f: {  	_ =	shalt  }
0x50: {  	_ =	shalt  }
0x51: {  	_ =	shalt  }
0x52: {  	_ =	shalt  }
0x53: {  	_ =	shalt  }
0x54: {  	_ =	shalt  }
0x55: {  	_ =	shalt  }
0x56: {  	_ =	shalt  }
0x57: {  	_ =	shalt  }
0x58: {  	_ =	shalt  }
0x59: {  	_ =	shalt  }
0x5a: {  	_ =	shalt  }
0x5b: {  	_ =	shalt  }
0x5c: {  	_ =	shalt  }
0x5d: {  	_ =	shalt  }
0x5e: {  	_ =	shalt  }
0x5f: {  	_ =	shalt  }
0x60: {  	_ =	shalt  }
0x61: {  	_ =	shalt  }
0x62: {  	_ =	shalt  }
0x63: {  	_ =	shalt  }
0x64: {  	_ =	shalt  }
0x65: {  	_ =	shalt  }
0x66: {  	_ =	shalt  }
0x67: {  	_ =	shalt  }
0x68: {  	_ =	shalt  }
0x69: {  	_ =	shalt  }
0x6a: {  	_ =	shalt  }
0x6b: {  	_ =	shalt  }
0x6c: {  	_ =	shalt  }
0x6d: {  	_ =	shalt  }
0x6e: {  	_ =	shalt  }
0x6f: {  	_ =	shalt  }
0x70: {  	_ =	shalt  }
0x71: {  	_ =	shalt  }
0x72: {  	_ =	shalt  }
0x73: {  	_ =	shalt  }
0x74: {  	_ =	shalt  }
0x75: {  	_ =	shalt  }
0x76: {  	_ =	shalt  }
0x77: {  	_ =	shalt  }
0x78: {  	_ =	shalt  }
0x79: {  	_ =	shalt  }
0x7a: {  	_ =	shalt  }
0x7b: {  	_ =	shalt  }
0x7c: {  	_ =	shalt  }
0x7d: {  	_ =	shalt  }
0x7e: {  	_ =	shalt  }
0x7f: {  	_ =	shalt  }
0x80: {  	_ =	shalt  }
0x81: {  	_ =	shalt  }
0x82: {  	_ =	shalt  }
0x83: {  	_ =	shalt  }
0x84: {  	_ =	shalt  }
0x85: {  	_ =	shalt  }
0x86: {  	_ =	shalt  }
0x87: {  	_ =	shalt  }
.Lfunc_end0:
.L_simem_size_0:
called_computation.2_lowered:
.L_overlay_start_0:
0x88: {  	s2 =	sld [smem:$0x3FD9]  }
0x89: {  	s3 =	sld [smem:$0x3FFE];
	_ =	sdelay $0x1  }
0x8a: {  	s1 =	srdreg.scid  }
0x8b: {  	s0 =	sand.u32 $0x1, s1  }
0x8c: {  	s15 =	sshll.u32 s0, $0xA;
	s2 =	sadd.s32 s3, s2  }
0x8d: {  	s2 =	sadd.s32 s2, s15  }
0x8e: {  	[smem:$0x3FBE] =	sst s2  }
0x8f: {  	_ = 	snop  }
0x90: {  	s2 =	sld [smem:$0x3FD0];
	_ =	sdelay $0x2  }
0x91: {  	s4 =	simm.s32 $0xA;
	s5 =	simm.s32 $0x10;
	s16 =	sld [smem:$0x3FC8]  }
0x92: {  	[smem:s5], [sflag:s4] =	dma.local [hbm:s2], $0x1  }
0x93: {  	_ =	swait.eq [sflag:s4], $0x1  }
0x94: {  	[sflag:s4] =	ssyncset.done $0x0  }
0x95: {  	[sflag:s4] =	ssyncadd.s32 $0xFFFFFFFF  }
0x96: {  	s17 =	sld [smem:$0x11];
	(tm) =	ssettm $0x1  }
0x97: {  	s18 =	sld [smem:$0x3FFB];
	_ =	sdelay $0x3  }
0x98: {  	_ =	strace s18  }
0x99: {  	s4 =	sld [smem:$0x3FFC];
	_ =	sdelay $0x3  }
0x9a: {  	_ =	strace s4  }
0x9b: {  	s4 =	sld [smem:$0x3FFD];
	_ =	sdelay $0x3  }
0x9c: {  	_ =	strace s4  }
0x9d: {  	_ =	strace $0x8FFFFFFF  }
0x9e: {  	s19 =	sld [smem:$0x3FDB];
	_ =	sdelay $0x1  }
0x9f: {  	s20 =	simm.s32 $_scs_section_size  }
0xa0: {  	s6 =	simm.s32 $_size__tile_overlayer_lowered;
	s7 =	simm.s32 $_tile_overlayer_lowered  }
0xa1: {  	s23 =	simm.s32 $0x1BFF;
	s22 =	sshll.u32 s7, $0x1;
	s4 =	sadd.s32 s20, s19  }
0xa2: {  	s8 =	simm.s32 $0x0;
	s21 =	sshll.u32 s6, $0x1;
	s6 =	sadd.s32 s22, s4  }
0xa3: {  	[timem:s8], [sflag:s23] =	dma.local [hbm:s6], s21  }
0xa4: {  	_ =	swait.ge [sflag:s23], s21  }
0xa5: {  	s5 =	ssub.s32 $0x0, s21;
	[sflag:s23] =	ssyncset.done $0x0  }
0xa6: {  	[sflag:s23] =	ssyncadd.s32 s5;
	_ =	sdelay $0x1  }
0xa7: {  	s24 =	simm.s32 $0x1B8B  }
0xa8: {  	_ =	swait.ge [sflag:s24], $0x1  }
0xa9: {  	[sflag:s24] =	ssyncset.done $0x0  }
0xaa: {  	s25 =	simm.s32 $0x1B8E;
	[sflag:s24] =	ssyncadd.s32 $0xFFFFFFFF  }
0xab: {  	s26 =	simm.s32 $execute0_lowered;
	[smem:$0x3FD2] =	sst s25  }
0xac: {  	s5 =	sshll.u32 s26, $0x1;
	_ =	strace $0x80000046;
	[dreg:$0x1] =	wrdreg $0xFFFFFFFF  }
0xad: {  	s28 =	simm.s32 $_size_execute0_lowered;
	s4 =	sadd.s32 s4, s5;
	[dreg:$0x0] =	wrdreg $0x0  }
0xae: {  	s5 =	sshll.u32 s28, $0x1;
	[dreg:$0x2] =	wrdreg s4  }
0xaf: {  	[dreg:$0x3] =	wrdreg s5  }
0xb0: {  	[dreg:$0x4] =	wrdreg $0xC0  }
0xb1: {  	_ =	task [dreg:s8], $0x5FFFF  }
0xb2: {  	[dreg:$0x1] =	wrdreg $0xFFFFFFFF  }
0xb3: {  	[dreg:$0x0] =	wrdreg $0x60  }
0xb4: {  	[dreg:$0x2] =	wrdreg s16  }
0xb5: {  	[dreg:$0x3] =	wrdreg s17  }
0xb6: {  	[dreg:$0x4] =	wrdreg $0x9  }
0xb7: {  	_ =	task.clear_ibuf [dreg:s8], $0x5FFFF;
	_ =	strace $0x90000046  }
0xb8: {  	s29 =	simm.s32 $0x9;
	_ =	strace $0x80000048  }
0xb9: {  	_ =	swait.ge [sflag:s29], $0x1  }
0xba: {  	[sflag:s29] =	ssyncadd.s32 $0xFFFFFFFF  }
0xbb: {  	_ =	strace $0x90000048  }
0xbc: {  	_ =	sfence  }
0xbd: {  	s30 =	sld [smem:$0x0];
	_ =	sdelay $0x2  }
0xbe: {  	s31 =	sshll.u32 s1, $0xD;
	s1 =	sshrl.u32 s1, $0x2  }
0xbf: {  	s3 =	sand.u32 $0x4000, s31;
	s1 =	sadd.s32 s1, s30  }
0xc0: {  	s0 =	sor.u32 s3, s0;
	s1 =	sshll.u32 s1, $0x11  }
0xc1: {  	s0 =	sor.u32 s1, s0  }
0xc2: {  	s0 =	sadd.s32 $0x8F2B, s0  }
0xc3: {  	[sflag:s0] =	ssyncadd.remote.s32 $0x1  }
0xc4: {  	_ =	sfence.sel $0xFFFF  }
0xc5: {  	[dreg:$0x0] =	wrdreg $0xFFFFFFFF;
	(pc) =	sbr.abs _section_cstart, $3  }
0xc6: {  	[dreg:$0x1] =	wrdreg $0xFFFFFFFF  }
0xc7: {  	_ =	task.clear_ibuf [dreg:s8], $0x2FFFF;
	_ =	strace $0x9FFFFFFF  }
0xc8: {  	(tm) =	ssettm $0x7FFFFFFF  }
0xc9: {  	_ =	shalt  }
tec
execute0_lowered:
.L_overlay_start_1:
0x0: {  	(tag) =	ssettag $0x1  }
0x1: {  	v3 =	vlaneseq.u32  }
0x2: {  	s5 =	rddreg [dreg:$0x0];
	v12 =	vmul.u32 $0x1B, v3  }
0x3: {  	s0 =	srdreg.scid;
	s7 =	rddreg [dreg:$0x1];
	s2 =	simm.s32 $0x0  }
0x4: {  	s1 =	stileid.u32;
	s11 =	simm.s32 $0x80;
	s12 =	simm.s32 $0x200;
	v1 =	vadd.s32 $0x1, v12  }
0x5: {  	v0 =	vimm.s32 $0xFFFFFFFF;
	s13 =	simm.s32 $0x1;
	s14 =	simm.s32 $0x2000;
	s15 =	simm.s32 $0x4000;
	[tilespmem:$0x1FF70] =	vst v1;
	v1 =	vadd.s32 $0x2, v12  }
0x6: {  	s16 =	simm.s32 $0x6000;
	s17 =	simm.s32 $0xE000;
	[smem:$0x7FF] =	sst s2;
	v19 =	vadd.s32 $0x4, v12;
	v9 =	vadd.s32 $0x6, v12;
	[tilespmem:$0x1FF80] =	vst v1;
	v1 =	vadd.s32 $0x3, v12  }
0x7: {  	s3 =	sand.u32 $0x1, s0;
	s0 =	rddreg [dreg:$0x2];
	v55 =	vadd.s32 $0x7, v12;
	v11 =	vadd.s32 $0x8, v12;
	v10 =	vadd.s32 $0x19, v12;
	_ =	strace $0x80000047;
	[tilespmem:$0x1FF90] =	vst v1  }
0x8: {  	s18 =	simm.s32 $0x0;
	s30 =	sshll.u32 s1, $0x1;
	s4 =	ssub.s32 $0x2, s3;
	v15 =	vadd.s32 $0x9, v12;
	v20 =	vadd.s32 $0xC, v12;
	v54 =	vadd.s32 $0xD, v12;
	[tilespmem:$0x1FFE0] =	vst v10  }
0x9: {  	s31 =	sshll.u32 s1, $0xB;
	s9 =	sshll.u32 s3, $0xA;
	s6 =	sshrl.u32 s4, $0x1;
	v56 =	vadd.s32 $0xE, v12;
	v23 =	vadd.s32 $0xF, v12;
	v1 =	vadd.s32 $0x5, v12;
	[tilespmem:$0x1FFF0] =	vst v19  }
0xa: {  	v24 =	vadd.s32 $0x10, v12;
	v28 =	vadd.s32 $0x11, v12;
	s8 =	ssub.s32 s4, s6;
	s4 =	sor.u32 s3, s30;
	s3 =	sadd.s32 $0x10, s5;
	[tilespmem:$0x1FFA0] =	vst v1;
	v1 =	vadd.s32 $0xA, v12  }
0xb: {  	v14 =	vadd.s32 $0x12, v12;
	v16 =	vadd.s32 $0x14, v12;
	s6 =	sor.u32 s9, s31;
	s10 =	smul.u32 $0x360, s4;
	s4 =	sadd.s32 $0x20, s5;
	[tilespmem:$0x1FFB0] =	vst v1;
	v1 =	vadd.s32 $0xB, v12  }
0xc: {  	v21 =	vadd.s32 $0x15, v12;
	v17 =	vadd.s32 $0x16, v12;
	s5 =	sadd.s32 $0x30, s5;
	s6 =	sshrl.u32 s6, $0x2;
	s8 =	smax.u32 s8, $0x1;
	[tilespmem:$0x1FFC0] =	vst v1;
	v1 =	vadd.s32 $0x13, v12  }
0xd: {  	v26 =	vadd.s32 $0x17, v12;
	v25 =	vadd.s32 $0x18, v12;
	v22 =	vadd.s32 $0x1A, v12;
	s9 =	sor.u32 $0x2000, s6;
	s7 =	sadd.s32 s7, s10;
	s10 =	sor.u32 $0x4000, s6;
	[tilespmem:$0x1FFD0] =	vst v1  }
.LBB2_1:
0xe: {  	[tilespmem:s2], [sflag:$0x1] =	stream.strided.gather [hbm4b:s3+s11], $0x2000, s12, s11, $0x38;
	[tilespmem:$0xFB00] =	vst v63  }
0xf: {  	_ =	swait.ge [sflag:s13], $0x2000  }
0x10: {  	[sflag:s13] =	ssyncset.done $0x0  }
0x11: {  	[sflag:s13] =	ssyncadd.s32 $0xFFFFE000  }
0x12: {  	[tilespmem:s14], [sflag:$0x1] =	stream.strided.gather [hbm4b:s4+s11], $0x2000, s12, s11, $0x38;
	[tilespmem:$0xFB00] =	vst v63  }
0x13: {  	_ =	swait.ge [sflag:s13], $0x2000  }
0x14: {  	[sflag:s13] =	ssyncset.done $0x0  }
0x15: {  	[sflag:s13] =	ssyncadd.s32 $0xFFFFE000  }
0x16: {  	[tilespmem:s15], [sflag:$0x1] =	stream.strided.gather [hbm4b:s5+s11], $0x2000, s12, s11, $0x38;
	[tilespmem:$0xFB00] =	vst v63  }
0x17: {  	_ =	swait.ge [sflag:s13], $0x2000  }
0x18: {  	[sflag:s13] =	ssyncset.done $0x0  }
0x19: {  	s19 =	simm.s32 $0x0;
	[sflag:s13] =	ssyncadd.s32 $0xFFFFE000  }
.LBB2_2:
0x1a: {  	p0 =	sne.s32 s19, $0x1FFC0  }
.Ltmp0:
0x1b: {  	_ = 	snop;
	(pc) =	sbr.rel @p0 .LBB2_2-.Ltmp0, $3  }
0x1c: {  	_ =	sdelay $0x1  }
0x1d: {  	s20 =	sshra.s32 s19, $0x2  }
0x1e: {  	s19 =	sadd.s32 $0x40, s19;
	[tilespmem:s20+$0x6000] =	vst v0  }
0x1f: {  	s19 =	simm.s32 $0x0  }
0x20: {  	s20 =	simm.s32 $0x2000;
	v0 =	vld [tilespmem:s19+$0x0]  }
0x21: {  	v1 =	vld [tilespmem:s20+$0x0]  }
0x22: {  	s20 =	simm.s32 $0x4000  }
0x23: {  	v2 =	vld [tilespmem:s20+$0x0];
	_ =	sdelay $0x2  }
0x24: {  	v0 =	vshll.u32 v0, $0xA;
	v1 =	vshll.u32 v1, $0x5  }
0x25: {  	v0 =	vadd.s32 v0, v1  }
0x26: {  	v0 =	vadd.s32 v2, v0;
	_ =	sdelay $0x3  }
0x27: {  	v1 =	vor.u32 s19, v3  }
0x28: {  	s21 =	simm.s32 $0x10;
	[tilespmem:v0+s16+$0x0] =	vst.idx.msk $0xffff, v1  }
0x29: {  	s22 =	simm.s32 $0x2010;
	v0 =	vld [tilespmem:s21+$0x0]  }
0x2a: {  	s23 =	simm.s32 $0x20;
	s24 =	simm.s32 $0x10;
	v1 =	vld [tilespmem:s22+$0x0]  }
.LBB2_4:
0x2b: {  	p0 =	sne.s32 s23, $0x1FF0;
	s20 =	sadd.s32 $0x10, s20  }
0x2c: {  	v2 =	vld [tilespmem:s20+$0x0];
	_ =	sdelay $0x2  }
0x2d: {  	v0 =	vshll.u32 v0, $0xA;
	v1 =	vshll.u32 v1, $0x5  }
0x2e: {  	v0 =	vadd.s32 v0, v1  }
0x2f: {  	v0 =	vadd.s32 v2, v0;
	_ =	sdelay $0x2  }
.Ltmp1:
0x30: {  	(pc) =	sbr.rel @p0 .LBB2_4-.Ltmp1, $4  }
0x31: {  	v1 =	vor.u32 s21, v3;
	s21 =	smov.u32 s23  }
0x32: {  	s24 =	sadd.s32 $0x10, s24;
	[tilespmem:v0+s16+$0x0] =	vst.idx.msk $0xffff, v1  }
0x33: {  	s22 =	sadd.s32 $0x10, s22;
	v0 =	vld [tilespmem:s24+$0x0]  }
0x34: {  	s23 =	sadd.s32 $0x10, s23;
	v1 =	vld [tilespmem:s22+$0x0]  }
0x35: {  	s20 =	sadd.s32 $0x10, s20  }
0x36: {  	v2 =	vld [tilespmem:s20+$0x0];
	_ =	sdelay $0x2  }
0x37: {  	v0 =	vshll.u32 v0, $0xA;
	v1 =	vshll.u32 v1, $0x5  }
0x38: {  	v0 =	vadd.s32 v0, v1  }
0x39: {  	v0 =	vadd.s32 v2, v0;
	_ =	sdelay $0x3  }
0x3a: {  	v1 =	vor.u32 s21, v3  }
0x3b: {  	[tilespmem:v0+s16+$0x0] =	vst.idx.msk $0xffff, v1  }
0x3c: {  	v35 =	vld [tilespmem:s6+$0x0]  }
0x3d: {  	v33 =	vld [tilespmem:s9+$0x0];
	_ =	sdelay $0x1  }
0x3e: {  	v29 =	vld [tilespmem:s10+$0x0];
	_ =	sdelay $0x1  }
0x3f: {  	v37 =	vshll.u32 v35, $0x5  }
0x40: {  	v36 =	vadd.s32 $0xFFFFFFFF, v33;
	v0 =	vadd.s32 $0xFFFFFFE0, v37  }
0x41: {  	v1 =	vadd.s32 v36, v0  }
0x42: {  	v31 =	vadd.s32 $0xFFFFFFFF, v29;
	v1 =	vshll.u32 v1, $0x5  }
0x43: {  	v2 =	vadd.s32 v31, v1  }
0x44: {  	vm0 =	vgt.s32 v2, $0x0  }
0x45: {  	v2 =	vnsel vm0, $0x0, v2  }
0x46: {  	v2 =	vmin.u32 v2, $0x7FFF;
	_ =	sdelay $0x2  }
0x47: {  	v3 =	vmov s19  }
0x48: {  	v3 =	vmul.u32 $0x1B, v3  }
0x49: {  	v2 =	vld.idx.msk [tilespmem:v2+s16+$0x0], $0xffff  }
0x4a: {  	v30 =	vbroadcast v3, $0x0;
	v4 =	vadd.s32 v29, v1  }
0x4b: {  	v3 =	vadd.s32 $0xFFFFFFFF, v35;
	vm9 =	vgt.s32 v4, $0x0  }
0x4c: {  	v6 =	vadd.s32 v12, v30;
	v5 =	vor.u32 v3, v36;
	v4 =	vnsel vm9, $0x0, v4  }
0x4d: {  	v7 =	vor.u32 v31, v5;
	v4 =	vmin.u32 v4, $0x7FFF  }
0x4e: {  	vm10 =	vlt.u32 v7, $0x20;
	vm1 =	vgt.s32 v2, $0xFFFFFFFF  }
0x4f: {  	vm0 =	vmand vm1, vm10  }
0x50: {  	v34 =	vld [tilespmem:$0x1FF70];
	v2 =	vnsel vm0, $0x2000, v2  }
0x51: {  	[tilespmem:v6+s17+$0x0] =	vst.idx.msk $0xffff, v2  }
0x52: {  	v32 =	vadd.s32 $0x1, v29;
	v2 =	vld.idx.msk [tilespmem:v4+s16+$0x0], $0xffff  }
0x53: {  	v1 =	vadd.s32 v32, v1  }
0x54: {  	vm11 =	vgt.s32 v1, $0x0  }
0x55: {  	v1 =	vnsel vm11, $0x0, v1;
	v4 =	vadd.s32 v34, v30  }
0x56: {  	v38 =	vor.u32 v29, v5;
	v1 =	vmin.u32 v1, $0x7FFF  }
0x57: {  	vm12 =	vlt.u32 v38, $0x20;
	vm13 =	vgt.s32 v2, $0xFFFFFFFF  }
0x58: {  	vm0 =	vmand vm12, vm13  }
0x59: {  	v41 =	vld [tilespmem:$0x1FF80];
	v2 =	vnsel vm0, $0x2000, v2  }
0x5a: {  	v39 =	vadd.s32 v33, v0;
	[tilespmem:v4+s17+$0x0] =	vst.idx.msk $0xffff, v2  }
0x5b: {  	v2 =	vshll.u32 v39, $0x5;
	v1 =	vld.idx.msk [tilespmem:v1+s16+$0x0], $0xffff  }
0x5c: {  	v40 =	vadd.s32 v31, v2  }
0x5d: {  	vm14 =	vgt.s32 v40, $0x0  }
0x5e: {  	v6 =	vadd.s32 v41, v30;
	v4 =	vnsel vm14, $0x0, v40  }
0x5f: {  	v5 =	vor.u32 v32, v5;
	v4 =	vmin.u32 v4, $0x7FFF  }
0x60: {  	vm15 =	vlt.u32 v5, $0x20;
	vm4 =	vgt.s32 v1, $0xFFFFFFFF  }
0x61: {  	vm0 =	vmand vm15, vm4  }
0x62: {  	v44 =	vld [tilespmem:$0x1FF90];
	v1 =	vnsel vm0, $0x2000, v1  }
0x63: {  	[tilespmem:v6+s17+$0x0] =	vst.idx.msk $0xffff, v1  }
0x64: {  	v1 =	vld.idx.msk [tilespmem:v4+s16+$0x0], $0xffff  }
0x65: {  	v42 =	vadd.s32 v29, v2  }
0x66: {  	vm5 =	vgt.s32 v42, $0x0  }
0x67: {  	v43 =	vor.u32 v33, v3;
	v6 =	vadd.s32 v44, v30;
	v4 =	vnsel vm5, $0x0, v42  }
0x68: {  	v45 =	vor.u32 v43, v31;
	v4 =	vmin.u32 v4, $0x7FFF  }
0x69: {  	vm6 =	vlt.u32 v45, $0x20;
	vm7 =	vgt.s32 v1, $0xFFFFFFFF  }
0x6a: {  	vm0 =	vmand vm6, vm7  }
0x6b: {  	v1 =	vnsel vm0, $0x2000, v1  }
0x6c: {  	[tilespmem:v6+s17+$0x0] =	vst.idx.msk $0xffff, v1  }
0x6d: {  	v1 =	vld.idx.msk [tilespmem:v4+s16+$0x0], $0xffff  }
0x6e: {  	v2 =	vadd.s32 v32, v2  }
0x6f: {  	vm8 =	vgt.s32 v2, $0x0  }
0x70: {  	v46 =	vadd.s32 v19, v30;
	v2 =	vnsel vm8, $0x0, v2  }
0x71: {  	v47 =	vor.u32 v29, v43;
	v2 =	vmin.u32 v2, $0x7FFF  }
0x72: {  	vm9 =	vlt.u32 v47, $0x20;
	vm10 =	vgt.s32 v1, $0xFFFFFFFF  }
0x73: {  	vm0 =	vmand vm9, vm10  }
0x74: {  	v48 =	vld [tilespmem:$0x1FFA0];
	v34 =	vadd.s32 $0x1, v33;
	v1 =	vnsel vm0, $0x2000, v1  }
0x75: {  	v0 =	vadd.s32 v34, v0;
	[tilespmem:v46+s17+$0x0] =	vst.idx.msk $0xffff, v1  }
0x76: {  	v0 =	vshll.u32 v0, $0x5;
	v1 =	vld.idx.msk [tilespmem:v2+s16+$0x0], $0xffff  }
0x77: {  	v2 =	vadd.s32 v31, v0  }
0x78: {  	vm11 =	vgt.s32 v2, $0x0  }
0x79: {  	v4 =	vadd.s32 v48, v30;
	v2 =	vnsel vm11, $0x0, v2  }
0x7a: {  	v5 =	vor.u32 v43, v32;
	v2 =	vmin.u32 v2, $0x7FFF  }
0x7b: {  	vm12 =	vlt.u32 v5, $0x20;
	vm13 =	vgt.s32 v1, $0xFFFFFFFF  }
0x7c: {  	vm0 =	vmand vm12, vm13  }
0x7d: {  	v1 =	vnsel vm0, $0x2000, v1  }
0x7e: {  	[tilespmem:v4+s17+$0x0] =	vst.idx.msk $0xffff, v1  }
0x7f: {  	v1 =	vld.idx.msk [tilespmem:v2+s16+$0x0], $0xffff  }
0x80: {  	v2 =	vadd.s32 v29, v0  }
0x81: {  	vm14 =	vgt.s32 v2, $0x0  }
0x82: {  	v49 =	vadd.s32 v9, v30;
	v3 =	vor.u32 v3, v34;
	v2 =	vnsel vm14, $0x0, v2  }
0x83: {  	v50 =	vor.u32 v31, v3;
	v2 =	vmin.u32 v2, $0x7FFF  }
0x84: {  	vm15 =	vlt.u32 v50, $0x20;
	vm4 =	vgt.s32 v1, $0xFFFFFFFF  }
0x85: {  	vm0 =	vmand vm15, vm4  }
0x86: {  	v1 =	vnsel vm0, $0x2000, v1  }
0x87: {  	[tilespmem:v49+s17+$0x0] =	vst.idx.msk $0xffff, v1  }
0x88: {  	v1 =	vld.idx.msk [tilespmem:v2+s16+$0x0], $0xffff  }
0x89: {  	v0 =	vadd.s32 v32, v0  }
0x8a: {  	vm5 =	vgt.s32 v0, $0x0  }
0x8b: {  	v0 =	vnsel vm5, $0x0, v0;
	v2 =	vadd.s32 v55, v30  }
0x8c: {  	v51 =	vor.u32 v29, v3;
	v0 =	vmin.u32 v0, $0x7FFF  }
0x8d: {  	vm6 =	vlt.u32 v51, $0x20;
	vm7 =	vgt.s32 v1, $0xFFFFFFFF  }
0x8e: {  	vm0 =	vmand vm6, vm7  }
0x8f: {  	v1 =	vnsel vm0, $0x2000, v1  }
0x90: {  	v52 =	vadd.s32 v37, v36;
	[tilespmem:v2+s17+$0x0] =	vst.idx.msk $0xffff, v1  }
0x91: {  	v1 =	vshll.u32 v52, $0x5;
	v0 =	vld.idx.msk [tilespmem:v0+s16+$0x0], $0xffff  }
0x92: {  	v2 =	vadd.s32 v31, v1  }
0x93: {  	vm8 =	vgt.s32 v2, $0x0  }
0x94: {  	v53 =	vadd.s32 v11, v30;
	v2 =	vnsel vm8, $0x0, v2  }
0x95: {  	v3 =	vor.u32 v32, v3;
	v2 =	vmin.u32 v2, $0x7FFF  }
0x96: {  	vm9 =	vlt.u32 v3, $0x20;
	vm10 =	vgt.s32 v0, $0xFFFFFFFF  }
0x97: {  	vm0 =	vmand vm9, vm10  }
0x98: {  	v0 =	vnsel vm0, $0x2000, v0  }
0x99: {  	[tilespmem:v53+s17+$0x0] =	vst.idx.msk $0xffff, v0  }
0x9a: {  	v0 =	vld.idx.msk [tilespmem:v2+s16+$0x0], $0xffff  }
0x9b: {  	v2 =	vadd.s32 v29, v1  }
0x9c: {  	vm11 =	vgt.s32 v2, $0x0  }
0x9d: {  	v57 =	vadd.s32 v15, v30;
	v3 =	vor.u32 v35, v36;
	v2 =	vnsel vm11, $0x0, v2  }
0x9e: {  	v58 =	vor.u32 v31, v3;
	v2 =	vmin.u32 v2, $0x7FFF  }
0x9f: {  	vm12 =	vlt.u32 v58, $0x20;
	vm13 =	vgt.s32 v0, $0xFFFFFFFF  }
0xa0: {  	vm0 =	vmand vm12, vm13  }
0xa1: {  	v0 =	vnsel vm0, $0x2000, v0  }
0xa2: {  	[tilespmem:v57+s17+$0x0] =	vst.idx.msk $0xffff, v0  }
0xa3: {  	v0 =	vld.idx.msk [tilespmem:v2+s16+$0x0], $0xffff  }
0xa4: {  	v2 =	vld [tilespmem:$0x1FFB0];
	_ =	sdelay $0x2  }
0xa5: {  	v1 =	vadd.s32 v32, v1  }
0xa6: {  	vm14 =	vgt.s32 v1, $0x0  }
0xa7: {  	v1 =	vnsel vm14, $0x0, v1;
	v2 =	vadd.s32 v2, v30  }
0xa8: {  	v59 =	vor.u32 v29, v3;
	v1 =	vmin.u32 v1, $0x7FFF  }
0xa9: {  	vm15 =	vlt.u32 v59, $0x20;
	vm4 =	vgt.s32 v0, $0xFFFFFFFF  }
0xaa: {  	vm0 =	vmand vm15, vm4  }
0xab: {  	v61 =	vld [tilespmem:$0x1FFC0];
	v0 =	vnsel vm0, $0x2000, v0  }
0xac: {  	v60 =	vadd.s32 v33, v37;
	[tilespmem:v2+s17+$0x0] =	vst.idx.msk $0xffff, v0  }
0xad: {  	v0 =	vshll.u32 v60, $0x5;
	v1 =	vld.idx.msk [tilespmem:v1+s16+$0x0], $0xffff  }
0xae: {  	v2 =	vadd.s32 v31, v0  }
0xaf: {  	vm5 =	vgt.s32 v2, $0x0  }
0xb0: {  	v4 =	vadd.s32 v61, v30;
	v2 =	vnsel vm5, $0x0, v2  }
0xb1: {  	v3 =	vor.u32 v32, v3;
	v2 =	vmin.u32 v2, $0x7FFF  }
0xb2: {  	vm6 =	vlt.u32 v3, $0x20;
	vm7 =	vgt.s32 v1, $0xFFFFFFFF  }
0xb3: {  	vm0 =	vmand vm6, vm7  }
0xb4: {  	v1 =	vnsel vm0, $0x2000, v1  }
0xb5: {  	[tilespmem:v4+s17+$0x0] =	vst.idx.msk $0xffff, v1  }
0xb6: {  	v1 =	vld.idx.msk [tilespmem:v2+s16+$0x0], $0xffff  }
0xb7: {  	v2 =	vadd.s32 v29, v0  }
0xb8: {  	vm8 =	vgt.s32 v2, $0x0  }
0xb9: {  	v62 =	vadd.s32 v20, v30;
	v3 =	vor.u32 v35, v33;
	v2 =	vnsel vm8, $0x0, v2  }
0xba: {  	v63 =	vor.u32 v3, v31;
	v2 =	vmin.u32 v2, $0x7FFF  }
0xbb: {  	vm9 =	vlt.u32 v63, $0x20;
	vm10 =	vgt.s32 v1, $0xFFFFFFFF  }
0xbc: {  	vm0 =	vmand vm9, vm10  }
0xbd: {  	v1 =	vnsel vm0, $0x2000, v1  }
0xbe: {  	[tilespmem:v62+s17+$0x0] =	vst.idx.msk $0xffff, v1  }
0xbf: {  	v1 =	vld.idx.msk [tilespmem:v2+s16+$0x0], $0xffff  }
0xc0: {  	v0 =	vadd.s32 v32, v0  }
0xc1: {  	vm11 =	vgt.s32 v0, $0x0  }
0xc2: {  	v0 =	vnsel vm11, $0x0, v0;
	v2 =	vadd.s32 v54, v30  }
0xc3: {  	v38 =	vor.u32 v29, v3;
	v0 =	vmin.u32 v0, $0x7FFF  }
0xc4: {  	vm12 =	vlt.u32 v38, $0x20;
	vm13 =	vgt.s32 v1, $0xFFFFFFFF  }
0xc5: {  	vm0 =	vmand vm12, vm13  }
0xc6: {  	v1 =	vnsel vm0, $0x2000, v1  }
0xc7: {  	v39 =	vadd.s32 v37, v34;
	[tilespmem:v2+s17+$0x0] =	vst.idx.msk $0xffff, v1  }
0xc8: {  	v1 =	vshll.u32 v39, $0x5;
	v0 =	vld.idx.msk [tilespmem:v0+s16+$0x0], $0xffff  }
0xc9: {  	v2 =	vadd.s32 v31, v1  }
0xca: {  	vm14 =	vgt.s32 v2, $0x0  }
0xcb: {  	v40 =	vadd.s32 v56, v30;
	v2 =	vnsel vm14, $0x0, v2  }
0xcc: {  	v3 =	vor.u32 v3, v32;
	v2 =	vmin.u32 v2, $0x7FFF  }
0xcd: {  	vm15 =	vlt.u32 v3, $0x20;
	vm4 =	vgt.s32 v0, $0xFFFFFFFF  }
0xce: {  	vm0 =	vmand vm15, vm4  }
0xcf: {  	v0 =	vnsel vm0, $0x2000, v0  }
0xd0: {  	[tilespmem:v40+s17+$0x0] =	vst.idx.msk $0xffff, v0  }
0xd1: {  	v0 =	vld.idx.msk [tilespmem:v2+s16+$0x0], $0xffff  }
0xd2: {  	v2 =	vadd.s32 v29, v1  }
0xd3: {  	vm5 =	vgt.s32 v2, $0x0  }
0xd4: {  	v41 =	vadd.s32 v23, v30;
	v3 =	vor.u32 v35, v34;
	v2 =	vnsel vm5, $0x0, v2  }
0xd5: {  	v42 =	vor.u32 v31, v3;
	v2 =	vmin.u32 v2, $0x7FFF  }
0xd6: {  	vm6 =	vlt.u32 v42, $0x20;
	vm7 =	vgt.s32 v0, $0xFFFFFFFF  }
0xd7: {  	vm0 =	vmand vm6, vm7  }
0xd8: {  	v0 =	vnsel vm0, $0x2000, v0  }
0xd9: {  	[tilespmem:v41+s17+$0x0] =	vst.idx.msk $0xffff, v0  }
0xda: {  	v0 =	vld.idx.msk [tilespmem:v2+s16+$0x0], $0xffff  }
0xdb: {  	v1 =	vadd.s32 v32, v1  }
0xdc: {  	vm8 =	vgt.s32 v1, $0x0  }
0xdd: {  	v1 =	vnsel vm8, $0x0, v1;
	v2 =	vadd.s32 v24, v30  }
0xde: {  	v43 =	vor.u32 v29, v3;
	v1 =	vmin.u32 v1, $0x7FFF  }
0xdf: {  	vm9 =	vlt.u32 v43, $0x20;
	vm10 =	vgt.s32 v0, $0xFFFFFFFF  }
0xe0: {  	vm0 =	vmand vm9, vm10  }
0xe1: {  	v44 =	vadd.s32 $0x20, v37;
	v0 =	vnsel vm0, $0x2000, v0  }
0xe2: {  	v45 =	vadd.s32 v36, v44;
	[tilespmem:v2+s17+$0x0] =	vst.idx.msk $0xffff, v0  }
0xe3: {  	v0 =	vshll.u32 v45, $0x5;
	v1 =	vld.idx.msk [tilespmem:v1+s16+$0x0], $0xffff  }
0xe4: {  	v2 =	vadd.s32 v31, v0  }
0xe5: {  	vm11 =	vgt.s32 v2, $0x0  }
0xe6: {  	v46 =	vadd.s32 v28, v30;
	v2 =	vnsel vm11, $0x0, v2  }
0xe7: {  	v3 =	vor.u32 v32, v3;
	v2 =	vmin.u32 v2, $0x7FFF  }
0xe8: {  	vm12 =	vlt.u32 v3, $0x20;
	vm13 =	vgt.s32 v1, $0xFFFFFFFF  }
0xe9: {  	vm0 =	vmand vm12, vm13  }
0xea: {  	v1 =	vnsel vm0, $0x2000, v1  }
0xeb: {  	[tilespmem:v46+s17+$0x0] =	vst.idx.msk $0xffff, v1  }
0xec: {  	v1 =	vld.idx.msk [tilespmem:v2+s16+$0x0], $0xffff  }
0xed: {  	v2 =	vadd.s32 v29, v0  }
0xee: {  	v3 =	vadd.s32 $0x1, v35;
	vm14 =	vgt.s32 v2, $0x0  }
0xef: {  	v48 =	vadd.s32 v14, v30;
	v47 =	vor.u32 v3, v36;
	v2 =	vnsel vm14, $0x0, v2  }
0xf0: {  	v49 =	vor.u32 v31, v47;
	v2 =	vmin.u32 v2, $0x7FFF  }
0xf1: {  	vm15 =	vlt.u32 v49, $0x20;
	vm4 =	vgt.s32 v1, $0xFFFFFFFF  }
0xf2: {  	vm0 =	vmand vm15, vm4  }
0xf3: {  	v1 =	vnsel vm0, $0x2000, v1  }
0xf4: {  	[tilespmem:v48+s17+$0x0] =	vst.idx.msk $0xffff, v1  }
0xf5: {  	v1 =	vld.idx.msk [tilespmem:v2+s16+$0x0], $0xffff  }
0xf6: {  	v2 =	vld [tilespmem:$0x1FFD0];
	_ =	sdelay $0x2  }
0xf7: {  	v0 =	vadd.s32 v32, v0  }
0xf8: {  	vm5 =	vgt.s32 v0, $0x0  }
0xf9: {  	v0 =	vnsel vm5, $0x0, v0;
	v2 =	vadd.s32 v2, v30  }
0xfa: {  	v50 =	vor.u32 v29, v47;
	v0 =	vmin.u32 v0, $0x7FFF  }
0xfb: {  	vm6 =	vlt.u32 v50, $0x20;
	vm7 =	vgt.s32 v1, $0xFFFFFFFF  }
0xfc: {  	vm0 =	vmand vm6, vm7  }
0xfd: {  	v1 =	vnsel vm0, $0x2000, v1  }
0xfe: {  	v51 =	vadd.s32 v33, v44;
	[tilespmem:v2+s17+$0x0] =	vst.idx.msk $0xffff, v1  }
0xff: {  	v1 =	vshll.u32 v51, $0x5;
	v0 =	vld.idx.msk [tilespmem:v0+s16+$0x0], $0xffff  }
0x100: {  	v2 =	vadd.s32 v31, v1  }
0x101: {  	vm8 =	vgt.s32 v2, $0x0  }
0x102: {  	v52 =	vadd.s32 v16, v30;
	v2 =	vnsel vm8, $0x0, v2  }
0x103: {  	v5 =	vor.u32 v32, v47;
	v2 =	vmin.u32 v2, $0x7FFF  }
0x104: {  	vm9 =	vlt.u32 v5, $0x20;
	vm10 =	vgt.s32 v0, $0xFFFFFFFF  }
0x105: {  	vm0 =	vmand vm9, vm10  }
0x106: {  	v0 =	vnsel vm0, $0x2000, v0  }
0x107: {  	[tilespmem:v52+s17+$0x0] =	vst.idx.msk $0xffff, v0  }
0x108: {  	v0 =	vld.idx.msk [tilespmem:v2+s16+$0x0], $0xffff  }
0x109: {  	v2 =	vadd.s32 v29, v1  }
0x10a: {  	vm11 =	vgt.s32 v2, $0x0  }
0x10b: {  	v57 =	vadd.s32 v21, v30;
	v53 =	vor.u32 v33, v3;
	v2 =	vnsel vm11, $0x0, v2  }
0x10c: {  	v58 =	vor.u32 v53, v31;
	v2 =	vmin.u32 v2, $0x7FFF  }
0x10d: {  	vm12 =	vlt.u32 v58, $0x20;
	vm13 =	vgt.s32 v0, $0xFFFFFFFF  }
0x10e: {  	vm0 =	vmand vm12, vm13  }
0x10f: {  	v0 =	vnsel vm0, $0x2000, v0  }
0x110: {  	[tilespmem:v57+s17+$0x0] =	vst.idx.msk $0xffff, v0  }
0x111: {  	v0 =	vld.idx.msk [tilespmem:v2+s16+$0x0], $0xffff  }
0x112: {  	v1 =	vadd.s32 v32, v1  }
0x113: {  	vm14 =	vgt.s32 v1, $0x0  }
0x114: {  	v1 =	vnsel vm14, $0x0, v1;
	v2 =	vadd.s32 v17, v30  }
0x115: {  	v59 =	vor.u32 v29, v53;
	v1 =	vmin.u32 v1, $0x7FFF  }
0x116: {  	vm15 =	vlt.u32 v59, $0x20;
	vm4 =	vgt.s32 v0, $0xFFFFFFFF  }
0x117: {  	vm0 =	vmand vm15, vm4  }
0x118: {  	v0 =	vnsel vm0, $0x2000, v0  }
0x119: {  	v4 =	vadd.s32 v34, v44;
	[tilespmem:v2+s17+$0x0] =	vst.idx.msk $0xffff, v0  }
0x11a: {  	v0 =	vshll.u32 v4, $0x5;
	v1 =	vld.idx.msk [tilespmem:v1+s16+$0x0], $0xffff  }
0x11b: {  	v2 =	vadd.s32 v31, v0  }
0x11c: {  	vm5 =	vgt.s32 v2, $0x0  }
0x11d: {  	v60 =	vadd.s32 v26, v30;
	v2 =	vnsel vm5, $0x0, v2  }
0x11e: {  	v5 =	vor.u32 v53, v32;
	v2 =	vmin.u32 v2, $0x7FFF  }
0x11f: {  	vm6 =	vlt.u32 v5, $0x20;
	vm7 =	vgt.s32 v1, $0xFFFFFFFF  }
0x120: {  	vm0 =	vmand vm6, vm7  }
0x121: {  	v1 =	vnsel vm0, $0x2000, v1  }
0x122: {  	[tilespmem:v60+s17+$0x0] =	vst.idx.msk $0xffff, v1  }
0x123: {  	v1 =	vld.idx.msk [tilespmem:v2+s16+$0x0], $0xffff  }
0x124: {  	v2 =	vadd.s32 v29, v0  }
0x125: {  	vm8 =	vgt.s32 v2, $0x0  }
0x126: {  	v61 =	vadd.s32 v25, v30;
	v3 =	vor.u32 v3, v34;
	v2 =	vnsel vm8, $0x0, v2  }
0x127: {  	v62 =	vor.u32 v31, v3;
	v2 =	vmin.u32 v2, $0x7FFF  }
0x128: {  	vm9 =	vlt.u32 v62, $0x20;
	vm10 =	vgt.s32 v1, $0xFFFFFFFF  }
0x129: {  	vm0 =	vmand vm9, vm10  }
0x12a: {  	v1 =	vnsel vm0, $0x2000, v1  }
0x12b: {  	[tilespmem:v61+s17+$0x0] =	vst.idx.msk $0xffff, v1  }
0x12c: {  	v1 =	vld.idx.msk [tilespmem:v2+s16+$0x0], $0xffff  }
0x12d: {  	v0 =	vadd.s32 v32, v0  }
0x12e: {  	vm11 =	vgt.s32 v0, $0x0  }
0x12f: {  	v0 =	vnsel vm11, $0x0, v0;
	v2 =	vadd.s32 v10, v30  }
0x130: {  	v63 =	vor.u32 v29, v3;
	v0 =	vmin.u32 v0, $0x7FFF  }
0x131: {  	vm12 =	vlt.u32 v63, $0x20;
	vm13 =	vgt.s32 v1, $0xFFFFFFFF  }
0x132: {  	vm0 =	vmand vm12, vm13  }
0x133: {  	v1 =	vnsel vm0, $0x2000, v1  }
0x134: {  	[tilespmem:v2+s17+$0x0] =	vst.idx.msk $0xffff, v1  }
0x135: {  	v1 =	vld.idx.msk [tilespmem:v0+s16+$0x0], $0xffff;
	_ =	sdelay $0x3  }
0x136: {  	v0 =	vor.u32 v32, v3  }
0x137: {  	vm14 =	vlt.u32 v0, $0x20;
	vm15 =	vgt.s32 v1, $0xFFFFFFFF  }
0x138: {  	s22 =	smov.u32 s10;
	vm0 =	vmand vm14, vm15  }
0x139: {  	s20 =	smov.u32 s6;
	s19 =	simm.s32 $0x10;
	s21 =	smov.u32 s9;
	v0 =	vadd.s32 v22, v30;
	v1 =	vnsel vm0, $0x2000, v1  }
.LBB2_6:
0x13a: {  	_ =	sdelay $0x3  }
0x13b: {  	[tilespmem:v0+s17+$0x0] =	vst.idx.msk $0xffff, v1;
	s20 =	sadd.s32 $0x10, s20  }
0x13c: {  	s21 =	sadd.s32 $0x10, s21;
	v35 =	vld [tilespmem:s20+$0x0]  }
0x13d: {  	v33 =	vld [tilespmem:s21+$0x0]  }
0x13e: {  	s22 =	sadd.s32 $0x10, s22  }
0x13f: {  	v30 =	vld [tilespmem:s22+$0x0];
	_ =	sdelay $0x1  }
0x140: {  	v37 =	vshll.u32 v35, $0x5  }
0x141: {  	v36 =	vadd.s32 $0xFFFFFFFF, v33;
	v2 =	vadd.s32 $0xFFFFFFE0, v37  }
0x142: {  	v1 =	vadd.s32 v36, v2  }
0x143: {  	v34 =	vadd.s32 $0xFFFFFFFF, v30;
	v3 =	vshll.u32 v1, $0x5  }
0x144: {  	v0 =	vadd.s32 $0xFFFFFFFF, v35;
	v1 =	vadd.s32 v34, v3  }
0x145: {  	v42 =	vor.u32 v35, v33;
	v10 =	vadd.s32 $0x1, v33;
	vm0 =	vgt.s32 v1, $0x0  }
0x146: {  	v4 =	vor.u32 v0, v36;
	v43 =	vadd.s32 v33, v37;
	v7 =	vnsel vm0, $0x0, v1  }
0x147: {  	v39 =	vor.u32 v33, v0;
	v0 =	vor.u32 v0, v10;
	v7 =	vmin.u32 v7, $0x7FFF  }
0x148: {  	v62 =	vadd.s32 v37, v36;
	v6 =	vadd.s32 v33, v2;
	v1 =	vadd.s32 $0x1, v30  }
0x149: {  	v59 =	vor.u32 v34, v4;
	v5 =	vadd.s32 v30, v3;
	v3 =	vadd.s32 v1, v3  }
0x14a: {  	s23 =	smov.u32 s19;
	v27 =	vmovc v20;
	v2 =	vadd.s32 v10, v2;
	v20 =	vor.u32 v34, v0;
	vm10 =	vgt.s32 v3, $0x0  }
0x14b: {  	v63 =	vor.u32 v30, v0;
	v46 =	vnsel vm10, $0x0, v3;
	v3 =	vmov s23  }
0x14c: {  	v19 =	vmovc v23;
	v23 =	vmovc v11;
	v50 =	vshll.u32 v62, $0x5;
	v6 =	vshll.u32 v6, $0x5;
	v3 =	vmul.u32 $0x1B, v3;
	v11 =	vld.idx.msk [tilespmem:v7+s16+$0x0], $0xffff  }
0x14d: {  	v2 =	vshll.u32 v2, $0x5;
	vm2 =	vlt.u32 v59, $0x20;
	v8 =	vadd.s32 v34, v6  }
0x14e: {  	v53 =	vmovc v9;
	v9 =	vadd.s32 v30, v6;
	vm1 =	vgt.s32 v5, $0x0;
	v29 =	vbroadcast v3, $0x0  }
0x14f: {  	v49 =	vadd.s32 v30, v2;
	vm12 =	vgt.s32 v9, $0x0;
	v5 =	vnsel vm1, $0x0, v5  }
0x150: {  	v41 =	vnsel vm12, $0x0, v9;
	v9 =	vadd.s32 v34, v2;
	v48 =	vadd.s32 v12, v29  }
0x151: {  	v44 =	vor.u32 v1, v4;
	v6 =	vadd.s32 v1, v6;
	vm3 =	vgt.s32 v11, $0xFFFFFFFF  }
0x152: {  	v5 =	vmin.u32 v5, $0x7FFF;
	v2 =	vadd.s32 v1, v2;
	vm15 =	vmand vm3, vm2  }
0x153: {  	vm4 =	vgt.s32 v6, $0x0;
	vm5 =	vgt.s32 v2, $0x0;
	v61 =	vnsel vm15, $0x2000, v11  }
0x154: {  	v11 =	vnsel vm4, $0x0, v6;
	v6 =	vnsel vm5, $0x0, v2;
	v2 =	vadd.s32 v34, v50  }
0x155: {  	[tilespmem:v48+s17+$0x0] =	vst.idx.msk $0xffff, v61;
	v48 =	vor.u32 v30, v4;
	v4 =	vor.u32 v1, v0;
	v0 =	vld [tilespmem:$0x1FF70]  }
0x156: {  	v43 =	vshll.u32 v43, $0x5;
	vm14 =	vgt.s32 v49, $0x0;
	vm6 =	vgt.s32 v2, $0x0  }
0x157: {  	v7 =	vnsel vm14, $0x0, v49;
	v49 =	vld.idx.msk [tilespmem:v5+s16+$0x0], $0xffff;
	v5 =	vnsel vm6, $0x0, v2;
	v2 =	vadd.s32 v1, v50  }
0x158: {  	v59 =	vadd.s32 v30, v43;
	vm11 =	vgt.s32 v8, $0x0;
	vm8 =	vgt.s32 v2, $0x0  }
0x159: {  	v47 =	vnsel vm11, $0x0, v8;
	vm13 =	vgt.s32 v9, $0x0;
	v62 =	vnsel vm8, $0x0, v2  }
0x15a: {  	v2 =	vadd.s32 v34, v43;
	v43 =	vadd.s32 v1, v43;
	v52 =	vadd.s32 v0, v29  }
0x15b: {  	v9 =	vnsel vm13, $0x0, v9;
	v46 =	vmin.u32 v46, $0x7FFF;
	vm13 =	vgt.s32 v43, $0x0  }
0x15c: {  	vm9 =	vlt.u32 v48, $0x20;
	v0 =	vnsel vm13, $0x0, v43;
	vm10 =	vgt.s32 v49, $0xFFFFFFFF  }
0x15d: {  	vm11 =	vgt.s32 v2, $0x0;
	[tilespmem:$0x1FF10] =	vst v0;
	v0 =	vor.u32 v30, v42;
	vm0 =	vmand vm9, vm10  }
0x15e: {  	v32 =	vadd.s32 $0x1, v35;
	v61 =	vnsel vm11, $0x0, v2;
	[tilespmem:$0x1FF20] =	vst v0;
	v0 =	vld [tilespmem:$0x1FF80];
	v2 =	vnsel vm0, $0x2000, v49  }
0x15f: {  	v31 =	vor.u32 v32, v36;
	[tilespmem:v52+s17+$0x0] =	vst.idx.msk $0xffff, v2  }
0x160: {  	v45 =	vor.u32 v35, v36;
	v35 =	vor.u32 v35, v10;
	v2 =	vadd.s32 v37, v10;
	v46 =	vld.idx.msk [tilespmem:v46+s16+$0x0], $0xffff  }
0x161: {  	v60 =	vor.u32 v34, v45;
	v58 =	vor.u32 v30, v45;
	v43 =	vshll.u32 v2, $0x5  }
0x162: {  	v51 =	vadd.s32 v30, v50;
	v52 =	vor.u32 v1, v45;
	v48 =	vadd.s32 v34, v43  }
0x163: {  	v49 =	vadd.s32 v30, v43;
	v43 =	vadd.s32 v1, v43;
	v45 =	vadd.s32 v0, v29  }
0x164: {  	v50 =	vmin.u32 v47, $0x7FFF;
	v0 =	vor.u32 v30, v35;
	vm4 =	vgt.s32 v43, $0x0  }
0x165: {  	vm5 =	vlt.u32 v44, $0x20;
	[tilespmem:$0x1FF40] =	vst v0;
	v0 =	vnsel vm4, $0x0, v43;
	vm6 =	vgt.s32 v46, $0xFFFFFFFF  }
0x166: {  	[tilespmem:$0x1FF30] =	vst v0;
	v0 =	vor.u32 v34, v31;
	vm1 =	vmand vm5, vm6  }
0x167: {  	[tilespmem:$0x1FF50] =	vst v0;
	v0 =	vld [tilespmem:$0x1FF90];
	v46 =	vnsel vm1, $0x2000, v46  }
0x168: {  	[tilespmem:v45+s17+$0x0] =	vst.idx.msk $0xffff, v46  }
0x169: {  	v43 =	vld.idx.msk [tilespmem:v50+s16+$0x0], $0xffff  }
0x16a: {  	v38 =	vor.u32 v33, v32;
	v57 =	vor.u32 v42, v34;
	vm12 =	vgt.s32 v59, $0x0  }
0x16b: {  	v40 =	vor.u32 v39, v34;
	vm7 =	vgt.s32 v51, $0x0;
	v59 =	vnsel vm12, $0x0, v59  }
0x16c: {  	v3 =	vmovc v24;
	v24 =	vmovc v15;
	v15 =	vmov v12;
	v12 =	vadd.s32 $0x20, v37;
	v13 =	vadd.s32 v0, v29  }
0x16d: {  	v18 =	vmovc v17;
	v17 =	vmovc v14;
	v14 =	vmin.u32 v41, $0x7FFF;
	vm12 =	vlt.u32 v40, $0x20;
	v33 =	vadd.s32 v33, v12  }
0x16e: {  	v36 =	vadd.s32 v36, v12;
	v33 =	vshll.u32 v33, $0x5;
	vm13 =	vgt.s32 v43, $0xFFFFFFFF  }
0x16f: {  	v12 =	vadd.s32 v10, v12;
	v45 =	vadd.s32 v34, v33;
	vm0 =	vmand vm12, vm13  }
0x170: {  	v12 =	vshll.u32 v12, $0x5;
	vm9 =	vgt.s32 v45, $0x0;
	v43 =	vnsel vm0, $0x2000, v43  }
0x171: {  	v41 =	vnsel vm9, $0x0, v45;
	v45 =	vor.u32 v30, v31;
	[tilespmem:v13+s17+$0x0] =	vst.idx.msk $0xffff, v43;
	v43 =	vor.u32 v1, v31  }
0x172: {  	v31 =	vadd.s32 v30, v12;
	v13 =	vld.idx.msk [tilespmem:v14+s16+$0x0], $0xffff;
	v14 =	vadd.s32 v34, v12;
	v12 =	vadd.s32 v1, v12  }
0x173: {  	v51 =	vnsel vm7, $0x0, v51;
	v8 =	vor.u32 v30, v39;
	vm5 =	vgt.s32 v12, $0x0  }
0x174: {  	v40 =	vor.u32 v38, v34;
	v36 =	vshll.u32 v36, $0x5;
	v2 =	vnsel vm5, $0x0, v12  }
0x175: {  	v44 =	vadd.s32 v30, v36;
	v11 =	vmin.u32 v11, $0x7FFF;
	v47 =	vor.u32 v34, v35;
	[tilespmem:$0x1FF60] =	vst v2;
	v2 =	vld [tilespmem:$0x1FFF0]  }
0x176: {  	vm8 =	vgt.s32 v44, $0x0;
	v42 =	vor.u32 v42, v1;
	vm15 =	vgt.s32 v49, $0x0  }
0x177: {  	v37 =	vadd.s32 v30, v33;
	v10 =	vor.u32 v32, v10;
	v49 =	vnsel vm15, $0x0, v49  }
0x178: {  	v46 =	vnsel vm8, $0x0, v44;
	v44 =	vor.u32 v1, v35;
	v35 =	vadd.s32 v1, v36  }
0x179: {  	v50 =	vadd.s32 v34, v36;
	vm11 =	vgt.s32 v35, $0x0;
	vm15 =	vgt.s32 v14, $0x0  }
0x17a: {  	v36 =	vnsel vm11, $0x0, v35;
	v35 =	vnsel vm15, $0x0, v14;
	v14 =	vadd.s32 v2, v29  }
0x17b: {  	v32 =	vor.u32 v30, v10;
	vm6 =	vlt.u32 v8, $0x20;
	vm7 =	vgt.s32 v50, $0x0  }
0x17c: {  	v33 =	vadd.s32 v1, v33;
	v50 =	vnsel vm7, $0x0, v50;
	vm7 =	vgt.s32 v13, $0xFFFFFFFF  }
0x17d: {  	v12 =	vor.u32 v39, v1;
	v39 =	vor.u32 v30, v38;
	vm0 =	vmand vm6, vm7  }
0x17e: {  	v8 =	vld [tilespmem:$0x1FFA0];
	v38 =	vor.u32 v38, v1;
	v30 =	vor.u32 v1, v10;
	v1 =	vnsel vm0, $0x2000, v13  }
0x17f: {  	[tilespmem:v14+s17+$0x0] =	vst.idx.msk $0xffff, v1  }
0x180: {  	v1 =	vld.idx.msk [tilespmem:v11+s16+$0x0], $0xffff;
	_ =	sdelay $0x2  }
0x181: {  	v8 =	vadd.s32 v8, v29  }
0x182: {  	v9 =	vmin.u32 v9, $0x7FFF  }
0x183: {  	vm8 =	vlt.u32 v12, $0x20;
	vm9 =	vgt.s32 v1, $0xFFFFFFFF  }
0x184: {  	vm0 =	vmand vm8, vm9  }
0x185: {  	v1 =	vnsel vm0, $0x2000, v1  }
0x186: {  	[tilespmem:v8+s17+$0x0] =	vst.idx.msk $0xffff, v1  }
0x187: {  	v1 =	vld.idx.msk [tilespmem:v9+s16+$0x0], $0xffff;
	_ =	sdelay $0x2  }
0x188: {  	v8 =	vadd.s32 v53, v29  }
0x189: {  	v7 =	vmin.u32 v7, $0x7FFF;
	vm10 =	vgt.s32 v37, $0x0  }
0x18a: {  	v37 =	vnsel vm10, $0x0, v37;
	vm10 =	vlt.u32 v20, $0x20;
	vm11 =	vgt.s32 v1, $0xFFFFFFFF  }
0x18b: {  	vm0 =	vmand vm10, vm11  }
0x18c: {  	v1 =	vnsel vm0, $0x2000, v1  }
0x18d: {  	[tilespmem:v8+s17+$0x0] =	vst.idx.msk $0xffff, v1  }
0x18e: {  	v1 =	vld.idx.msk [tilespmem:v7+s16+$0x0], $0xffff;
	_ =	sdelay $0x2  }
0x18f: {  	v12 =	vmovc v15;
	v15 =	vmov v24;
	v24 =	vmov v3;
	v3 =	vadd.s32 v55, v29  }
0x190: {  	v6 =	vmin.u32 v6, $0x7FFF  }
0x191: {  	vm12 =	vlt.u32 v63, $0x20;
	vm13 =	vgt.s32 v1, $0xFFFFFFFF  }
0x192: {  	vm0 =	vmand vm12, vm13  }
0x193: {  	v1 =	vnsel vm0, $0x2000, v1  }
0x194: {  	[tilespmem:v3+s17+$0x0] =	vst.idx.msk $0xffff, v1  }
0x195: {  	v1 =	vld.idx.msk [tilespmem:v6+s16+$0x0], $0xffff;
	_ =	sdelay $0x1  }
0x196: {  	v11 =	vmov v23  }
0x197: {  	vm14 =	vgt.s32 v48, $0x0;
	v3 =	vadd.s32 v11, v29  }
0x198: {  	v5 =	vmin.u32 v5, $0x7FFF;
	v48 =	vnsel vm14, $0x0, v48;
	vm14 =	vgt.s32 v33, $0x0  }
0x199: {  	v33 =	vnsel vm14, $0x0, v33;
	vm14 =	vlt.u32 v4, $0x20;
	vm15 =	vgt.s32 v1, $0xFFFFFFFF  }
0x19a: {  	vm0 =	vmand vm14, vm15  }
0x19b: {  	v1 =	vnsel vm0, $0x2000, v1  }
0x19c: {  	[tilespmem:v3+s17+$0x0] =	vst.idx.msk $0xffff, v1  }
0x19d: {  	v1 =	vld.idx.msk [tilespmem:v5+s16+$0x0], $0xffff;
	_ =	sdelay $0x2  }
0x19e: {  	v0 =	vmov v16;
	v3 =	vadd.s32 v15, v29  }
0x19f: {  	vm4 =	vgt.s32 v31, $0x0;
	v13 =	vmov v0;
	v0 =	vmin.u32 v51, $0x7FFF  }
0x1a0: {  	v31 =	vnsel vm4, $0x0, v31;
	vm4 =	vlt.u32 v60, $0x20;
	vm5 =	vgt.s32 v1, $0xFFFFFFFF  }
0x1a1: {  	vm0 =	vmand vm4, vm5  }
0x1a2: {  	v16 =	vld [tilespmem:$0x1FFB0];
	v1 =	vnsel vm0, $0x2000, v1  }
0x1a3: {  	[tilespmem:v3+s17+$0x0] =	vst.idx.msk $0xffff, v1  }
0x1a4: {  	v0 =	vld.idx.msk [tilespmem:v0+s16+$0x0], $0xffff;
	_ =	sdelay $0x2  }
0x1a5: {  	v1 =	vadd.s32 v16, v29  }
0x1a6: {  	v3 =	vmin.u32 v62, $0x7FFF  }
0x1a7: {  	vm6 =	vlt.u32 v58, $0x20;
	vm7 =	vgt.s32 v0, $0xFFFFFFFF  }
0x1a8: {  	vm0 =	vmand vm6, vm7  }
0x1a9: {  	v2 =	vld [tilespmem:$0x1FFC0];
	v0 =	vnsel vm0, $0x2000, v0  }
0x1aa: {  	[tilespmem:v1+s17+$0x0] =	vst.idx.msk $0xffff, v0  }
0x1ab: {  	v0 =	vld.idx.msk [tilespmem:v3+s16+$0x0], $0xffff;
	_ =	sdelay $0x2  }
0x1ac: {  	v1 =	vadd.s32 v2, v29  }
0x1ad: {  	v3 =	vmin.u32 v61, $0x7FFF  }
0x1ae: {  	vm8 =	vlt.u32 v52, $0x20;
	vm9 =	vgt.s32 v0, $0xFFFFFFFF  }
0x1af: {  	vm0 =	vmand vm8, vm9  }
0x1b0: {  	v0 =	vnsel vm0, $0x2000, v0  }
0x1b1: {  	[tilespmem:v1+s17+$0x0] =	vst.idx.msk $0xffff, v0  }
0x1b2: {  	v0 =	vld.idx.msk [tilespmem:v3+s16+$0x0], $0xffff;
	_ =	sdelay $0x2  }
0x1b3: {  	v1 =	vadd.s32 v27, v29  }
0x1b4: {  	v2 =	vmin.u32 v59, $0x7FFF  }
0x1b5: {  	vm10 =	vlt.u32 v57, $0x20;
	vm11 =	vgt.s32 v0, $0xFFFFFFFF  }
0x1b6: {  	vm0 =	vmand vm10, vm11  }
0x1b7: {  	v0 =	vnsel vm0, $0x2000, v0  }
0x1b8: {  	[tilespmem:v1+s17+$0x0] =	vst.idx.msk $0xffff, v0  }
0x1b9: {  	v0 =	vld.idx.msk [tilespmem:v2+s16+$0x0], $0xffff  }
0x1ba: {  	v2 =	vld [tilespmem:$0x1FF10]  }
0x1bb: {  	v3 =	vld [tilespmem:$0x1FF20];
	_ =	sdelay $0x2  }
0x1bc: {  	v1 =	vadd.s32 v54, v29  }
0x1bd: {  	v2 =	vmin.u32 v2, $0x7FFF  }
0x1be: {  	vm12 =	vlt.u32 v3, $0x20;
	vm13 =	vgt.s32 v0, $0xFFFFFFFF  }
0x1bf: {  	vm0 =	vmand vm12, vm13  }
0x1c0: {  	v0 =	vnsel vm0, $0x2000, v0  }
0x1c1: {  	[tilespmem:v1+s17+$0x0] =	vst.idx.msk $0xffff, v0  }
0x1c2: {  	v0 =	vld.idx.msk [tilespmem:v2+s16+$0x0], $0xffff;
	_ =	sdelay $0x2  }
0x1c3: {  	v1 =	vadd.s32 v56, v29  }
0x1c4: {  	v2 =	vmin.u32 v48, $0x7FFF  }
0x1c5: {  	vm14 =	vlt.u32 v42, $0x20;
	vm15 =	vgt.s32 v0, $0xFFFFFFFF  }
0x1c6: {  	vm0 =	vmand vm14, vm15  }
0x1c7: {  	v0 =	vnsel vm0, $0x2000, v0  }
0x1c8: {  	[tilespmem:v1+s17+$0x0] =	vst.idx.msk $0xffff, v0  }
0x1c9: {  	v0 =	vld.idx.msk [tilespmem:v2+s16+$0x0], $0xffff;
	_ =	sdelay $0x2  }
0x1ca: {  	v1 =	vadd.s32 v19, v29  }
0x1cb: {  	v2 =	vmin.u32 v49, $0x7FFF  }
0x1cc: {  	vm4 =	vlt.u32 v47, $0x20;
	vm5 =	vgt.s32 v0, $0xFFFFFFFF  }
0x1cd: {  	vm0 =	vmand vm4, vm5  }
0x1ce: {  	v0 =	vnsel vm0, $0x2000, v0  }
0x1cf: {  	[tilespmem:v1+s17+$0x0] =	vst.idx.msk $0xffff, v0  }
0x1d0: {  	v0 =	vld.idx.msk [tilespmem:v2+s16+$0x0], $0xffff  }
0x1d1: {  	v2 =	vld [tilespmem:$0x1FF30]  }
0x1d2: {  	v3 =	vld [tilespmem:$0x1FF40];
	_ =	sdelay $0x2  }
0x1d3: {  	v1 =	vadd.s32 v24, v29  }
0x1d4: {  	v2 =	vmin.u32 v2, $0x7FFF  }
0x1d5: {  	vm6 =	vlt.u32 v3, $0x20;
	vm7 =	vgt.s32 v0, $0xFFFFFFFF  }
0x1d6: {  	vm0 =	vmand vm6, vm7  }
0x1d7: {  	v0 =	vnsel vm0, $0x2000, v0  }
0x1d8: {  	[tilespmem:v1+s17+$0x0] =	vst.idx.msk $0xffff, v0  }
0x1d9: {  	v0 =	vld.idx.msk [tilespmem:v2+s16+$0x0], $0xffff;
	_ =	sdelay $0x2  }
0x1da: {  	v1 =	vadd.s32 v28, v29  }
0x1db: {  	v2 =	vmin.u32 v50, $0x7FFF  }
0x1dc: {  	vm8 =	vlt.u32 v44, $0x20;
	vm9 =	vgt.s32 v0, $0xFFFFFFFF  }
0x1dd: {  	vm0 =	vmand vm8, vm9  }
0x1de: {  	v0 =	vnsel vm0, $0x2000, v0  }
0x1df: {  	v3 =	vld [tilespmem:$0x1FF50];
	[tilespmem:v1+s17+$0x0] =	vst.idx.msk $0xffff, v0  }
0x1e0: {  	v0 =	vld.idx.msk [tilespmem:v2+s16+$0x0], $0xffff;
	_ =	sdelay $0x1  }
0x1e1: {  	v14 =	vmov v17  }
0x1e2: {  	v1 =	vadd.s32 v14, v29  }
0x1e3: {  	v2 =	vmin.u32 v46, $0x7FFF  }
0x1e4: {  	vm10 =	vlt.u32 v3, $0x20;
	vm11 =	vgt.s32 v0, $0xFFFFFFFF  }
0x1e5: {  	vm0 =	vmand vm10, vm11  }
0x1e6: {  	v34 =	vor.u32 v34, v10;
	v10 =	vld [tilespmem:$0x1FFD0];
	v0 =	vnsel vm0, $0x2000, v0  }
0x1e7: {  	[tilespmem:v1+s17+$0x0] =	vst.idx.msk $0xffff, v0  }
0x1e8: {  	v0 =	vld.idx.msk [tilespmem:v2+s16+$0x0], $0xffff;
	_ =	sdelay $0x2  }
0x1e9: {  	v1 =	vadd.s32 v10, v29  }
0x1ea: {  	v2 =	vmin.u32 v36, $0x7FFF  }
0x1eb: {  	vm12 =	vlt.u32 v45, $0x20;
	vm13 =	vgt.s32 v0, $0xFFFFFFFF  }
0x1ec: {  	vm0 =	vmand vm12, vm13  }
0x1ed: {  	v0 =	vnsel vm0, $0x2000, v0  }
0x1ee: {  	[tilespmem:v1+s17+$0x0] =	vst.idx.msk $0xffff, v0  }
0x1ef: {  	v0 =	vld.idx.msk [tilespmem:v2+s16+$0x0], $0xffff;
	_ =	sdelay $0x2  }
0x1f0: {  	v1 =	vadd.s32 v13, v29  }
0x1f1: {  	v2 =	vmin.u32 v41, $0x7FFF  }
0x1f2: {  	vm14 =	vlt.u32 v43, $0x20;
	vm15 =	vgt.s32 v0, $0xFFFFFFFF  }
0x1f3: {  	vm0 =	vmand vm14, vm15  }
0x1f4: {  	v0 =	vnsel vm0, $0x2000, v0  }
0x1f5: {  	[tilespmem:v1+s17+$0x0] =	vst.idx.msk $0xffff, v0  }
0x1f6: {  	v0 =	vld.idx.msk [tilespmem:v2+s16+$0x0], $0xffff;
	_ =	sdelay $0x2  }
0x1f7: {  	v1 =	vadd.s32 v21, v29  }
0x1f8: {  	v2 =	vmin.u32 v37, $0x7FFF  }
0x1f9: {  	vm4 =	vlt.u32 v40, $0x20;
	vm5 =	vgt.s32 v0, $0xFFFFFFFF  }
0x1fa: {  	vm0 =	vmand vm4, vm5  }
0x1fb: {  	v0 =	vnsel vm0, $0x2000, v0  }
0x1fc: {  	[tilespmem:v1+s17+$0x0] =	vst.idx.msk $0xffff, v0  }
0x1fd: {  	v0 =	vld.idx.msk [tilespmem:v2+s16+$0x0], $0xffff;
	_ =	sdelay $0x2  }
0x1fe: {  	v1 =	vadd.s32 v18, v29  }
0x1ff: {  	v2 =	vmin.u32 v33, $0x7FFF  }
0x200: {  	vm6 =	vlt.u32 v39, $0x20;
	vm7 =	vgt.s32 v0, $0xFFFFFFFF  }
0x201: {  	vm0 =	vmand vm6, vm7  }
0x202: {  	v0 =	vnsel vm0, $0x2000, v0  }
0x203: {  	[tilespmem:v1+s17+$0x0] =	vst.idx.msk $0xffff, v0  }
0x204: {  	v0 =	vld.idx.msk [tilespmem:v2+s16+$0x0], $0xffff;
	_ =	sdelay $0x2  }
0x205: {  	v1 =	vadd.s32 v26, v29  }
0x206: {  	v2 =	vmin.u32 v35, $0x7FFF  }
0x207: {  	vm8 =	vlt.u32 v38, $0x20;
	vm9 =	vgt.s32 v0, $0xFFFFFFFF  }
0x208: {  	vm0 =	vmand vm8, vm9  }
0x209: {  	v0 =	vnsel vm0, $0x2000, v0  }
0x20a: {  	[tilespmem:v1+s17+$0x0] =	vst.idx.msk $0xffff, v0  }
0x20b: {  	v0 =	vld.idx.msk [tilespmem:v2+s16+$0x0], $0xffff;
	_ =	sdelay $0x2  }
0x20c: {  	v1 =	vadd.s32 v25, v29  }
0x20d: {  	v2 =	vmin.u32 v31, $0x7FFF  }
0x20e: {  	vm10 =	vlt.u32 v34, $0x20;
	vm11 =	vgt.s32 v0, $0xFFFFFFFF  }
0x20f: {  	vm0 =	vmand vm10, vm11  }
0x210: {  	v0 =	vnsel vm0, $0x2000, v0  }
0x211: {  	v10 =	vld [tilespmem:$0x1FFE0];
	[tilespmem:v1+s17+$0x0] =	vst.idx.msk $0xffff, v0  }
0x212: {  	v0 =	vld.idx.msk [tilespmem:v2+s16+$0x0], $0xffff  }
0x213: {  	v2 =	vld [tilespmem:$0x1FF60];
	_ =	sdelay $0x3  }
0x214: {  	v1 =	vadd.s32 v10, v29  }
0x215: {  	v2 =	vmin.u32 v2, $0x7FFF  }
0x216: {  	vm12 =	vlt.u32 v32, $0x20;
	vm13 =	vgt.s32 v0, $0xFFFFFFFF  }
0x217: {  	vm0 =	vmand vm12, vm13  }
0x218: {  	v0 =	vnsel vm0, $0x2000, v0  }
0x219: {  	[tilespmem:v1+s17+$0x0] =	vst.idx.msk $0xffff, v0  }
0x21a: {  	v1 =	vld.idx.msk [tilespmem:v2+s16+$0x0], $0xffff;
	_ =	sdelay $0x1  }
0x21b: {  	p0 =	sne.s32 s19, $0xF0  }
.Ltmp2:
0x21c: {  	_ = 	snop;
	(pc) =	sbr.rel @p0 .LBB2_6-.Ltmp2, $4  }
0x21d: {  	_ = 	snop  }
0x21e: {  	vm14 =	vlt.u32 v30, $0x20;
	vm15 =	vgt.s32 v1, $0xFFFFFFFF  }
0x21f: {  	v20 =	vmov v27;
	v17 =	vmov v18;
	vm0 =	vmand vm14, vm15  }
0x220: {  	s19 =	sadd.s32 $0x10, s19;
	v23 =	vmovc v19;
	v9 =	vmovc v53;
	v16 =	vmov v13;
	v0 =	vadd.s32 v22, v29;
	v1 =	vnsel vm0, $0x2000, v1  }
0x221: {  	_ =	sdelay $0x1  }
0x222: {  	s18 =	sadd.s32 $0x1, s18  }
0x223: {  	p0 =	sne.s32 s18, s8  }
.Ltmp3:
0x224: {  	[tilespmem:v0+s17+$0x0] =	vst.idx.msk $0xffff, v1;
	(pc) =	sbr.rel @p0 .LBB2_1-.Ltmp3, $4  }
0x225: {  	[hbm4b:s7+s2] =	stream.linear.scatter [tilespmem:s17], [sflag:$0x1], $0x1B00, $0x38;
	[tilespmem:$0xFB00] =	vst v63  }
0x226: {  	_ =	swait.ge [sflag:s13], $0x1B00  }
0x227: {  	[sflag:s13] =	ssyncset.done $0x0  }
0x228: {  	v3 =	vlaneseq.u32;
	v0 =	vimm.s32 $0xFFFFFFFF;
	v19 =	vld [tilespmem:$0x1FFF0];
	[sflag:s13] =	ssyncadd.s32 $0xFFFFE500  }
0x229: {  	_ =	sfence.sel $0x180000  }
0x22a: {  	[bflag:$0x0] =	sbarrier.arrive $0xFFFF  }
0x22b: {  	p0 =	sne.s32 s1, $0x0;
	_ =	strace $0x90000047  }
0x22c: {  	s0 =	sadd.s32 @!p0 $0x100000, s0;
	[bflag:$0x2] =	sbarrier.arrive $0xFFFF  }
0x22d: {  	[sflag:s0] =	ssyncadd.tile.s32 @!p0 $0x1;
	_ =	shalt  }
.Lfunc_end2:
_tile_overlayer_lowered:
.L_overlay_start_2:
0x22e: {  	(tag) =	ssettag $0x2  }
0x22f: {  	s0 =	rddreg [dreg:$0x0];
	s2 =	stileid.u32  }
0x230: {  	s1 =	rddreg [dreg:$0x1];
	p0 =	sne.s32 s2, $0x0  }
0x231: {  	s3 =	rddreg [dreg:$0x2];
	[bflag:$0x3] =	sbarrier.arrive $0xFFFF;
	s2 =	simm.s32 @!p0 $0x1C01  }
0x232: {  	[timem:s3], [sflag:s2] =	dma.local @!p0 [hbm:s0], s1  }
0x233: {  	s0 =	simm.s32 @!p0 $0x1  }
0x234: {  	_ =	swait.ge @!p0 [sflag:s0], s1  }
0x235: {  	s1 =	ssub.s32 @!p0 $0x0, s1;
	[sflag:s0] =	ssyncset.done @!p0 $0x0  }
0x236: {  	[sflag:s0] =	ssyncadd.s32 @!p0 s1  }
0x237: {  	[bflag:$0x3] =	sbarrier.arrive $0xFFFF  }
0x238: {  	_ =	shalt  }

// kernel: sparse-core-data-format-call.1.cloned.1.call-start
scs
called_computation.1_lowered:
.L_overlay_start_0:
0x0: {  	s1 =	sld [smem:$0x3FD9]  }
0x1: {  	s2 =	sld [smem:$0x3FFE];
	_ =	sdelay $0x1  }
0x2: {  	s3 =	srdreg.scid  }
0x3: {  	s0 =	sand.u32 $0x1, s3  }
0x4: {  	s17 =	sshll.u32 s0, $0xA;
	s1 =	sadd.s32 s2, s1  }
0x5: {  	s1 =	sadd.s32 s1, s17  }
0x6: {  	[smem:$0x3FBE] =	sst s1  }
0x7: {  	_ = 	snop  }
0x8: {  	(tm) =	ssettm $0x1  }
0x9: {  	s18 =	sld [smem:$0x3FFB];
	_ =	sdelay $0x3  }
0xa: {  	_ =	strace s18  }
0xb: {  	s1 =	sld [smem:$0x3FFC];
	_ =	sdelay $0x3  }
0xc: {  	_ =	strace s1  }
0xd: {  	s1 =	sld [smem:$0x3FFD];
	_ =	sdelay $0x3  }
0xe: {  	_ =	strace s1  }
0xf: {  	_ =	strace $0x8FFFFFFF  }
0x10: {  	s19 =	sld [smem:$0x3FDB];
	_ =	sdelay $0x1  }
0x11: {  	s20 =	simm.s32 $_scs_section_size  }
0x12: {  	s4 =	simm.s32 $_size__tile_overlayer_lowered;
	s5 =	simm.s32 $_tile_overlayer_lowered  }
0x13: {  	s23 =	simm.s32 $0x1BFF;
	s22 =	sshll.u32 s5, $0x1;
	s1 =	sadd.s32 s20, s19  }
0x14: {  	s6 =	simm.s32 $0x0;
	s21 =	sshll.u32 s4, $0x1;
	s4 =	sadd.s32 s22, s1  }
0x15: {  	[timem:s6], [sflag:s23] =	dma.local [hbm:s4], s21  }
0x16: {  	_ =	swait.ge [sflag:s23], s21  }
0x17: {  	s2 =	ssub.s32 $0x0, s21;
	[sflag:s23] =	ssyncset.done $0x0  }
0x18: {  	[sflag:s23] =	ssyncadd.s32 s2;
	_ =	sdelay $0x1  }
0x19: {  	s24 =	simm.s32 $0x1B8B  }
0x1a: {  	_ =	swait.ge [sflag:s24], $0x1  }
0x1b: {  	[sflag:s24] =	ssyncset.done $0x0  }
0x1c: {  	s26 =	simm.s32 $0x1B8E;
	s25 =	sld [smem:$0x3FFE];
	[sflag:s24] =	ssyncadd.s32 $0xFFFFFFFF  }
0x1d: {  	s27 =	simm.s32 $execute0_lowered;
	[smem:$0x3FD2] =	sst s26  }
0x1e: {  	s4 =	sshll.u32 s27, $0x1;
	_ =	strace $0x8000004F;
	[dreg:$0x1] =	wrdreg $0xFFFFFFFF  }
0x1f: {  	s28 =	simm.s32 $_size_execute0_lowered;
	s1 =	sadd.s32 s1, s4;
	[dreg:$0x0] =	wrdreg $0x0  }
0x20: {  	s4 =	sshll.u32 s28, $0x1;
	[dreg:$0x2] =	wrdreg s1  }
0x21: {  	[dreg:$0x3] =	wrdreg s4  }
0x22: {  	[dreg:$0x4] =	wrdreg $0xC0  }
0x23: {  	_ =	task [dreg:s6], $0x5FFFF  }
0x24: {  	[dreg:$0x1] =	wrdreg $0xFFFFFFFF  }
0x25: {  	[dreg:$0x0] =	wrdreg $0x60  }
0x26: {  	[dreg:$0x2] =	wrdreg s25  }
0x27: {  	[dreg:$0x3] =	wrdreg $0x9  }
0x28: {  	_ =	task.clear_ibuf [dreg:s6], $0x4FFFF;
	_ =	strace $0x9000004F  }
0x29: {  	s29 =	simm.s32 $0x9;
	_ =	strace $0x80000051  }
0x2a: {  	_ =	swait.ge [sflag:s29], $0x1  }
0x2b: {  	[sflag:s29] =	ssyncadd.s32 $0xFFFFFFFF  }
0x2c: {  	_ =	strace $0x90000051  }
0x2d: {  	_ =	sfence  }
0x2e: {  	s30 =	sld [smem:$0x0];
	_ =	sdelay $0x2  }
0x2f: {  	s31 =	sshll.u32 s3, $0xD;
	s3 =	sshrl.u32 s3, $0x2  }
0x30: {  	s2 =	sand.u32 $0x4000, s31;
	s1 =	sadd.s32 s3, s30  }
0x31: {  	s0 =	sor.u32 s2, s0;
	s1 =	sshll.u32 s1, $0x11  }
0x32: {  	s0 =	sor.u32 s1, s0  }
0x33: {  	s0 =	sadd.s32 $0x8F2B, s0  }
0x34: {  	[sflag:s0] =	ssyncadd.remote.s32 $0x1  }
0x35: {  	_ =	sfence.sel $0xFFFF  }
0x36: {  	[dreg:$0x0] =	wrdreg $0xFFFFFFFF;
	(pc) =	sbr.abs _section_cstart, $3  }
0x37: {  	[dreg:$0x1] =	wrdreg $0xFFFFFFFF  }
0x38: {  	_ =	task.clear_ibuf [dreg:s6], $0x2FFFF;
	_ =	strace $0x9FFFFFFF  }
0x39: {  	(tm) =	ssettm $0x7FFFFFFF  }
tec
execute0_lowered:
.L_overlay_start_1:
0x0: {  	(tag) =	ssettag $0x1  }
0x1: {  	s0 =	srdreg.scid  }
0x2: {  	s1 =	sshll.u32 s0, $0x4  }
0x3: {  	s0 =	stileid.u32;
	s1 =	sand.u32 $0x10, s1  }
0x4: {  	s1 =	sor.u32 s0, s1  }
0x5: {  	s6 =	rddreg [dreg:$0x0];
	s7 =	simm.s32 $0x2;
	s2 =	sshll.u32 s1, $0x7  }
0x6: {  	s13 =	simm.s32 $0x0;
	s8 =	simm.s32 $0x10000;
	s1 =	ssub.s32 $0x2000, s2  }
0x7: {  	s12 =	simm.s32 $0x0;
	s9 =	simm.s32 $0x0;
	s3 =	sand.u32 $0xF80, s1  }
0x8: {  	s11 =	simm.s32 $0x0;
	p0 =	sne.s32 s3, $0x0;
	s3 =	simm.s32 $0x1  }
.Ltmp0:
0x9: {  	s4 =	sshrl.u32 s1, $0xC;
	s3 =	simm.s32 @!p0 $0x0;
	(pc) =	sbr.rel .LBB1_1-.Ltmp0, $4  }
0xa: {  	s5 =	sadd.s32 $0x23800, s6;
	s1 =	rddreg [dreg:$0x1];
	s4 =	sadd.s32 s3, s4  }
0xb: {  	_ =	strace $0x80000050;
	s3 =	simm.s32 $0x1;
	s4 =	smul.u32 $0x36, s4  }
0xc: {  	s6 =	sadd.s32 $0x6E3800, s6;
	s10 =	smov.u32 s2;
	[sflag:s3] =	ssyncpa.u1 $0x0  }
0xd: {  	p0 =	por $0x0, $0x0;
	[sflag:s7] =	ssyncpa.u1 $0x0;
	s7 =	sor.u32 $0x1, s4  }
.LBB1_4:
0xe: {  	v5 =	vld [tilespmem:s16+$0xFFFFFFD0];
	[tilespmem:s17+$0x2040 ss:$0x81] =	vst.msk $0xffff, v3  }
0xf: {  	v58 =	vld [tilespmem:s16+$0xFFFFFFE0];
	[tilespmem:s17+$0x2850 ss:$0x81] =	vst.msk $0xffff, v4;
	s19 =	sshll.u32 s13, $0xD;
	s20 =	sshll.u32 s12, $0x3  }
0x10: {  	s18 =	sshra.s32 s18, $0x2;
	v59 =	vld [tilespmem:s16+$0xFFFFFFF0];
	[tilespmem:s17+$0x3060 ss:$0x81] =	vst.msk $0xffff, v2;
	s19 =	sand.u32 $0xFFFF0000, s19;
	s21 =	sand.u32 $0xFFFFFC00, s20  }
0x11: {  	[tilespmem:s17+$0x0 ss:$0x81] =	vst.msk $0xffff, v0;
	v60 =	vld [tilespmem:s16+$0x0];
	s15 =	sadd.s32 s18, s15;
	s25 =	sadd.s32 s21, s19  }
0x12: {  	v61 =	vld [tilespmem:s16+$0x10];
	[tilespmem:s15+$0x3870 ss:$0x81] =	vst.msk $0xffff, v1;
	s17 =	sshrl.u32 s25, $0xD  }
0x13: {  	v62 =	vld [tilespmem:s16+$0x20];
	s26 =	smulhi.u32 $0x97B43, s17;
	[tilespmem:s15+$0x810 ss:$0x81] =	vst.msk $0xffff, v5  }
0x14: {  	v63 =	vld [tilespmem:s16+$0xFFFFFFC0];
	s27 =	sand.u32 $0x78, s12;
	s28 =	sshll.u32 s13, $0x7;
	s29 =	sand.u32 $0x1C00, s20;
	[tilespmem:s15+$0x1020 ss:$0x81] =	vst.msk $0xffff, v58  }
0x15: {  	s13 =	sand.u32 $0x380, s28;
	s16 =	sor.u32 s27, s29;
	[tilespmem:s15+$0x1830 ss:$0x81] =	vst.msk $0xffff, v59;
	s18 =	smul.u32 $0x1B00, s26  }
0x16: {  	s13 =	sor.u32 s13, s16;
	[tilespmem:s15+$0x2040 ss:$0x81] =	vst.msk $0xffff, v60  }
0x17: {  	s31 =	sand.u32 $0x7, s12;
	s13 =	sshrl.u32 s13, $0x3;
	[tilespmem:s15+$0x2850 ss:$0x81] =	vst.msk $0xffff, v61;
	s30 =	ssub.s32 s17, s18  }
0x18: {  	s12 =	sshll.u32 s31, $0x12;
	[tilespmem:s15+$0x3060 ss:$0x81] =	vst.msk $0xffff, v62;
	s13 =	sadd.s32 s6, s13;
	s16 =	sshll.u32 s30, $0xA  }
0x19: {  	s12 =	sor.u32 $0x400, s12;
	[tilespmem:s15+$0x0 ss:$0x81] =	vst.msk $0xffff, v63;
	s13 =	sadd.s32 s16, s13  }
0x1a: {  	[hbm4b:s13+s12] =	stream.strided.scatter [tilespmem:s14], [sflag:$0x2], $0x4000, s8, s12, $0x20;
	[tilespmem:$0x10100] =	vst v63  }
.LBB1_5:
0x1b: {  	s14 =	sadd.s32 $0x80, s9  }
0x1c: {  	s12 =	sadd.s32 $0x1000, s10;
	s16 =	smov.u32 s10;
	p2 =	sgt.s32 s14, $0x1AFF  }
0x1d: {  	s16 =	smov.u32 @p2 s12  }
0x1e: {  	s14 =	simm.s32 @p2 $0x0;
	p2 =	sgt.s32 s16, $0x1FFF  }
0x1f: {  	s16 =	smov.u32 @p2 s2;
	p2 =	sne.s32 s11, s7  }
.Ltmp1:
0x20: {  	p1 =	slt.u32 s11, $0x2;
	(pc) =	sbr.rel @!p2 .LBB1_6-.Ltmp1, $4  }
0x21: {  	s15 =	simm.s32 @!p1 $0x2  }
0x22: {  	s13 =	smov.u32 s9;
	p0 =	por !p0, !p0;
	_ =	swait.ge @!p1 [sflag:s15], $0x4000  }
0x23: {  	s12 =	smov.u32 s10;
	[sflag:s15] =	ssyncset.done @!p1 $0x0;
	s9 =	smov.u32 s14  }
0x24: {  	s11 =	sadd.s32 $0x1, s11;
	[sflag:s15] =	ssyncadd.s32 @!p1 $0xFFFFC000;
	s10 =	smov.u32 s16  }
.LBB1_1:
0x25: {  	p1 =	sge.u32 s11, s4  }
0x26: {  	s14 =	sshrl.u32 @!p1 s10, $0x3  }
0x27: {  	s15 =	sshll.u32 @!p1 s9, $0x3;
	s14 =	smul.u32 @!p1 $0xD800, s14  }
0x28: {  	s16 =	sshll.u32 @!p1 s10, $0x7;
	s15 =	sand.u32 @!p1 $0xFFFFFC00, s15  }
0x29: {  	s14 =	sadd.s32 @!p1 s14, s15;
	s15 =	sand.u32 @!p1 $0x380, s16  }
0x2a: {  	s14 =	sor.u32 @!p1 s15, s14  }
0x2b: {  	s15 =	sshrl.u32 @!p1 s14, $0x8  }
0x2c: {  	s15 =	smulhi.u32 @!p1 $0x97B425F, s15;
	_ =	sdelay $0x1  }
0x2d: {  	s16 =	sand.u32 @!p1 $0x7F, s9;
	s17 =	smul.u32 @!p1 $0x1B00, s15  }
0x2e: {  	s31 =	sadd.s32 $0xFFFFFFFF, s11;
	s14 =	sor.u32 @!p1 s16, s14;
	s16 =	sxor.u32 @!p1 $0xFFFFFFFF, s11  }
0x2f: {  	s16 =	sshll.u32 @!p1 s16, $0xE;
	s15 =	sand.u32 @!p1 $0x1FFF, s15;
	s14 =	ssub.s32 @!p1 s14, s17  }
0x30: {  	s15 =	smul.u32 @!p1 $0x360, s15;
	s17 =	sshrl.u32 @!p1 s14, $0x3;
	s14 =	sand.u32 @!p1 $0x7, s14  }
0x31: {  	s16 =	sand.u32 @!p1 $0x4000, s16;
	s17 =	sadd.s32 @!p1 s5, s17;
	s14 =	sshll.u32 @!p1 s14, $0x12  }
0x32: {  	s15 =	sadd.s32 @!p1 s15, s17;
	s14 =	sor.u32 @!p1 $0x400, s14;
	s17 =	simm.s32 @!p1 $0xD800  }
0x33: {  	[tilespmem:s16], [sflag:$0x1] =	stream.strided.gather @!p1 [hbm4b:s15+s14], $0x4000, s17, s14, $0x38;
	[tilespmem:$0x10100] =	vst v63  }
0x34: {  	p1 =	sge.u32 s31, s4  }
.Ltmp2:
0x35: {  	_ = 	snop;
	(pc) =	sbr.rel @p1 .LBB1_5-.Ltmp2, $1  }
0x36: {  	_ =	sdelay $0x3  }
0x37: {  	s14 =	simm.s32 $0x1  }
0x38: {  	_ =	swait.ge [sflag:s3], $0x4000;
	s14 =	simm.s32 @!p0 $0x0  }
0x39: {  	[sflag:s3] =	ssyncset.done $0x0;
	s15 =	sshll.u32 s14, $0xE  }
0x3a: {  	[sflag:s3] =	ssyncadd.s32 $0xFFFFC000;
	s16 =	sor.u32 $0x40, s15  }
0x3b: {  	s14 =	smul.u32 $0x10200, s14;
	v0 =	vld [tilespmem:s16+$0x30]  }
0x3c: {  	v1 =	vld [tilespmem:s16+$0xFFFFFFD0]  }
0x3d: {  	s14 =	sshrl.u32 s14, $0x2;
	v5 =	vld [tilespmem:s16+$0xFFFFFFE0]  }
0x3e: {  	v6 =	vld [tilespmem:s16+$0xFFFFFFF0];
	s15 =	sor.u32 $0x8000, s14  }
0x3f: {  	s31 =	sand.u32 $0x1, s11;
	v3 =	vld [tilespmem:s16+$0x0];
	s17 =	sadd.s32 $0x0, s15  }
0x40: {  	v4 =	vld [tilespmem:s16+$0x10];
	s14 =	smul.u32 $0x10200, s31;
	[tilespmem:s17+$0x3870 ss:$0x81] =	vst.msk $0xffff, v0  }
0x41: {  	v2 =	vld [tilespmem:s16+$0x20];
	[tilespmem:s17+$0x810 ss:$0x81] =	vst.msk $0xffff, v1  }
0x42: {  	s14 =	sshrl.u32 s14, $0x2;
	v0 =	vld [tilespmem:s16+$0xFFFFFFC0];
	[tilespmem:s17+$0x1020 ss:$0x81] =	vst.msk $0xffff, v5;
	s16 =	sadd.s32 $0x80, s16  }
0x43: {  	s18 =	simm.s32 $0x4;
	s19 =	simm.s32 $0x8;
	s14 =	sor.u32 $0x8000, s14;
	[tilespmem:s17+$0x1830 ss:$0x81] =	vst.msk $0xffff, v6;
	v1 =	vld [tilespmem:s16+$0x30]  }
.LBB1_3:
0x44: {  	p1 =	sne.s32 s19, $0x1FC;
	v5 =	vld [tilespmem:s16+$0xFFFFFFD0];
	[tilespmem:s17+$0x2040 ss:$0x81] =	vst.msk $0xffff, v3  }
0x45: {  	v6 =	vld [tilespmem:s16+$0xFFFFFFE0];
	[tilespmem:s17+$0x2850 ss:$0x81] =	vst.msk $0xffff, v4  }
0x46: {  	s20 =	sshra.s32 s18, $0x2;
	s18 =	smov.u32 s19;
	v7 =	vld [tilespmem:s16+$0xFFFFFFF0];
	[tilespmem:s17+$0x3060 ss:$0x81] =	vst.msk $0xffff, v2  }
.Ltmp3:
0x47: {  	v3 =	vld [tilespmem:s16+$0x0];
	[tilespmem:s17+$0x0 ss:$0x81] =	vst.msk $0xffff, v0;
	s17 =	sadd.s32 s20, s15;
	(pc) =	sbr.rel @p1 .LBB1_3-.Ltmp3, $4  }
0x48: {  	v4 =	vld [tilespmem:s16+$0x10];
	[tilespmem:s17+$0x3870 ss:$0x81] =	vst.msk $0xffff, v1  }
0x49: {  	[tilespmem:s17+$0x810 ss:$0x81] =	vst.msk $0xffff, v5;
	v2 =	vld [tilespmem:s16+$0x20]  }
0x4a: {  	v0 =	vld [tilespmem:s16+$0xFFFFFFC0];
	[tilespmem:s17+$0x1020 ss:$0x81] =	vst.msk $0xffff, v6;
	s16 =	sadd.s32 $0x80, s16  }
0x4b: {  	s19 =	sadd.s32 $0x4, s19;
	v1 =	vld [tilespmem:s16+$0x30];
	[tilespmem:s17+$0x1830 ss:$0x81] =	vst.msk $0xffff, v7  }
.Ltmp4:
0x4c: {  	_ = 	snop;
	(pc) =	sbr.rel .LBB1_4-.Ltmp4, $1  }
0x4d: {  	_ =	sdelay $0x3  }
.LBB1_6:
0x4e: {  	_ =	sfence.sel $0x180000  }
0x4f: {  	s2 =	simm.s32 $0x1;
	[bflag:$0x0] =	sbarrier.arrive $0xFFFF  }
0x50: {  	s31 =	simm.s32 $0x2;
	[sflag:s2] =	ssyncpa.u1 $0x1  }
0x51: {  	[sflag:s31] =	ssyncpa.u1 $0x1  }
0x52: {  	p0 =	sne.s32 s0, $0x0;
	_ =	strace $0x90000050  }
0x53: {  	s0 =	sadd.s32 @!p0 $0x100000, s1;
	[bflag:$0x2] =	sbarrier.arrive $0xFFFF  }
0x54: {  	[sflag:s0] =	ssyncadd.tile.s32 @!p0 $0x1;
	_ =	shalt  }
.Lfunc_end1:
_tile_overlayer_lowered:
.L_overlay_start_2:
0x55: {  	(tag) =	ssettag $0x2  }
0x56: {  	s0 =	rddreg [dreg:$0x0];
	s2 =	stileid.u32  }
0x57: {  	s1 =	rddreg [dreg:$0x1];
	p0 =	sne.s32 s2, $0x0  }
0x58: {  	s3 =	rddreg [dreg:$0x2];
	[bflag:$0x3] =	sbarrier.arrive $0xFFFF;
	s2 =	simm.s32 @!p0 $0x1C01  }
0x59: {  	[timem:s3], [sflag:s2] =	dma.local @!p0 [hbm:s0], s1  }
0x5a: {  	s0 =	simm.s32 @!p0 $0x1  }
0x5b: {  	_ =	swait.ge @!p0 [sflag:s0], s1  }
0x5c: {  	s1 =	ssub.s32 @!p0 $0x0, s1;
	[sflag:s0] =	ssyncset.done @!p0 $0x0  }
0x5d: {  	[sflag:s0] =	ssyncadd.s32 @!p0 s1  }
0x5e: {  	[bflag:$0x3] =	sbarrier.arrive $0xFFFF  }
0x5f: {  	_ =	shalt  }

// kernel: sparse-core-data-format-call.cloned.1.call-start
scs
called_computation_lowered:
.L_overlay_start_0:
0x0: {  	s1 =	sld [smem:$0x3FD9]  }
0x1: {  	s2 =	sld [smem:$0x3FFE];
	_ =	sdelay $0x1  }
0x2: {  	s3 =	srdreg.scid  }
0x3: {  	s0 =	sand.u32 $0x1, s3  }
0x4: {  	s17 =	sshll.u32 s0, $0xA;
	s1 =	sadd.s32 s2, s1  }
0x5: {  	s1 =	sadd.s32 s1, s17  }
0x6: {  	[smem:$0x3FBE] =	sst s1  }
0x7: {  	_ = 	snop  }
0x8: {  	(tm) =	ssettm $0x1  }
0x9: {  	s18 =	sld [smem:$0x3FFB];
	_ =	sdelay $0x3  }
0xa: {  	_ =	strace s18  }
0xb: {  	s1 =	sld [smem:$0x3FFC];
	_ =	sdelay $0x3  }
0xc: {  	_ =	strace s1  }
0xd: {  	s1 =	sld [smem:$0x3FFD];
	_ =	sdelay $0x3  }
0xe: {  	_ =	strace s1  }
0xf: {  	_ =	strace $0x8FFFFFFF  }
0x10: {  	s19 =	sld [smem:$0x3FDB];
	_ =	sdelay $0x1  }
0x11: {  	s20 =	simm.s32 $_scs_section_size  }
0x12: {  	s4 =	simm.s32 $_size__tile_overlayer_lowered;
	s5 =	simm.s32 $_tile_overlayer_lowered  }
0x13: {  	s23 =	simm.s32 $0x1BFF;
	s22 =	sshll.u32 s5, $0x1;
	s1 =	sadd.s32 s20, s19  }
0x14: {  	s6 =	simm.s32 $0x0;
	s21 =	sshll.u32 s4, $0x1;
	s4 =	sadd.s32 s22, s1  }
0x15: {  	[timem:s6], [sflag:s23] =	dma.local [hbm:s4], s21  }
0x16: {  	_ =	swait.ge [sflag:s23], s21  }
0x17: {  	s2 =	ssub.s32 $0x0, s21;
	[sflag:s23] =	ssyncset.done $0x0  }
0x18: {  	[sflag:s23] =	ssyncadd.s32 s2;
	_ =	sdelay $0x1  }
0x19: {  	s24 =	simm.s32 $0x1B8B  }
0x1a: {  	_ =	swait.ge [sflag:s24], $0x1  }
0x1b: {  	[sflag:s24] =	ssyncset.done $0x0  }
0x1c: {  	s26 =	simm.s32 $0x1B8E;
	s25 =	sld [smem:$0x3FFE];
	[sflag:s24] =	ssyncadd.s32 $0xFFFFFFFF  }
0x1d: {  	s27 =	simm.s32 $execute0_lowered;
	[smem:$0x3FD2] =	sst s26  }
0x1e: {  	s4 =	sshll.u32 s27, $0x1;
	_ =	strace $0x80000052;
	[dreg:$0x1] =	wrdreg $0xFFFFFFFF  }
0x1f: {  	s28 =	simm.s32 $_size_execute0_lowered;
	s1 =	sadd.s32 s1, s4;
	[dreg:$0x0] =	wrdreg $0x0  }
0x20: {  	s4 =	sshll.u32 s28, $0x1;
	[dreg:$0x2] =	wrdreg s1  }
0x21: {  	[dreg:$0x3] =	wrdreg s4  }
0x22: {  	[dreg:$0x4] =	wrdreg $0xC0  }
0x23: {  	_ =	task [dreg:s6], $0x5FFFF  }
0x24: {  	[dreg:$0x1] =	wrdreg $0xFFFFFFFF  }
0x25: {  	[dreg:$0x0] =	wrdreg $0x60  }
0x26: {  	[dreg:$0x2] =	wrdreg s25  }
0x27: {  	[dreg:$0x3] =	wrdreg $0x9  }
0x28: {  	_ =	task.clear_ibuf [dreg:s6], $0x4FFFF;
	_ =	strace $0x90000052  }
0x29: {  	s29 =	simm.s32 $0x9;
	_ =	strace $0x80000054  }
0x2a: {  	_ =	swait.ge [sflag:s29], $0x1  }
0x2b: {  	[sflag:s29] =	ssyncadd.s32 $0xFFFFFFFF  }
0x2c: {  	_ =	strace $0x90000054  }
0x2d: {  	_ =	sfence  }
0x2e: {  	s30 =	sld [smem:$0x0];
	_ =	sdelay $0x2  }
0x2f: {  	s31 =	sshll.u32 s3, $0xD;
	s3 =	sshrl.u32 s3, $0x2  }
0x30: {  	s2 =	sand.u32 $0x4000, s31;
	s1 =	sadd.s32 s3, s30  }
0x31: {  	s0 =	sor.u32 s2, s0;
	s1 =	sshll.u32 s1, $0x11  }
0x32: {  	s0 =	sor.u32 s1, s0  }
0x33: {  	s0 =	sadd.s32 $0x8F2B, s0  }
0x34: {  	[sflag:s0] =	ssyncadd.remote.s32 $0x1  }
0x35: {  	_ =	sfence.sel $0xFFFF  }
0x36: {  	[dreg:$0x0] =	wrdreg $0xFFFFFFFF;
	(pc) =	sbr.abs _section_cstart, $3  }
0x37: {  	[dreg:$0x1] =	wrdreg $0xFFFFFFFF  }
0x38: {  	_ =	task.clear_ibuf [dreg:s6], $0x2FFFF;
	_ =	strace $0x9FFFFFFF  }
0x39: {  	(tm) =	ssettm $0x7FFFFFFF  }
tec
execute0_lowered:
.L_overlay_start_1:
0x0: {  	(tag) =	ssettag $0x1  }
0x1: {  	s0 =	srdreg.scid  }
0x2: {  	s1 =	sshll.u32 s0, $0x4  }
0x3: {  	s0 =	stileid.u32;
	s1 =	sand.u32 $0x10, s1  }
0x4: {  	s1 =	sor.u32 s0, s1  }
0x5: {  	s6 =	rddreg [dreg:$0x0];
	s7 =	simm.s32 $0x2;
	s2 =	sshll.u32 s1, $0x7  }
0x6: {  	s13 =	simm.s32 $0x0;
	s8 =	simm.s32 $0x1B000;
	s1 =	ssub.s32 $0x2000, s2  }
0x7: {  	s12 =	simm.s32 $0x0;
	s10 =	simm.s32 $0x0;
	s3 =	sand.u32 $0xF80, s1  }
0x8: {  	s11 =	simm.s32 $0x0;
	p0 =	sne.s32 s3, $0x0;
	s3 =	simm.s32 $0x1  }
.Ltmp0:
0x9: {  	s4 =	sshrl.u32 s1, $0xC;
	s3 =	simm.s32 @!p0 $0x0;
	(pc) =	sbr.rel .LBB1_1-.Ltmp0, $4  }
0xa: {  	s5 =	sadd.s32 $0x23800, s6;
	s1 =	rddreg [dreg:$0x1];
	s4 =	sadd.s32 s3, s4  }
0xb: {  	_ =	strace $0x80000053;
	s3 =	simm.s32 $0x1;
	s4 =	smul.u32 $0x6C, s4  }
0xc: {  	s6 =	sadd.s32 $0xDA3800, s6;
	s9 =	smov.u32 s2;
	[sflag:s3] =	ssyncpa.u1 $0x0  }
0xd: {  	p0 =	por $0x0, $0x0;
	[sflag:s7] =	ssyncpa.u1 $0x0;
	s7 =	sor.u32 $0x1, s4  }
.LBB1_4:
0xe: {  	s19 =	sshrl.u32 s13, $0x3  }
0xf: {  	s20 =	sshll.u32 s12, $0x3;
	s19 =	smul.u32 $0x1B000, s19  }
0x10: {  	v5 =	vld [tilespmem:s17+$0xFFFFFFD0];
	[tilespmem:s16+$0x2040 ss:$0x81] =	vst.msk $0xffff, v4;
	s26 =	sshll.u32 s13, $0x7;
	s20 =	sand.u32 $0xFFFFFC00, s20  }
0x11: {  	v58 =	vld [tilespmem:s17+$0xFFFFFFE0];
	[tilespmem:s16+$0x2850 ss:$0x81] =	vst.msk $0xffff, v3;
	s13 =	sand.u32 $0x380, s26;
	s19 =	sadd.s32 s20, s19  }
0x12: {  	s18 =	sshra.s32 s18, $0x2;
	v59 =	vld [tilespmem:s17+$0xFFFFFFF0];
	[tilespmem:s16+$0x3060 ss:$0x81] =	vst.msk $0xffff, v2;
	s13 =	sor.u32 s13, s19  }
0x13: {  	v60 =	vld [tilespmem:s17+$0x0];
	[tilespmem:s16+$0x0 ss:$0x81] =	vst.msk $0xffff, v0;
	s15 =	sadd.s32 s18, s15;
	s27 =	sshrl.u32 s13, $0x9  }
0x14: {  	v61 =	vld [tilespmem:s17+$0x10];
	[tilespmem:s15+$0x3870 ss:$0x81] =	vst.msk $0xffff, v1;
	s16 =	smulhi.u32 $0x97B425F, s27  }
0x15: {  	v62 =	vld [tilespmem:s17+$0x20];
	[tilespmem:s15+$0x810 ss:$0x81] =	vst.msk $0xffff, v5  }
0x16: {  	v63 =	vld [tilespmem:s17+$0xFFFFFFC0];
	s28 =	sand.u32 $0x7F, s12;
	[tilespmem:s15+$0x1020 ss:$0x81] =	vst.msk $0xffff, v58;
	s29 =	smul.u32 $0x3600, s16  }
0x17: {  	[tilespmem:s15+$0x1830 ss:$0x81] =	vst.msk $0xffff, v59;
	s12 =	sor.u32 s28, s13  }
0x18: {  	[tilespmem:s15+$0x2040 ss:$0x81] =	vst.msk $0xffff, v60;
	s30 =	sand.u32 $0x1FFF, s16;
	s12 =	ssub.s32 s12, s29  }
0x19: {  	[tilespmem:s15+$0x2850 ss:$0x81] =	vst.msk $0xffff, v61;
	s13 =	smul.u32 $0x6C0, s30;
	s31 =	sshrl.u32 s12, $0x3;
	s12 =	sand.u32 $0x7, s12  }
0x1a: {  	[tilespmem:s15+$0x3060 ss:$0x81] =	vst.msk $0xffff, v62;
	s16 =	sadd.s32 s6, s31;
	s12 =	sshll.u32 s12, $0x12  }
0x1b: {  	[tilespmem:s15+$0x0 ss:$0x81] =	vst.msk $0xffff, v63;
	s13 =	sadd.s32 s13, s16;
	s12 =	sor.u32 $0x400, s12  }
0x1c: {  	[hbm4b:s13+s12] =	stream.strided.scatter [tilespmem:s14], [sflag:$0x2], $0x4000, s8, s12, $0x20;
	[tilespmem:$0x10100] =	vst v63  }
.LBB1_5:
0x1d: {  	s14 =	sadd.s32 $0x1000, s9  }
0x1e: {  	s12 =	sadd.s32 $0x80, s10;
	s16 =	smov.u32 s10;
	p2 =	sgt.s32 s14, $0x1FFF  }
0x1f: {  	s16 =	smov.u32 @p2 s12  }
0x20: {  	s14 =	smov.u32 @p2 s2;
	p2 =	sgt.s32 s16, $0x35FF  }
0x21: {  	s16 =	simm.s32 @p2 $0x0;
	p2 =	sne.s32 s11, s7  }
.Ltmp1:
0x22: {  	p1 =	slt.u32 s11, $0x2;
	(pc) =	sbr.rel @!p2 .LBB1_6-.Ltmp1, $4  }
0x23: {  	s15 =	simm.s32 @!p1 $0x2  }
0x24: {  	s13 =	smov.u32 s9;
	p0 =	por !p0, !p0;
	_ =	swait.ge @!p1 [sflag:s15], $0x4000  }
0x25: {  	s12 =	smov.u32 s10;
	[sflag:s15] =	ssyncset.done @!p1 $0x0;
	s9 =	smov.u32 s14  }
0x26: {  	s11 =	sadd.s32 $0x1, s11;
	[sflag:s15] =	ssyncadd.s32 @!p1 $0xFFFFC000;
	s10 =	smov.u32 s16  }
.LBB1_1:
0x27: {  	p1 =	sge.u32 s11, s4  }
0x28: {  	s14 =	sshll.u32 @!p1 s10, $0xD  }
0x29: {  	s15 =	sshll.u32 @!p1 s9, $0x3;
	s14 =	sand.u32 @!p1 $0xFFFF0000, s14  }
0x2a: {  	s14 =	sadd.s32 @!p1 s14, s15  }
0x2b: {  	s14 =	sshrl.u32 @!p1 s14, $0xD  }
0x2c: {  	s16 =	sshll.u32 @!p1 s10, $0x7;
	s17 =	smulhi.u32 @!p1 $0x97B43, s14  }
0x2d: {  	s18 =	sand.u32 @!p1 $0x78, s9;
	s16 =	sand.u32 @!p1 $0x380, s16  }
0x2e: {  	s31 =	sadd.s32 $0xFFFFFFFF, s11;
	s16 =	sor.u32 @!p1 s16, s18;
	s17 =	sshrl.u32 @!p1 s17, $0x1  }
0x2f: {  	s18 =	sxor.u32 @!p1 $0xFFFFFFFF, s11;
	s15 =	sand.u32 @!p1 $0x1C00, s15;
	s17 =	smul.u32 @!p1 $0x3600, s17  }
0x30: {  	s18 =	sshll.u32 @!p1 s18, $0xE;
	s15 =	sor.u32 @!p1 s15, s16;
	s16 =	sand.u32 @!p1 $0x7, s9  }
0x31: {  	s18 =	sand.u32 @!p1 $0x4000, s18;
	s15 =	sshrl.u32 @!p1 s15, $0x3;
	s14 =	ssub.s32 @!p1 s14, s17  }
0x32: {  	s16 =	sshll.u32 @!p1 s16, $0x12;
	s15 =	sadd.s32 @!p1 s5, s15;
	s14 =	sshll.u32 @!p1 s14, $0xA  }
0x33: {  	s14 =	sadd.s32 @!p1 s14, s15;
	s15 =	sor.u32 @!p1 $0x400, s16;
	s16 =	simm.s32 @!p1 $0x10000  }
0x34: {  	[tilespmem:s18], [sflag:$0x1] =	stream.strided.gather @!p1 [hbm4b:s14+s15], $0x4000, s16, s15, $0x38;
	[tilespmem:$0x10100] =	vst v63  }
0x35: {  	p1 =	sge.u32 s31, s4  }
.Ltmp2:
0x36: {  	_ = 	snop;
	(pc) =	sbr.rel @p1 .LBB1_5-.Ltmp2, $1  }
0x37: {  	_ =	sdelay $0x3  }
0x38: {  	s14 =	simm.s32 $0x1  }
0x39: {  	_ =	swait.ge [sflag:s3], $0x4000;
	s14 =	simm.s32 @!p0 $0x0  }
0x3a: {  	[sflag:s3] =	ssyncset.done $0x0;
	s15 =	sshll.u32 s14, $0xE  }
0x3b: {  	[sflag:s3] =	ssyncadd.s32 $0xFFFFC000;
	s17 =	sor.u32 $0x40, s15  }
0x3c: {  	s14 =	smul.u32 $0x10200, s14;
	v0 =	vld [tilespmem:s17+$0x30]  }
0x3d: {  	v1 =	vld [tilespmem:s17+$0xFFFFFFD0]  }
0x3e: {  	s14 =	sshrl.u32 s14, $0x2;
	v5 =	vld [tilespmem:s17+$0xFFFFFFE0]  }
0x3f: {  	v6 =	vld [tilespmem:s17+$0xFFFFFFF0];
	s15 =	sor.u32 $0x8000, s14  }
0x40: {  	s31 =	sand.u32 $0x1, s11;
	v4 =	vld [tilespmem:s17+$0x0];
	s16 =	sadd.s32 $0x0, s15  }
0x41: {  	v3 =	vld [tilespmem:s17+$0x10];
	s14 =	smul.u32 $0x10200, s31;
	[tilespmem:s16+$0x3870 ss:$0x81] =	vst.msk $0xffff, v0  }
0x42: {  	v2 =	vld [tilespmem:s17+$0x20];
	[tilespmem:s16+$0x810 ss:$0x81] =	vst.msk $0xffff, v1  }
0x43: {  	s14 =	sshrl.u32 s14, $0x2;
	v0 =	vld [tilespmem:s17+$0xFFFFFFC0];
	[tilespmem:s16+$0x1020 ss:$0x81] =	vst.msk $0xffff, v5;
	s17 =	sadd.s32 $0x80, s17  }
0x44: {  	s18 =	simm.s32 $0x4;
	s19 =	simm.s32 $0x8;
	s14 =	sor.u32 $0x8000, s14;
	[tilespmem:s16+$0x1830 ss:$0x81] =	vst.msk $0xffff, v6;
	v1 =	vld [tilespmem:s17+$0x30]  }
.LBB1_3:
0x45: {  	p1 =	sne.s32 s19, $0x1FC;
	v5 =	vld [tilespmem:s17+$0xFFFFFFD0];
	[tilespmem:s16+$0x2040 ss:$0x81] =	vst.msk $0xffff, v4  }
0x46: {  	v6 =	vld [tilespmem:s17+$0xFFFFFFE0];
	[tilespmem:s16+$0x2850 ss:$0x81] =	vst.msk $0xffff, v3  }
0x47: {  	s20 =	sshra.s32 s18, $0x2;
	s18 =	smov.u32 s19;
	v7 =	vld [tilespmem:s17+$0xFFFFFFF0];
	[tilespmem:s16+$0x3060 ss:$0x81] =	vst.msk $0xffff, v2  }
.Ltmp3:
0x48: {  	v4 =	vld [tilespmem:s17+$0x0];
	[tilespmem:s16+$0x0 ss:$0x81] =	vst.msk $0xffff, v0;
	s16 =	sadd.s32 s20, s15;
	(pc) =	sbr.rel @p1 .LBB1_3-.Ltmp3, $4  }
0x49: {  	v3 =	vld [tilespmem:s17+$0x10];
	[tilespmem:s16+$0x3870 ss:$0x81] =	vst.msk $0xffff, v1  }
0x4a: {  	[tilespmem:s16+$0x810 ss:$0x81] =	vst.msk $0xffff, v5;
	v2 =	vld [tilespmem:s17+$0x20]  }
0x4b: {  	v0 =	vld [tilespmem:s17+$0xFFFFFFC0];
	[tilespmem:s16+$0x1020 ss:$0x81] =	vst.msk $0xffff, v6;
	s17 =	sadd.s32 $0x80, s17  }
0x4c: {  	s19 =	sadd.s32 $0x4, s19;
	v1 =	vld [tilespmem:s17+$0x30];
	[tilespmem:s16+$0x1830 ss:$0x81] =	vst.msk $0xffff, v7  }
.Ltmp4:
0x4d: {  	_ = 	snop;
	(pc) =	sbr.rel .LBB1_4-.Ltmp4, $1  }
0x4e: {  	_ =	sdelay $0x3  }
.LBB1_6:
0x4f: {  	_ =	sfence.sel $0x180000  }
0x50: {  	s2 =	simm.s32 $0x1;
	[bflag:$0x0] =	sbarrier.arrive $0xFFFF  }
0x51: {  	s31 =	simm.s32 $0x2;
	[sflag:s2] =	ssyncpa.u1 $0x1  }
0x52: {  	[sflag:s31] =	ssyncpa.u1 $0x1  }
0x53: {  	p0 =	sne.s32 s0, $0x0;
	_ =	strace $0x90000053  }
0x54: {  	s0 =	sadd.s32 @!p0 $0x100000, s1;
	[bflag:$0x2] =	sbarrier.arrive $0xFFFF  }
0x55: {  	[sflag:s0] =	ssyncadd.tile.s32 @!p0 $0x1;
	_ =	shalt  }
.Lfunc_end1:
_tile_overlayer_lowered:
.L_overlay_start_2:
0x56: {  	(tag) =	ssettag $0x2  }
0x57: {  	s0 =	rddreg [dreg:$0x0];
	s2 =	stileid.u32  }
0x58: {  	s1 =	rddreg [dreg:$0x1];
	p0 =	sne.s32 s2, $0x0  }
0x59: {  	s3 =	rddreg [dreg:$0x2];
	[bflag:$0x3] =	sbarrier.arrive $0xFFFF;
	s2 =	simm.s32 @!p0 $0x1C01  }
0x5a: {  	[timem:s3], [sflag:s2] =	dma.local @!p0 [hbm:s0], s1  }
0x5b: {  	s0 =	simm.s32 @!p0 $0x1  }
0x5c: {  	_ =	swait.ge @!p0 [sflag:s0], s1  }
0x5d: {  	s1 =	ssub.s32 @!p0 $0x0, s1;
	[sflag:s0] =	ssyncset.done @!p0 $0x0  }
0x5e: {  	[sflag:s0] =	ssyncadd.s32 @!p0 s1  }
0x5f: {  	[bflag:$0x3] =	sbarrier.arrive $0xFFFF  }
0x60: {  	_ =	shalt  }

</sc_bundles>
